<compile_context>
chip_gen: v7x
topology: tpu7x:2x2x1
jax: 0.10.2.dev20260603
libtpu: 0.0.44.dev20260713+nightly
codegen_flags: <defaults>
</compile_context>

<pallas_src>
import functools

import jax
import jax.numpy as jnp
from jax import lax
from jax.experimental import pallas as pl
from jax.experimental.pallas import tpu as pltpu
from jax.experimental.pallas import tpu_sc as plsc

N = 10000
E = 320000
IN_DIM = 128
NH = 8
FO = 16
DH = NH * FO
DT = DH + 16

NC = 2
NS = 16
NW = NC * NS
EPW = E // NW
CHUNK = 40
NCHUNK = EPW // CHUNK
NPAIR = NCHUNK // 2
NP = 10240
RPT = NP // NS

ROW_BLK = 2000
GRID = N // ROW_BLK


def _proj_body(x_ref, w144_ref, w16_ref, hext_ref, ud_ref):
    x = x_ref[...]
    hext_ref[...] = jnp.dot(x, w144_ref[...], preferred_element_type=jnp.float32)
    ud_ref[...] = jnp.dot(x, w16_ref[...], preferred_element_type=jnp.float32)


def _project(feature, w144, w16):
    return pl.pallas_call(
        _proj_body,
        grid=(GRID,),
        in_specs=[
            pl.BlockSpec((ROW_BLK, IN_DIM), lambda i: (i, 0)),
            pl.BlockSpec((IN_DIM, DT), lambda i: (0, 0)),
            pl.BlockSpec((IN_DIM, 16), lambda i: (0, 0)),
        ],
        out_specs=[
            pl.BlockSpec((ROW_BLK, DT), lambda i: (i, 0)),
            pl.BlockSpec((ROW_BLK, 16), lambda i: (i, 0)),
        ],
        out_shape=[
            jax.ShapeDtypeStruct((N, DT), jnp.float32),
            jax.ShapeDtypeStruct((N, 16), jnp.float32),
        ],
    )(feature, w144, w16)


def _sc_edges_body(hext_hbm, ud_hbm, src_hbm, dst_hbm, cvec_hbm, acc_hbm,
                   idxs_v, idxd_v, idxd_s, hrow_v, udr_v, msg_v, cv_v,
                   acc_sh, semi0, semi1, semg0, semg1, sems0, sems1,
                   semx0, semx1):
    cid = lax.axis_index("c")
    sid = lax.axis_index("s")
    wid = sid * NC + cid
    semi = (semi0, semi1)
    semg = (semg0, semg1)
    sems = (sems0, sems1)
    semx = (semx0, semx1)

    zero16 = jnp.zeros((16,), jnp.float32)

    def zrow(r, carry):
        for pp in range(2):
            for k in range(DT // 16):
                msg_v[pp, r, pl.ds(16 * k, 16)] = zero16
        return carry

    lax.fori_loop(0, CHUNK, zrow, 0)

    def zcopy(j, carry):
        pltpu.sync_copy(msg_v.at[0], acc_sh.at[pl.ds(sid * RPT + j * CHUNK, CHUNK)])
        return carry

    lax.fori_loop(0, RPT // CHUNK, zcopy, 0)
    plsc.subcore_barrier()

    pltpu.sync_copy(cvec_hbm, cv_v)
    cv = cv_v[...]

    def idx_start(x, p):
        base = wid * EPW + x * CHUNK
        pltpu.async_copy(src_hbm.at[pl.ds(base, CHUNK)], idxs_v.at[p], semi[p])
        pltpu.async_copy(dst_hbm.at[pl.ds(base, CHUNK)], idxd_v.at[p], semi[p])

    def idx_wait(p):
        pltpu.make_async_copy(src_hbm.at[pl.ds(0, CHUNK)], idxs_v.at[p], semi[p]).wait()
        pltpu.make_async_copy(dst_hbm.at[pl.ds(0, CHUNK)], idxd_v.at[p], semi[p]).wait()

    def gath_start(p):
        pltpu.async_copy(hext_hbm.at[idxs_v.at[p]], hrow_v.at[p], semg[p])
        pltpu.async_copy(ud_hbm.at[idxd_v.at[p]], udr_v.at[p], semg[p])

    def gath_wait(p):
        pltpu.make_async_copy(hext_hbm.at[idxs_v.at[p]], hrow_v.at[p], semg[p]).wait()
        pltpu.make_async_copy(ud_hbm.at[idxd_v.at[p]], udr_v.at[p], semg[p]).wait()

    def scatidx_start(x, p):
        base = wid * EPW + x * CHUNK
        pltpu.async_copy(dst_hbm.at[pl.ds(base, CHUNK)], idxd_s.at[p], semx[p])

    def scatidx_wait(p):
        pltpu.make_async_copy(dst_hbm.at[pl.ds(0, CHUNK)], idxd_s.at[p], semx[p]).wait()

    def scat_start(p):
        pltpu.async_copy(msg_v.at[p], acc_sh.at[idxd_s.at[p]], sems[p], add=True)

    def scat_wait(p):
        pltpu.make_async_copy(msg_v.at[p], acc_sh.at[idxd_s.at[p]], sems[p]).wait()

    lane = lax.iota(jnp.int32, 16)

    def compute(p):
        def edge2(j, ecarry):
            e0 = 2 * j
            e1 = e0 + 1
            sa = hrow_v[p, e0, pl.ds(DH, 16)] + udr_v[p, e0, :]
            sb = hrow_v[p, e1, pl.ds(DH, 16)] + udr_v[p, e1, :]
            la = jnp.maximum(sa, 0.2 * sa)
            lb = jnp.maximum(sb, 0.2 * sb)
            exa = jnp.exp(la - cv)
            exb = jnp.exp(lb - cv)
            for e, ex in ((e0, exa), (e1, exb)):
                msg_v[p, e, pl.ds(DH, 16)] = ex
                for k in range(NH):
                    onehot = (lane == k).astype(jnp.float32)
                    bk = jnp.full((16,), jnp.sum(ex * onehot))
                    msg_v[p, e, pl.ds(16 * k, 16)] = (
                        hrow_v[p, e, pl.ds(16 * k, 16)] * bk)
            return ecarry

        lax.fori_loop(0, CHUNK // 2, edge2, 0)

    def half(x, p, po):
        idx_wait(po)
        gath_start(po)
        gath_wait(p)
        scat_wait(p)
        scatidx_start(x, p)
        compute(p)
        scatidx_wait(p)
        scat_start(p)
        idx_start(jnp.minimum(x + 2, NCHUNK - 1), p)

    idx_start(0, 0)
    idx_wait(0)
    gath_start(0)
    idx_start(1, 1)
    scatidx_start(0, 0)
    scatidx_start(0, 1)
    scatidx_wait(0)
    scatidx_wait(1)
    scat_start(0)
    scat_start(1)

    def pair(i, carry):
        half(2 * i, 0, 1)
        half(2 * i + 1, 1, 0)
        return carry

    lax.fori_loop(0, NPAIR, pair, 0)
    idx_wait(1)
    gath_wait(0)
    scat_wait(0)
    scat_wait(1)
    plsc.subcore_barrier()

    pltpu.sync_copy(acc_sh.at[pl.ds(sid * RPT, RPT)],
                    acc_hbm.at[cid, pl.ds(sid * RPT, RPT)])


def _sc_edges(hext, ud, src, dst, cvec):
    fn = pl.kernel(
        _sc_edges_body,
        out_type=jax.ShapeDtypeStruct((NC, NP, DT), jnp.float32),
        mesh=plsc.VectorSubcoreMesh(core_axis_name="c", subcore_axis_name="s"),
        scratch_types=[
            pltpu.VMEM((2, CHUNK), jnp.int32),
            pltpu.VMEM((2, CHUNK), jnp.int32),
            pltpu.VMEM((2, CHUNK), jnp.int32),
            pltpu.VMEM((2, CHUNK, DT), jnp.float32),
            pltpu.VMEM((2, CHUNK, 16), jnp.float32),
            pltpu.VMEM((2, CHUNK, DT), jnp.float32),
            pltpu.VMEM((16,), jnp.float32),
            pltpu.VMEM_SHARED((NP, DT), jnp.float32),
            pltpu.SemaphoreType.DMA,
            pltpu.SemaphoreType.DMA,
            pltpu.SemaphoreType.DMA,
            pltpu.SemaphoreType.DMA,
            pltpu.SemaphoreType.DMA,
            pltpu.SemaphoreType.DMA,
            pltpu.SemaphoreType.DMA,
            pltpu.SemaphoreType.DMA,
        ],
        compiler_params=pltpu.CompilerParams(
            needs_layout_passes=False, use_tc_tiling_on_sc=False),
    )
    return fn(hext, ud, src, dst, cvec)


def _epi_body(a0_ref, a1_ref, f_ref, b_ref, e_ref, o_ref):
    s = a0_ref[0] + a1_ref[0]
    num = lax.slice(s, (0, 0), (ROW_BLK, DH))
    den = lax.slice(s, (0, DH), (ROW_BLK, DT))
    den_exp = jnp.dot(den, e_ref[...], preferred_element_type=jnp.float32)
    val = num / (den_exp + 1e-16) + b_ref[...]
    o_ref[...] = f_ref[...] + jnp.where(val > 0, val, jnp.exp(val) - 1.0)


def _epilogue(acc, feature, bias_row, eexp):
    return pl.pallas_call(
        _epi_body,
        grid=(GRID,),
        in_specs=[
            pl.BlockSpec((1, ROW_BLK, DT), lambda i: (0, i, 0)),
            pl.BlockSpec((1, ROW_BLK, DT), lambda i: (1, i, 0)),
            pl.BlockSpec((ROW_BLK, DH), lambda i: (i, 0)),
            pl.BlockSpec((1, DH), lambda i: (0, 0)),
            pl.BlockSpec((16, DH), lambda i: (0, 0)),
        ],
        out_specs=pl.BlockSpec((ROW_BLK, DH), lambda i: (i, 0)),
        out_shape=jax.ShapeDtypeStruct((N, DH), jnp.float32),
    )(acc, acc, feature, bias_row, eexp)


def kernel(feature, edge_index, W, a_src, a_dst, bias):
    Wr = W.reshape(IN_DIM, NH, FO)
    Ws = jnp.sum(Wr * a_src[None], axis=-1)
    Wd = jnp.sum(Wr * a_dst[None], axis=-1)
    pad8 = jnp.zeros((IN_DIM, 8), jnp.float32)
    w144 = jnp.concatenate([W, Ws, pad8], axis=1)
    w16 = jnp.concatenate([Wd, pad8], axis=1)

    hext, ud = _project(feature, w144, w16)

    cs = jnp.max(lax.slice(hext, (0, DH), (N, DH + NH)))
    cd = jnp.max(lax.slice(ud, (0, 0), (N, NH)))
    csum = cs + cd
    c = jnp.maximum(csum, 0.2 * csum)
    cvec = jnp.full((16,), c, jnp.float32)

    src = edge_index[0]
    dst = edge_index[1]
    acc = _sc_edges(hext, ud, src, dst, cvec)

    eexp = jnp.repeat(jnp.eye(NH, dtype=jnp.float32), FO, axis=1)
    eexp = jnp.concatenate([eexp, jnp.zeros((16 - NH, DH), jnp.float32)], axis=0)
    bias_row = bias.reshape(1, DH)
    return _epilogue(acc, feature, bias_row, eexp)

# --- scband reference (transcript-rebuilt; emitter-appended) ---
"""Pipeline reference for scband-gatlayer-47201690583090 (READ-ONLY COPY).

The authoritative reference and input builder live on the scoring server;
editing this copy changes nothing except your own understanding.
"""

import jax, jax.numpy as jnp
import numpy as np

N = 10000
E = 320000
IN_DIM = 128
H = 8
F_OUT = 16


def setup_inputs(seed: int = 0) -> dict:
    key = jax.random.key(seed)
    ks = jax.random.split(key, 6)
    feature = jax.random.normal(ks[0], (N, IN_DIM), dtype=jnp.float32)
    edge_index = jax.random.randint(ks[1], (2, E), 0, N, dtype=jnp.int32)
    W = jax.random.normal(ks[2], (IN_DIM, H * F_OUT), dtype=jnp.float32) * 0.1
    a_src = jax.random.normal(ks[3], (H, F_OUT), dtype=jnp.float32) * 0.1
    a_dst = jax.random.normal(ks[4], (H, F_OUT), dtype=jnp.float32) * 0.1
    bias = jnp.zeros((H * F_OUT,), dtype=jnp.float32)
    return {"feature": feature, "edge_index": edge_index, "W": W,
            "a_src": a_src, "a_dst": a_dst, "bias": bias}


def _gat_forward(feature, W, a_src, a_dst, bias, src, dst):
    # Linear projection to heads: [N, H, F]
    h = (feature @ W).reshape(N, H, F_OUT)
    # Per-node attention logits (GAT decomposition): [N, H]
    alpha_s = jnp.sum(h * a_src[None, :, :], axis=-1)
    alpha_d = jnp.sum(h * a_dst[None, :, :], axis=-1)
    # Per-edge raw attention: gather + add + leaky_relu -> [E, H]
    e = jax.nn.leaky_relu(alpha_s[src] + alpha_d[dst], negative_slope=0.2)
    # Segment softmax over incoming edges of each dst node
    e_max = jax.ops.segment_max(e, dst, num_segments=N)
    e_max = jnp.where(jnp.isfinite(e_max), e_max, 0.0)
    e_max = jax.lax.stop_gradient(e_max)
    ex = jnp.exp(e - e_max[dst])
    denom = jax.ops.segment_sum(ex, dst, num_segments=N)
    alpha = ex / (denom[dst] + 1e-16)
    # Weighted message aggregation (scatter-add): [N, H, F]
    msg = h[src] * alpha[:, :, None]
    out = jax.ops.segment_sum(msg, dst, num_segments=N)
    # Concat heads + bias
    out = out.reshape(N, H * F_OUT) + bias[None, :]
    # activation (ELU) then residual, matching GATLayer ordering
    out = jax.nn.elu(out)
    out = feature + out
    return out


def reference(feature, edge_index, W, a_src, a_dst, bias):
    src = edge_index[0]
    dst = edge_index[1]
    return _gat_forward(feature, W, a_src, a_dst, bias, src, dst)

if __name__ == "__main__":
    import jax
    _d = setup_inputs()
    print(jax.jit(kernel)(*tuple(_d.values())))

</pallas_src>

<mosaic_0001>
#map = affine_map<(d0, d1) -> (0, 0)>
#map1 = affine_map<(d0, d1) -> (0)>
#map2 = affine_map<(d0, d1) -> (0, 0, 0)>
module attributes {stable_mosaic.version = 14 : i64} {
  func.func @_sc_edges_body(%arg0: i32, %arg1: i32, %arg2: memref<10000x144xf32, #tpu.memory_space<hbm>>, %arg3: memref<10000x16xf32, #tpu.memory_space<hbm>>, %arg4: memref<320000xi32, #tpu.memory_space<hbm>>, %arg5: memref<320000xi32, #tpu.memory_space<hbm>>, %arg6: memref<16xf32, #tpu.memory_space<hbm>>, %arg7: memref<2x10240x144xf32, #tpu.memory_space<hbm>>, %arg8: memref<2x40xi32, #tpu.memory_space<vmem>>, %arg9: memref<2x40xi32, #tpu.memory_space<vmem>>, %arg10: memref<2x40xi32, #tpu.memory_space<vmem>>, %arg11: memref<2x40x144xf32, #tpu.memory_space<vmem>>, %arg12: memref<2x40x16xf32, #tpu.memory_space<vmem>>, %arg13: memref<2x40x144xf32, #tpu.memory_space<vmem>>, %arg14: memref<16xf32, #tpu.memory_space<vmem>>, %arg15: memref<10240x144xf32, #tpu.memory_space<vmem_shared>>, %arg16: memref<!tpu.dma_semaphore, #tpu.memory_space<semaphore_mem>>, %arg17: memref<!tpu.dma_semaphore, #tpu.memory_space<semaphore_mem>>, %arg18: memref<!tpu.dma_semaphore, #tpu.memory_space<semaphore_mem>>, %arg19: memref<!tpu.dma_semaphore, #tpu.memory_space<semaphore_mem>>, %arg20: memref<!tpu.dma_semaphore, #tpu.memory_space<semaphore_mem>>, %arg21: memref<!tpu.dma_semaphore, #tpu.memory_space<semaphore_mem>>, %arg22: memref<!tpu.dma_semaphore, #tpu.memory_space<semaphore_mem>>, %arg23: memref<!tpu.dma_semaphore, #tpu.memory_space<semaphore_mem>>) attributes {dimension_semantics = [#tpu.dimension_semantics<core_parallel>, #tpu.dimension_semantics<subcore_parallel>], iteration_bounds = array<i64: 2, 16>, scalar_prefetch = 0 : i64, scratch_operands = 16 : i64, tpu.core_type = #tpu.core_type<sc_vector_subcore>, window_params = [{transform_indices = #map}, {transform_indices = #map}, {transform_indices = #map1}, {transform_indices = #map1}, {transform_indices = #map1}, {transform_indices = #map2}]} {
    %mul3A = arith.constant 2 : i32
    %mul3A_0 = arith.muli %arg1, %mul3A : i32
    %add3A = arith.addi %mul3A_0, %arg0 : i32
    %broadcast_in_dim3A = arith.constant 0.000000e+00 : f32
    %broadcast_in_dim3A_1 = vector.broadcast %broadcast_in_dim3A : f32 to vector<16xf32>
    %scan3A = arith.constant 0 : i32
    %scan3A_2 = arith.constant 0 : i32
    %scan3A_3 = arith.constant 40 : i32
    %scan3A_4 = arith.addi %scan3A_2, %scan3A_3 : i32
    %scan3A_5 = arith.constant 1 : i32
    scf.for %scan3A_255 = %scan3A_2 to %scan3A_4 step %scan3A_5  : i32 {
      %swap3A = arith.constant 0 : i32
      %swap3A_256 = arith.index_cast %swap3A : i32 to index
      %swap3A_257 = arith.index_cast %scan3A_255 : i32 to index
      %swap3A_258 = arith.constant 0 : index
      %swap3A_259 = tpu.vector_load %arg13[%swap3A_256, %swap3A_257, %swap3A_258] {strides = array<i32>} : memref<2x40x144xf32, #tpu.memory_space<vmem>>, vector<16xf32>,
      tpu.vector_store %arg13[%swap3A_256, %swap3A_257, %swap3A_258], %broadcast_in_dim3A_1 {strides = array<i32>} : memref<2x40x144xf32, #tpu.memory_space<vmem>>, vector<16xf32>,
      %swap3A_260 = arith.constant 0 : i32
      %swap3A_261 = arith.index_cast %swap3A_260 : i32 to index
      %swap3A_262 = arith.index_cast %scan3A_255 : i32 to index
      %swap3A_263 = arith.constant 16 : index
      %swap3A_264 = tpu.vector_load %arg13[%swap3A_261, %swap3A_262, %swap3A_263] {strides = array<i32>} : memref<2x40x144xf32, #tpu.memory_space<vmem>>, vector<16xf32>,
      tpu.vector_store %arg13[%swap3A_261, %swap3A_262, %swap3A_263], %broadcast_in_dim3A_1 {strides = array<i32>} : memref<2x40x144xf32, #tpu.memory_space<vmem>>, vector<16xf32>,
      %swap3A_265 = arith.constant 0 : i32
      %swap3A_266 = arith.index_cast %swap3A_265 : i32 to index
      %swap3A_267 = arith.index_cast %scan3A_255 : i32 to index
      %swap3A_268 = arith.constant 32 : index
      %swap3A_269 = tpu.vector_load %arg13[%swap3A_266, %swap3A_267, %swap3A_268] {strides = array<i32>} : memref<2x40x144xf32, #tpu.memory_space<vmem>>, vector<16xf32>,
      tpu.vector_store %arg13[%swap3A_266, %swap3A_267, %swap3A_268], %broadcast_in_dim3A_1 {strides = array<i32>} : memref<2x40x144xf32, #tpu.memory_space<vmem>>, vector<16xf32>,
      %swap3A_270 = arith.constant 0 : i32
      %swap3A_271 = arith.index_cast %swap3A_270 : i32 to index
      %swap3A_272 = arith.index_cast %scan3A_255 : i32 to index
      %swap3A_273 = arith.constant 48 : index
      %swap3A_274 = tpu.vector_load %arg13[%swap3A_271, %swap3A_272, %swap3A_273] {strides = array<i32>} : memref<2x40x144xf32, #tpu.memory_space<vmem>>, vector<16xf32>,
      tpu.vector_store %arg13[%swap3A_271, %swap3A_272, %swap3A_273], %broadcast_in_dim3A_1 {strides = array<i32>} : memref<2x40x144xf32, #tpu.memory_space<vmem>>, vector<16xf32>,
      %swap3A_275 = arith.constant 0 : i32
      %swap3A_276 = arith.index_cast %swap3A_275 : i32 to index
      %swap3A_277 = arith.index_cast %scan3A_255 : i32 to index
      %swap3A_278 = arith.constant 64 : index
      %swap3A_279 = tpu.vector_load %arg13[%swap3A_276, %swap3A_277, %swap3A_278] {strides = array<i32>} : memref<2x40x144xf32, #tpu.memory_space<vmem>>, vector<16xf32>,
      tpu.vector_store %arg13[%swap3A_276, %swap3A_277, %swap3A_278], %broadcast_in_dim3A_1 {strides = array<i32>} : memref<2x40x144xf32, #tpu.memory_space<vmem>>, vector<16xf32>,
      %swap3A_280 = arith.constant 0 : i32
      %swap3A_281 = arith.index_cast %swap3A_280 : i32 to index
      %swap3A_282 = arith.index_cast %scan3A_255 : i32 to index
      %swap3A_283 = arith.constant 80 : index
      %swap3A_284 = tpu.vector_load %arg13[%swap3A_281, %swap3A_282, %swap3A_283] {strides = array<i32>} : memref<2x40x144xf32, #tpu.memory_space<vmem>>, vector<16xf32>,
      tpu.vector_store %arg13[%swap3A_281, %swap3A_282, %swap3A_283], %broadcast_in_dim3A_1 {strides = array<i32>} : memref<2x40x144xf32, #tpu.memory_space<vmem>>, vector<16xf32>,
      %swap3A_285 = arith.constant 0 : i32
      %swap3A_286 = arith.index_cast %swap3A_285 : i32 to index
      %swap3A_287 = arith.index_cast %scan3A_255 : i32 to index
      %swap3A_288 = arith.constant 96 : index
      %swap3A_289 = tpu.vector_load %arg13[%swap3A_286, %swap3A_287, %swap3A_288] {strides = array<i32>} : memref<2x40x144xf32, #tpu.memory_space<vmem>>, vector<16xf32>,
      tpu.vector_store %arg13[%swap3A_286, %swap3A_287, %swap3A_288], %broadcast_in_dim3A_1 {strides = array<i32>} : memref<2x40x144xf32, #tpu.memory_space<vmem>>, vector<16xf32>,
      %swap3A_290 = arith.constant 0 : i32
      %swap3A_291 = arith.index_cast %swap3A_290 : i32 to index
      %swap3A_292 = arith.index_cast %scan3A_255 : i32 to index
      %swap3A_293 = arith.constant 112 : index
      %swap3A_294 = tpu.vector_load %arg13[%swap3A_291, %swap3A_292, %swap3A_293] {strides = array<i32>} : memref<2x40x144xf32, #tpu.memory_space<vmem>>, vector<16xf32>,
      tpu.vector_store %arg13[%swap3A_291, %swap3A_292, %swap3A_293], %broadcast_in_dim3A_1 {strides = array<i32>} : memref<2x40x144xf32, #tpu.memory_space<vmem>>, vector<16xf32>,
      %swap3A_295 = arith.constant 0 : i32
      %swap3A_296 = arith.index_cast %swap3A_295 : i32 to index
      %swap3A_297 = arith.index_cast %scan3A_255 : i32 to index
      %swap3A_298 = arith.constant 128 : index
      %swap3A_299 = tpu.vector_load %arg13[%swap3A_296, %swap3A_297, %swap3A_298] {strides = array<i32>} : memref<2x40x144xf32, #tpu.memory_space<vmem>>, vector<16xf32>,
      tpu.vector_store %arg13[%swap3A_296, %swap3A_297, %swap3A_298], %broadcast_in_dim3A_1 {strides = array<i32>} : memref<2x40x144xf32, #tpu.memory_space<vmem>>, vector<16xf32>,
      %swap3A_300 = arith.constant 1 : i32
      %swap3A_301 = arith.index_cast %swap3A_300 : i32 to index
      %swap3A_302 = arith.index_cast %scan3A_255 : i32 to index
      %swap3A_303 = arith.constant 0 : index
      %swap3A_304 = tpu.vector_load %arg13[%swap3A_301, %swap3A_302, %swap3A_303] {strides = array<i32>} : memref<2x40x144xf32, #tpu.memory_space<vmem>>, vector<16xf32>,
      tpu.vector_store %arg13[%swap3A_301, %swap3A_302, %swap3A_303], %broadcast_in_dim3A_1 {strides = array<i32>} : memref<2x40x144xf32, #tpu.memory_space<vmem>>, vector<16xf32>,
      %swap3A_305 = arith.constant 1 : i32
      %swap3A_306 = arith.index_cast %swap3A_305 : i32 to index
      %swap3A_307 = arith.index_cast %scan3A_255 : i32 to index
      %swap3A_308 = arith.constant 16 : index
      %swap3A_309 = tpu.vector_load %arg13[%swap3A_306, %swap3A_307, %swap3A_308] {strides = array<i32>} : memref<2x40x144xf32, #tpu.memory_space<vmem>>, vector<16xf32>,
      tpu.vector_store %arg13[%swap3A_306, %swap3A_307, %swap3A_308], %broadcast_in_dim3A_1 {strides = array<i32>} : memref<2x40x144xf32, #tpu.memory_space<vmem>>, vector<16xf32>,
      %swap3A_310 = arith.constant 1 : i32
      %swap3A_311 = arith.index_cast %swap3A_310 : i32 to index
      %swap3A_312 = arith.index_cast %scan3A_255 : i32 to index
      %swap3A_313 = arith.constant 32 : index
      %swap3A_314 = tpu.vector_load %arg13[%swap3A_311, %swap3A_312, %swap3A_313] {strides = array<i32>} : memref<2x40x144xf32, #tpu.memory_space<vmem>>, vector<16xf32>,
      tpu.vector_store %arg13[%swap3A_311, %swap3A_312, %swap3A_313], %broadcast_in_dim3A_1 {strides = array<i32>} : memref<2x40x144xf32, #tpu.memory_space<vmem>>, vector<16xf32>,
      %swap3A_315 = arith.constant 1 : i32
      %swap3A_316 = arith.index_cast %swap3A_315 : i32 to index
      %swap3A_317 = arith.index_cast %scan3A_255 : i32 to index
      %swap3A_318 = arith.constant 48 : index
      %swap3A_319 = tpu.vector_load %arg13[%swap3A_316, %swap3A_317, %swap3A_318] {strides = array<i32>} : memref<2x40x144xf32, #tpu.memory_space<vmem>>, vector<16xf32>,
      tpu.vector_store %arg13[%swap3A_316, %swap3A_317, %swap3A_318], %broadcast_in_dim3A_1 {strides = array<i32>} : memref<2x40x144xf32, #tpu.memory_space<vmem>>, vector<16xf32>,
      %swap3A_320 = arith.constant 1 : i32
      %swap3A_321 = arith.index_cast %swap3A_320 : i32 to index
      %swap3A_322 = arith.index_cast %scan3A_255 : i32 to index
      %swap3A_323 = arith.constant 64 : index
      %swap3A_324 = tpu.vector_load %arg13[%swap3A_321, %swap3A_322, %swap3A_323] {strides = array<i32>} : memref<2x40x144xf32, #tpu.memory_space<vmem>>, vector<16xf32>,
      tpu.vector_store %arg13[%swap3A_321, %swap3A_322, %swap3A_323], %broadcast_in_dim3A_1 {strides = array<i32>} : memref<2x40x144xf32, #tpu.memory_space<vmem>>, vector<16xf32>,
      %swap3A_325 = arith.constant 1 : i32
      %swap3A_326 = arith.index_cast %swap3A_325 : i32 to index
      %swap3A_327 = arith.index_cast %scan3A_255 : i32 to index
      %swap3A_328 = arith.constant 80 : index
      %swap3A_329 = tpu.vector_load %arg13[%swap3A_326, %swap3A_327, %swap3A_328] {strides = array<i32>} : memref<2x40x144xf32, #tpu.memory_space<vmem>>, vector<16xf32>,
      tpu.vector_store %arg13[%swap3A_326, %swap3A_327, %swap3A_328], %broadcast_in_dim3A_1 {strides = array<i32>} : memref<2x40x144xf32, #tpu.memory_space<vmem>>, vector<16xf32>,
      %swap3A_330 = arith.constant 1 : i32
      %swap3A_331 = arith.index_cast %swap3A_330 : i32 to index
      %swap3A_332 = arith.index_cast %scan3A_255 : i32 to index
      %swap3A_333 = arith.constant 96 : index
      %swap3A_334 = tpu.vector_load %arg13[%swap3A_331, %swap3A_332, %swap3A_333] {strides = array<i32>} : memref<2x40x144xf32, #tpu.memory_space<vmem>>, vector<16xf32>,
      tpu.vector_store %arg13[%swap3A_331, %swap3A_332, %swap3A_333], %broadcast_in_dim3A_1 {strides = array<i32>} : memref<2x40x144xf32, #tpu.memory_space<vmem>>, vector<16xf32>,
      %swap3A_335 = arith.constant 1 : i32
      %swap3A_336 = arith.index_cast %swap3A_335 : i32 to index
      %swap3A_337 = arith.index_cast %scan3A_255 : i32 to index
      %swap3A_338 = arith.constant 112 : index
      %swap3A_339 = tpu.vector_load %arg13[%swap3A_336, %swap3A_337, %swap3A_338] {strides = array<i32>} : memref<2x40x144xf32, #tpu.memory_space<vmem>>, vector<16xf32>,
      tpu.vector_store %arg13[%swap3A_336, %swap3A_337, %swap3A_338], %broadcast_in_dim3A_1 {strides = array<i32>} : memref<2x40x144xf32, #tpu.memory_space<vmem>>, vector<16xf32>,
      %swap3A_340 = arith.constant 1 : i32
      %swap3A_341 = arith.index_cast %swap3A_340 : i32 to index
      %swap3A_342 = arith.index_cast %scan3A_255 : i32 to index
      %swap3A_343 = arith.constant 128 : index
      %swap3A_344 = tpu.vector_load %arg13[%swap3A_341, %swap3A_342, %swap3A_343] {strides = array<i32>} : memref<2x40x144xf32, #tpu.memory_space<vmem>>, vector<16xf32>,
      tpu.vector_store %arg13[%swap3A_341, %swap3A_342, %swap3A_343], %broadcast_in_dim3A_1 {strides = array<i32>} : memref<2x40x144xf32, #tpu.memory_space<vmem>>, vector<16xf32>,
    }
    %scan3A_6 = arith.constant 40 : i32
    %scan3A_7 = arith.constant 0 : i32
    %scan3A_8 = arith.constant 0 : i32
    %scan3A_9 = arith.constant 16 : i32
    %scan3A_10 = arith.addi %scan3A_8, %scan3A_9 : i32
    %scan3A_11 = arith.constant 1 : i32
    scf.for %scan3A_255 = %scan3A_8 to %scan3A_10 step %scan3A_11  : i32 {
      %mul3A_256 = arith.constant 640 : i32
      %mul3A_257 = arith.muli %arg1, %mul3A_256 : i32
      %mul3A_258 = arith.constant 40 : i32
      %mul3A_259 = arith.muli %scan3A_255, %mul3A_258 : i32
      %add3A_260 = arith.addi %mul3A_257, %mul3A_259 : i32
      %run_scoped3A = arith.constant 0 : i32
      "tpu.region"() ({
        %run_scoped3A_261 = tpu.sem_alloc : memref<!tpu.dma_semaphore, #tpu.memory_space<semaphore_mem>>
        %dma_start3A_262 = arith.constant 0 : i32
        %dma_start3A_263 = arith.constant 0 : i32
        %dma_start3A_264 = tpu.memref_slice %arg13[%run_scoped3A, %dma_start3A_262, %dma_start3A_263] : memref<2x40x144xf32, #tpu.memory_space<vmem>> -> memref<1x40x144xf32, #tpu.memory_space<vmem>>
        %dma_start3A_265 = tpu.memref_squeeze %dma_start3A_264 : memref<1x40x144xf32, #tpu.memory_space<vmem>> -> memref<40x144xf32, #tpu.memory_space<vmem>>
        %dma_start3A_266 = arith.constant 0 : i32
        %dma_start3A_267 = tpu.memref_slice %arg15[%add3A_260, %dma_start3A_266] : memref<10240x144xf32, #tpu.memory_space<vmem_shared>> -> memref<40x144xf32, #tpu.memory_space<vmem_shared>>
        %dma_start3A_268 = arith.constant 0 : i32
        %dma_start3A_269 = tpu.memref_slice %arg15[%add3A_260, %dma_start3A_268] : memref<10240x144xf32, #tpu.memory_space<vmem_shared>> -> memref<40x144xf32, #tpu.memory_space<vmem_shared>>
        %dma_start3A_270 = arith.constant 0 : i32
        %dma_start3A_271 = arith.constant 0 : i32
        %dma_start3A_272 = tpu.memref_slice %arg13[%run_scoped3A, %dma_start3A_270, %dma_start3A_271] : memref<2x40x144xf32, #tpu.memory_space<vmem>> -> memref<1x40x144xf32, #tpu.memory_space<vmem>>
        %dma_start3A_273 = tpu.memref_squeeze %dma_start3A_272 : memref<1x40x144xf32, #tpu.memory_space<vmem>> -> memref<40x144xf32, #tpu.memory_space<vmem>>
        tpu.enqueue_dma source(%dma_start3A_273 : memref<40x144xf32, #tpu.memory_space<vmem>>) target(%dma_start3A_269 : memref<40x144xf32, #tpu.memory_space<vmem_shared>>) target_semaphore(%run_scoped3A_261 : memref<!tpu.dma_semaphore, #tpu.memory_space<semaphore_mem>>)
        %dma_wait3A_274 = arith.constant 0 : i32
        %dma_wait3A_275 = arith.constant 0 : i32
        %dma_wait3A_276 = tpu.memref_slice %arg13[%run_scoped3A, %dma_wait3A_274, %dma_wait3A_275] : memref<2x40x144xf32, #tpu.memory_space<vmem>> -> memref<1x40x144xf32, #tpu.memory_space<vmem>>
        %dma_wait3A_277 = tpu.memref_squeeze %dma_wait3A_276 : memref<1x40x144xf32, #tpu.memory_space<vmem>> -> memref<40x144xf32, #tpu.memory_space<vmem>>
        %dma_wait3A_278 = arith.constant 0 : i32
        %dma_wait3A_279 = tpu.memref_slice %arg15[%add3A_260, %dma_wait3A_278] : memref<10240x144xf32, #tpu.memory_space<vmem_shared>> -> memref<40x144xf32, #tpu.memory_space<vmem_shared>>
        %dma_wait3A_280 = arith.constant 0 : i32
        %dma_wait3A_281 = tpu.memref_slice %arg15[%add3A_260, %dma_wait3A_280] : memref<10240x144xf32, #tpu.memory_space<vmem_shared>> -> memref<40x144xf32, #tpu.memory_space<vmem_shared>>
        %dma_wait3A_282 = arith.constant 0 : i32
        %dma_wait3A_283 = arith.constant 0 : i32
        %dma_wait3A_284 = tpu.memref_slice %arg13[%run_scoped3A, %dma_wait3A_282, %dma_wait3A_283] : memref<2x40x144xf32, #tpu.memory_space<vmem>> -> memref<1x40x144xf32, #tpu.memory_space<vmem>>
        %dma_wait3A_285 = tpu.memref_squeeze %dma_wait3A_284 : memref<1x40x144xf32, #tpu.memory_space<vmem>> -> memref<40x144xf32, #tpu.memory_space<vmem>>
        tpu.wait_dma2 semaphore(%run_scoped3A_261 : memref<!tpu.dma_semaphore, #tpu.memory_space<semaphore_mem>>) src(%dma_wait3A_285 : memref<40x144xf32, #tpu.memory_space<vmem>>) dst(%dma_wait3A_281 : memref<40x144xf32, #tpu.memory_space<vmem_shared>>)
        tpu.yield
      }) : () -> ()
    }
    %scan3A_12 = arith.constant 16 : i32
    %barrier3A = arith.constant 0 : index
    tpu.barrier barrier_id(%barrier3A)
    "tpu.region"() ({
      %run_scoped3A = tpu.sem_alloc : memref<!tpu.dma_semaphore, #tpu.memory_space<semaphore_mem>>
      tpu.enqueue_dma source(%arg6 : memref<16xf32, #tpu.memory_space<hbm>>) target(%arg14 : memref<16xf32, #tpu.memory_space<vmem>>) target_semaphore(%run_scoped3A : memref<!tpu.dma_semaphore, #tpu.memory_space<semaphore_mem>>)
      tpu.wait_dma2 semaphore(%run_scoped3A : memref<!tpu.dma_semaphore, #tpu.memory_space<semaphore_mem>>) src(%arg6 : memref<16xf32, #tpu.memory_space<hbm>>) dst(%arg14 : memref<16xf32, #tpu.memory_space<vmem>>)
      tpu.yield
    }) : () -> ()
    %get3A = arith.constant 0 : index
    %get3A_13 = tpu.vector_load %arg14[%get3A] {strides = array<i32>} : memref<16xf32, #tpu.memory_space<vmem>>, vector<16xf32>,
    %iota3A = tpu.iota {dimensions = array<i32: 0>} : vector<16xi32>
    %mul3A_14 = arith.constant 10000 : i32
    %mul3A_15 = arith.muli %add3A, %mul3A_14 : i32
    %add3A_16 = arith.constant 0 : i32
    %add3A_17 = arith.addi %mul3A_15, %add3A_16 : i32
    %dma_start3A = arith.constant 0 : i32
    %dma_start3A_18 = arith.constant 0 : i32
    %dma_start3A_19 = tpu.memref_slice %arg8[%dma_start3A, %dma_start3A_18] : memref<2x40xi32, #tpu.memory_space<vmem>> -> memref<1x40xi32, #tpu.memory_space<vmem>>
    %dma_start3A_20 = tpu.memref_squeeze %dma_start3A_19 : memref<1x40xi32, #tpu.memory_space<vmem>> -> memref<40xi32, #tpu.memory_space<vmem>>
    %dma_start3A_21 = tpu.memref_slice %arg4[%add3A_17] : memref<320000xi32, #tpu.memory_space<hbm>> -> memref<40xi32, #tpu.memory_space<hbm>>
    %dma_start3A_22 = arith.constant 0 : i32
    %dma_start3A_23 = tpu.memref_slice %arg8[%dma_start3A, %dma_start3A_22] : memref<2x40xi32, #tpu.memory_space<vmem>> -> memref<1x40xi32, #tpu.memory_space<vmem>>
    %dma_start3A_24 = tpu.memref_squeeze %dma_start3A_23 : memref<1x40xi32, #tpu.memory_space<vmem>> -> memref<40xi32, #tpu.memory_space<vmem>>
    %dma_start3A_25 = tpu.memref_slice %arg4[%add3A_17] : memref<320000xi32, #tpu.memory_space<hbm>> -> memref<40xi32, #tpu.memory_space<hbm>>
    tpu.enqueue_dma source(%dma_start3A_25 : memref<40xi32, #tpu.memory_space<hbm>>) target(%dma_start3A_24 : memref<40xi32, #tpu.memory_space<vmem>>) target_semaphore(%arg16 : memref<!tpu.dma_semaphore, #tpu.memory_space<semaphore_mem>>)
    %dma_start3A_26 = arith.constant 0 : i32
    %dma_start3A_27 = arith.constant 0 : i32
    %dma_start3A_28 = tpu.memref_slice %arg9[%dma_start3A_26, %dma_start3A_27] : memref<2x40xi32, #tpu.memory_space<vmem>> -> memref<1x40xi32, #tpu.memory_space<vmem>>
    %dma_start3A_29 = tpu.memref_squeeze %dma_start3A_28 : memref<1x40xi32, #tpu.memory_space<vmem>> -> memref<40xi32, #tpu.memory_space<vmem>>
    %dma_start3A_30 = tpu.memref_slice %arg5[%add3A_17] : memref<320000xi32, #tpu.memory_space<hbm>> -> memref<40xi32, #tpu.memory_space<hbm>>
    %dma_start3A_31 = arith.constant 0 : i32
    %dma_start3A_32 = tpu.memref_slice %arg9[%dma_start3A_26, %dma_start3A_31] : memref<2x40xi32, #tpu.memory_space<vmem>> -> memref<1x40xi32, #tpu.memory_space<vmem>>
    %dma_start3A_33 = tpu.memref_squeeze %dma_start3A_32 : memref<1x40xi32, #tpu.memory_space<vmem>> -> memref<40xi32, #tpu.memory_space<vmem>>
    %dma_start3A_34 = tpu.memref_slice %arg5[%add3A_17] : memref<320000xi32, #tpu.memory_space<hbm>> -> memref<40xi32, #tpu.memory_space<hbm>>
    tpu.enqueue_dma source(%dma_start3A_34 : memref<40xi32, #tpu.memory_space<hbm>>) target(%dma_start3A_33 : memref<40xi32, #tpu.memory_space<vmem>>) target_semaphore(%arg16 : memref<!tpu.dma_semaphore, #tpu.memory_space<semaphore_mem>>)
    %dma_wait3A = arith.constant 0 : i32
    %dma_wait3A_35 = arith.constant 0 : i32
    %dma_wait3A_36 = tpu.memref_slice %arg8[%dma_wait3A, %dma_wait3A_35] : memref<2x40xi32, #tpu.memory_space<vmem>> -> memref<1x40xi32, #tpu.memory_space<vmem>>
    %dma_wait3A_37 = tpu.memref_squeeze %dma_wait3A_36 : memref<1x40xi32, #tpu.memory_space<vmem>> -> memref<40xi32, #tpu.memory_space<vmem>>
    %dma_wait3A_38 = arith.constant 0 : i32
    %dma_wait3A_39 = tpu.memref_slice %arg4[%dma_wait3A_38] : memref<320000xi32, #tpu.memory_space<hbm>> -> memref<40xi32, #tpu.memory_space<hbm>>
    %dma_wait3A_40 = arith.constant 0 : i32
    %dma_wait3A_41 = tpu.memref_slice %arg8[%dma_wait3A, %dma_wait3A_40] : memref<2x40xi32, #tpu.memory_space<vmem>> -> memref<1x40xi32, #tpu.memory_space<vmem>>
    %dma_wait3A_42 = tpu.memref_squeeze %dma_wait3A_41 : memref<1x40xi32, #tpu.memory_space<vmem>> -> memref<40xi32, #tpu.memory_space<vmem>>
    %dma_wait3A_43 = arith.constant 0 : i32
    %dma_wait3A_44 = tpu.memref_slice %arg4[%dma_wait3A_43] : memref<320000xi32, #tpu.memory_space<hbm>> -> memref<40xi32, #tpu.memory_space<hbm>>
    tpu.wait_dma2 semaphore(%arg16 : memref<!tpu.dma_semaphore, #tpu.memory_space<semaphore_mem>>) src(%dma_wait3A_44 : memref<40xi32, #tpu.memory_space<hbm>>) dst(%dma_wait3A_42 : memref<40xi32, #tpu.memory_space<vmem>>)
    %dma_wait3A_45 = arith.constant 0 : i32
    %dma_wait3A_46 = arith.constant 0 : i32
    %dma_wait3A_47 = tpu.memref_slice %arg9[%dma_wait3A_45, %dma_wait3A_46] : memref<2x40xi32, #tpu.memory_space<vmem>> -> memref<1x40xi32, #tpu.memory_space<vmem>>
    %dma_wait3A_48 = tpu.memref_squeeze %dma_wait3A_47 : memref<1x40xi32, #tpu.memory_space<vmem>> -> memref<40xi32, #tpu.memory_space<vmem>>
    %dma_wait3A_49 = arith.constant 0 : i32
    %dma_wait3A_50 = tpu.memref_slice %arg5[%dma_wait3A_49] : memref<320000xi32, #tpu.memory_space<hbm>> -> memref<40xi32, #tpu.memory_space<hbm>>
    %dma_wait3A_51 = arith.constant 0 : i32
    %dma_wait3A_52 = tpu.memref_slice %arg9[%dma_wait3A_45, %dma_wait3A_51] : memref<2x40xi32, #tpu.memory_space<vmem>> -> memref<1x40xi32, #tpu.memory_space<vmem>>
    %dma_wait3A_53 = tpu.memref_squeeze %dma_wait3A_52 : memref<1x40xi32, #tpu.memory_space<vmem>> -> memref<40xi32, #tpu.memory_space<vmem>>
    %dma_wait3A_54 = arith.constant 0 : i32
    %dma_wait3A_55 = tpu.memref_slice %arg5[%dma_wait3A_54] : memref<320000xi32, #tpu.memory_space<hbm>> -> memref<40xi32, #tpu.memory_space<hbm>>
    tpu.wait_dma2 semaphore(%arg16 : memref<!tpu.dma_semaphore, #tpu.memory_space<semaphore_mem>>) src(%dma_wait3A_55 : memref<40xi32, #tpu.memory_space<hbm>>) dst(%dma_wait3A_53 : memref<40xi32, #tpu.memory_space<vmem>>)
    %dma_start3A_56 = arith.constant 0 : i32
    %dma_start3A_57 = arith.constant 0 : i32
    %dma_start3A_58 = arith.constant 0 : i32
    %dma_start3A_59 = arith.constant 0 : i32
    %dma_start3A_60 = tpu.memref_slice %arg11[%dma_start3A_57, %dma_start3A_58, %dma_start3A_59] : memref<2x40x144xf32, #tpu.memory_space<vmem>> -> memref<1x40x144xf32, #tpu.memory_space<vmem>>
    %dma_start3A_61 = tpu.memref_squeeze %dma_start3A_60 : memref<1x40x144xf32, #tpu.memory_space<vmem>> -> memref<40x144xf32, #tpu.memory_space<vmem>>
    %dma_start3A_62 = arith.constant 0 : i32
    %dma_start3A_63 = tpu.memref_slice %arg8[%dma_start3A_56, %dma_start3A_62] : memref<2x40xi32, #tpu.memory_space<vmem>> -> memref<1x40xi32, #tpu.memory_space<vmem>>
    %dma_start3A_64 = tpu.memref_squeeze %dma_start3A_63 : memref<1x40xi32, #tpu.memory_space<vmem>> -> memref<40xi32, #tpu.memory_space<vmem>>
    %dma_start3A_65 = arith.constant 0 : i32
    %dma_start3A_66 = arith.constant 0 : i32
    %dma_start3A_67 = tpu.memref_slice %arg2[%dma_start3A_65, %dma_start3A_66] : memref<10000x144xf32, #tpu.memory_space<hbm>> -> memref<10000x144xf32, #tpu.memory_space<hbm>>
    tpu.enqueue_indirect_dma source(%dma_start3A_67 : memref<10000x144xf32, #tpu.memory_space<hbm>>) target(%dma_start3A_61 : memref<40x144xf32, #tpu.memory_space<vmem>>) offsets(%dma_start3A_64 : memref<40xi32, #tpu.memory_space<vmem>>) semaphore(%arg18 : memref<!tpu.dma_semaphore, #tpu.memory_space<semaphore_mem>>)
    %dma_start3A_68 = arith.constant 0 : i32
    %dma_start3A_69 = arith.constant 0 : i32
    %dma_start3A_70 = arith.constant 0 : i32
    %dma_start3A_71 = arith.constant 0 : i32
    %dma_start3A_72 = tpu.memref_slice %arg12[%dma_start3A_69, %dma_start3A_70, %dma_start3A_71] : memref<2x40x16xf32, #tpu.memory_space<vmem>> -> memref<1x40x16xf32, #tpu.memory_space<vmem>>
    %dma_start3A_73 = tpu.memref_squeeze %dma_start3A_72 : memref<1x40x16xf32, #tpu.memory_space<vmem>> -> memref<40x16xf32, #tpu.memory_space<vmem>>
    %dma_start3A_74 = arith.constant 0 : i32
    %dma_start3A_75 = tpu.memref_slice %arg9[%dma_start3A_68, %dma_start3A_74] : memref<2x40xi32, #tpu.memory_space<vmem>> -> memref<1x40xi32, #tpu.memory_space<vmem>>
    %dma_start3A_76 = tpu.memref_squeeze %dma_start3A_75 : memref<1x40xi32, #tpu.memory_space<vmem>> -> memref<40xi32, #tpu.memory_space<vmem>>
    %dma_start3A_77 = arith.constant 0 : i32
    %dma_start3A_78 = arith.constant 0 : i32
    %dma_start3A_79 = tpu.memref_slice %arg3[%dma_start3A_77, %dma_start3A_78] : memref<10000x16xf32, #tpu.memory_space<hbm>> -> memref<10000x16xf32, #tpu.memory_space<hbm>>
    tpu.enqueue_indirect_dma source(%dma_start3A_79 : memref<10000x16xf32, #tpu.memory_space<hbm>>) target(%dma_start3A_73 : memref<40x16xf32, #tpu.memory_space<vmem>>) offsets(%dma_start3A_76 : memref<40xi32, #tpu.memory_space<vmem>>) semaphore(%arg18 : memref<!tpu.dma_semaphore, #tpu.memory_space<semaphore_mem>>)
    %mul3A_80 = arith.constant 10000 : i32
    %mul3A_81 = arith.muli %add3A, %mul3A_80 : i32
    %add3A_82 = arith.constant 40 : i32
    %add3A_83 = arith.addi %mul3A_81, %add3A_82 : i32
    %dma_start3A_84 = arith.constant 1 : i32
    %dma_start3A_85 = arith.constant 0 : i32
    %dma_start3A_86 = tpu.memref_slice %arg8[%dma_start3A_84, %dma_start3A_85] : memref<2x40xi32, #tpu.memory_space<vmem>> -> memref<1x40xi32, #tpu.memory_space<vmem>>
    %dma_start3A_87 = tpu.memref_squeeze %dma_start3A_86 : memref<1x40xi32, #tpu.memory_space<vmem>> -> memref<40xi32, #tpu.memory_space<vmem>>
    %dma_start3A_88 = tpu.memref_slice %arg4[%add3A_83] : memref<320000xi32, #tpu.memory_space<hbm>> -> memref<40xi32, #tpu.memory_space<hbm>>
    %dma_start3A_89 = arith.constant 0 : i32
    %dma_start3A_90 = tpu.memref_slice %arg8[%dma_start3A_84, %dma_start3A_89] : memref<2x40xi32, #tpu.memory_space<vmem>> -> memref<1x40xi32, #tpu.memory_space<vmem>>
    %dma_start3A_91 = tpu.memref_squeeze %dma_start3A_90 : memref<1x40xi32, #tpu.memory_space<vmem>> -> memref<40xi32, #tpu.memory_space<vmem>>
    %dma_start3A_92 = tpu.memref_slice %arg4[%add3A_83] : memref<320000xi32, #tpu.memory_space<hbm>> -> memref<40xi32, #tpu.memory_space<hbm>>
    tpu.enqueue_dma source(%dma_start3A_92 : memref<40xi32, #tpu.memory_space<hbm>>) target(%dma_start3A_91 : memref<40xi32, #tpu.memory_space<vmem>>) target_semaphore(%arg17 : memref<!tpu.dma_semaphore, #tpu.memory_space<semaphore_mem>>)
    %dma_start3A_93 = arith.constant 1 : i32
    %dma_start3A_94 = arith.constant 0 : i32
    %dma_start3A_95 = tpu.memref_slice %arg9[%dma_start3A_93, %dma_start3A_94] : memref<2x40xi32, #tpu.memory_space<vmem>> -> memref<1x40xi32, #tpu.memory_space<vmem>>
    %dma_start3A_96 = tpu.memref_squeeze %dma_start3A_95 : memref<1x40xi32, #tpu.memory_space<vmem>> -> memref<40xi32, #tpu.memory_space<vmem>>
    %dma_start3A_97 = tpu.memref_slice %arg5[%add3A_83] : memref<320000xi32, #tpu.memory_space<hbm>> -> memref<40xi32, #tpu.memory_space<hbm>>
    %dma_start3A_98 = arith.constant 0 : i32
    %dma_start3A_99 = tpu.memref_slice %arg9[%dma_start3A_93, %dma_start3A_98] : memref<2x40xi32, #tpu.memory_space<vmem>> -> memref<1x40xi32, #tpu.memory_space<vmem>>
    %dma_start3A_100 = tpu.memref_squeeze %dma_start3A_99 : memref<1x40xi32, #tpu.memory_space<vmem>> -> memref<40xi32, #tpu.memory_space<vmem>>
    %dma_start3A_101 = tpu.memref_slice %arg5[%add3A_83] : memref<320000xi32, #tpu.memory_space<hbm>> -> memref<40xi32, #tpu.memory_space<hbm>>
    tpu.enqueue_dma source(%dma_start3A_101 : memref<40xi32, #tpu.memory_space<hbm>>) target(%dma_start3A_100 : memref<40xi32, #tpu.memory_space<vmem>>) target_semaphore(%arg17 : memref<!tpu.dma_semaphore, #tpu.memory_space<semaphore_mem>>)
    %mul3A_102 = arith.constant 10000 : i32
    %mul3A_103 = arith.muli %add3A, %mul3A_102 : i32
    %add3A_104 = arith.constant 0 : i32
    %add3A_105 = arith.addi %mul3A_103, %add3A_104 : i32
    %dma_start3A_106 = arith.constant 0 : i32
    %dma_start3A_107 = arith.constant 0 : i32
    %dma_start3A_108 = tpu.memref_slice %arg10[%dma_start3A_106, %dma_start3A_107] : memref<2x40xi32, #tpu.memory_space<vmem>> -> memref<1x40xi32, #tpu.memory_space<vmem>>
    %dma_start3A_109 = tpu.memref_squeeze %dma_start3A_108 : memref<1x40xi32, #tpu.memory_space<vmem>> -> memref<40xi32, #tpu.memory_space<vmem>>
    %dma_start3A_110 = tpu.memref_slice %arg5[%add3A_105] : memref<320000xi32, #tpu.memory_space<hbm>> -> memref<40xi32, #tpu.memory_space<hbm>>
    %dma_start3A_111 = arith.constant 0 : i32
    %dma_start3A_112 = tpu.memref_slice %arg10[%dma_start3A_106, %dma_start3A_111] : memref<2x40xi32, #tpu.memory_space<vmem>> -> memref<1x40xi32, #tpu.memory_space<vmem>>
    %dma_start3A_113 = tpu.memref_squeeze %dma_start3A_112 : memref<1x40xi32, #tpu.memory_space<vmem>> -> memref<40xi32, #tpu.memory_space<vmem>>
    %dma_start3A_114 = tpu.memref_slice %arg5[%add3A_105] : memref<320000xi32, #tpu.memory_space<hbm>> -> memref<40xi32, #tpu.memory_space<hbm>>
    tpu.enqueue_dma source(%dma_start3A_114 : memref<40xi32, #tpu.memory_space<hbm>>) target(%dma_start3A_113 : memref<40xi32, #tpu.memory_space<vmem>>) target_semaphore(%arg22 : memref<!tpu.dma_semaphore, #tpu.memory_space<semaphore_mem>>)
    %mul3A_115 = arith.constant 10000 : i32
    %mul3A_116 = arith.muli %add3A, %mul3A_115 : i32
    %add3A_117 = arith.constant 0 : i32
    %add3A_118 = arith.addi %mul3A_116, %add3A_117 : i32
    %dma_start3A_119 = arith.constant 1 : i32
    %dma_start3A_120 = arith.constant 0 : i32
    %dma_start3A_121 = tpu.memref_slice %arg10[%dma_start3A_119, %dma_start3A_120] : memref<2x40xi32, #tpu.memory_space<vmem>> -> memref<1x40xi32, #tpu.memory_space<vmem>>
    %dma_start3A_122 = tpu.memref_squeeze %dma_start3A_121 : memref<1x40xi32, #tpu.memory_space<vmem>> -> memref<40xi32, #tpu.memory_space<vmem>>
    %dma_start3A_123 = tpu.memref_slice %arg5[%add3A_118] : memref<320000xi32, #tpu.memory_space<hbm>> -> memref<40xi32, #tpu.memory_space<hbm>>
    %dma_start3A_124 = arith.constant 0 : i32
    %dma_start3A_125 = tpu.memref_slice %arg10[%dma_start3A_119, %dma_start3A_124] : memref<2x40xi32, #tpu.memory_space<vmem>> -> memref<1x40xi32, #tpu.memory_space<vmem>>
    %dma_start3A_126 = tpu.memref_squeeze %dma_start3A_125 : memref<1x40xi32, #tpu.memory_space<vmem>> -> memref<40xi32, #tpu.memory_space<vmem>>
    %dma_start3A_127 = tpu.memref_slice %arg5[%add3A_118] : memref<320000xi32, #tpu.memory_space<hbm>> -> memref<40xi32, #tpu.memory_space<hbm>>
    tpu.enqueue_dma source(%dma_start3A_127 : memref<40xi32, #tpu.memory_space<hbm>>) target(%dma_start3A_126 : memref<40xi32, #tpu.memory_space<vmem>>) target_semaphore(%arg23 : memref<!tpu.dma_semaphore, #tpu.memory_space<semaphore_mem>>)
    %dma_wait3A_128 = arith.constant 0 : i32
    %dma_wait3A_129 = arith.constant 0 : i32
    %dma_wait3A_130 = tpu.memref_slice %arg10[%dma_wait3A_128, %dma_wait3A_129] : memref<2x40xi32, #tpu.memory_space<vmem>> -> memref<1x40xi32, #tpu.memory_space<vmem>>
    %dma_wait3A_131 = tpu.memref_squeeze %dma_wait3A_130 : memref<1x40xi32, #tpu.memory_space<vmem>> -> memref<40xi32, #tpu.memory_space<vmem>>
    %dma_wait3A_132 = arith.constant 0 : i32
    %dma_wait3A_133 = tpu.memref_slice %arg5[%dma_wait3A_132] : memref<320000xi32, #tpu.memory_space<hbm>> -> memref<40xi32, #tpu.memory_space<hbm>>
    %dma_wait3A_134 = arith.constant 0 : i32
    %dma_wait3A_135 = tpu.memref_slice %arg10[%dma_wait3A_128, %dma_wait3A_134] : memref<2x40xi32, #tpu.memory_space<vmem>> -> memref<1x40xi32, #tpu.memory_space<vmem>>
    %dma_wait3A_136 = tpu.memref_squeeze %dma_wait3A_135 : memref<1x40xi32, #tpu.memory_space<vmem>> -> memref<40xi32, #tpu.memory_space<vmem>>
    %dma_wait3A_137 = arith.constant 0 : i32
    %dma_wait3A_138 = tpu.memref_slice %arg5[%dma_wait3A_137] : memref<320000xi32, #tpu.memory_space<hbm>> -> memref<40xi32, #tpu.memory_space<hbm>>
    tpu.wait_dma2 semaphore(%arg22 : memref<!tpu.dma_semaphore, #tpu.memory_space<semaphore_mem>>) src(%dma_wait3A_138 : memref<40xi32, #tpu.memory_space<hbm>>) dst(%dma_wait3A_136 : memref<40xi32, #tpu.memory_space<vmem>>)
    %dma_wait3A_139 = arith.constant 1 : i32
    %dma_wait3A_140 = arith.constant 0 : i32
    %dma_wait3A_141 = tpu.memref_slice %arg10[%dma_wait3A_139, %dma_wait3A_140] : memref<2x40xi32, #tpu.memory_space<vmem>> -> memref<1x40xi32, #tpu.memory_space<vmem>>
    %dma_wait3A_142 = tpu.memref_squeeze %dma_wait3A_141 : memref<1x40xi32, #tpu.memory_space<vmem>> -> memref<40xi32, #tpu.memory_space<vmem>>
    %dma_wait3A_143 = arith.constant 0 : i32
    %dma_wait3A_144 = tpu.memref_slice %arg5[%dma_wait3A_143] : memref<320000xi32, #tpu.memory_space<hbm>> -> memref<40xi32, #tpu.memory_space<hbm>>
    %dma_wait3A_145 = arith.constant 0 : i32
    %dma_wait3A_146 = tpu.memref_slice %arg10[%dma_wait3A_139, %dma_wait3A_145] : memref<2x40xi32, #tpu.memory_space<vmem>> -> memref<1x40xi32, #tpu.memory_space<vmem>>
    %dma_wait3A_147 = tpu.memref_squeeze %dma_wait3A_146 : memref<1x40xi32, #tpu.memory_space<vmem>> -> memref<40xi32, #tpu.memory_space<vmem>>
    %dma_wait3A_148 = arith.constant 0 : i32
    %dma_wait3A_149 = tpu.memref_slice %arg5[%dma_wait3A_148] : memref<320000xi32, #tpu.memory_space<hbm>> -> memref<40xi32, #tpu.memory_space<hbm>>
    tpu.wait_dma2 semaphore(%arg23 : memref<!tpu.dma_semaphore, #tpu.memory_space<semaphore_mem>>) src(%dma_wait3A_149 : memref<40xi32, #tpu.memory_space<hbm>>) dst(%dma_wait3A_147 : memref<40xi32, #tpu.memory_space<vmem>>)
    %dma_start3A_150 = arith.constant 0 : i32
    %dma_start3A_151 = arith.constant 0 : i32
    %dma_start3A_152 = arith.constant 0 : i32
    %dma_start3A_153 = arith.constant 0 : i32
    %dma_start3A_154 = tpu.memref_slice %arg13[%dma_start3A_150, %dma_start3A_152, %dma_start3A_153] : memref<2x40x144xf32, #tpu.memory_space<vmem>> -> memref<1x40x144xf32, #tpu.memory_space<vmem>>
    %dma_start3A_155 = tpu.memref_squeeze %dma_start3A_154 : memref<1x40x144xf32, #tpu.memory_space<vmem>> -> memref<40x144xf32, #tpu.memory_space<vmem>>
    %dma_start3A_156 = arith.constant 0 : i32
    %dma_start3A_157 = tpu.memref_slice %arg10[%dma_start3A_151, %dma_start3A_156] : memref<2x40xi32, #tpu.memory_space<vmem>> -> memref<1x40xi32, #tpu.memory_space<vmem>>
    %dma_start3A_158 = tpu.memref_squeeze %dma_start3A_157 : memref<1x40xi32, #tpu.memory_space<vmem>> -> memref<40xi32, #tpu.memory_space<vmem>>
    %dma_start3A_159 = arith.constant 0 : i32
    %dma_start3A_160 = arith.constant 0 : i32
    %dma_start3A_161 = tpu.memref_slice %arg15[%dma_start3A_159, %dma_start3A_160] : memref<10240x144xf32, #tpu.memory_space<vmem_shared>> -> memref<10240x144xf32, #tpu.memory_space<vmem_shared>>
    tpu.enqueue_indirect_dma source(%dma_start3A_155 : memref<40x144xf32, #tpu.memory_space<vmem>>) target(%dma_start3A_161 : memref<10240x144xf32, #tpu.memory_space<vmem_shared>>) offsets(%dma_start3A_158 : memref<40xi32, #tpu.memory_space<vmem>>) semaphore(%arg20 : memref<!tpu.dma_semaphore, #tpu.memory_space<semaphore_mem>>) {add = true}
    %dma_start3A_162 = arith.constant 1 : i32
    %dma_start3A_163 = arith.constant 1 : i32
    %dma_start3A_164 = arith.constant 0 : i32
    %dma_start3A_165 = arith.constant 0 : i32
    %dma_start3A_166 = tpu.memref_slice %arg13[%dma_start3A_162, %dma_start3A_164, %dma_start3A_165] : memref<2x40x144xf32, #tpu.memory_space<vmem>> -> memref<1x40x144xf32, #tpu.memory_space<vmem>>
    %dma_start3A_167 = tpu.memref_squeeze %dma_start3A_166 : memref<1x40x144xf32, #tpu.memory_space<vmem>> -> memref<40x144xf32, #tpu.memory_space<vmem>>
    %dma_start3A_168 = arith.constant 0 : i32
    %dma_start3A_169 = tpu.memref_slice %arg10[%dma_start3A_163, %dma_start3A_168] : memref<2x40xi32, #tpu.memory_space<vmem>> -> memref<1x40xi32, #tpu.memory_space<vmem>>
    %dma_start3A_170 = tpu.memref_squeeze %dma_start3A_169 : memref<1x40xi32, #tpu.memory_space<vmem>> -> memref<40xi32, #tpu.memory_space<vmem>>
    %dma_start3A_171 = arith.constant 0 : i32
    %dma_start3A_172 = arith.constant 0 : i32
    %dma_start3A_173 = tpu.memref_slice %arg15[%dma_start3A_171, %dma_start3A_172] : memref<10240x144xf32, #tpu.memory_space<vmem_shared>> -> memref<10240x144xf32, #tpu.memory_space<vmem_shared>>
    tpu.enqueue_indirect_dma source(%dma_start3A_167 : memref<40x144xf32, #tpu.memory_space<vmem>>) target(%dma_start3A_173 : memref<10240x144xf32, #tpu.memory_space<vmem_shared>>) offsets(%dma_start3A_170 : memref<40xi32, #tpu.memory_space<vmem>>) semaphore(%arg21 : memref<!tpu.dma_semaphore, #tpu.memory_space<semaphore_mem>>) {add = true}
    %scan3A_174 = arith.constant 0 : i32
    %scan3A_175 = arith.constant 0 : i32
    %scan3A_176 = arith.constant 125 : i32
    %scan3A_177 = arith.addi %scan3A_175, %scan3A_176 : i32
    %scan3A_178 = arith.constant 1 : i32
    scf.for %scan3A_255 = %scan3A_175 to %scan3A_177 step %scan3A_178  : i32 {
      %mul3A_256 = arith.constant 2 : i32
      %mul3A_257 = arith.muli %mul3A_256, %scan3A_255 : i32
      %dma_wait3A_258 = arith.constant 1 : i32
      %dma_wait3A_259 = arith.constant 0 : i32
      %dma_wait3A_260 = tpu.memref_slice %arg8[%dma_wait3A_258, %dma_wait3A_259] : memref<2x40xi32, #tpu.memory_space<vmem>> -> memref<1x40xi32, #tpu.memory_space<vmem>>
      %dma_wait3A_261 = tpu.memref_squeeze %dma_wait3A_260 : memref<1x40xi32, #tpu.memory_space<vmem>> -> memref<40xi32, #tpu.memory_space<vmem>>
      %dma_wait3A_262 = arith.constant 0 : i32
      %dma_wait3A_263 = tpu.memref_slice %arg4[%dma_wait3A_262] : memref<320000xi32, #tpu.memory_space<hbm>> -> memref<40xi32, #tpu.memory_space<hbm>>
      %dma_wait3A_264 = arith.constant 0 : i32
      %dma_wait3A_265 = tpu.memref_slice %arg8[%dma_wait3A_258, %dma_wait3A_264] : memref<2x40xi32, #tpu.memory_space<vmem>> -> memref<1x40xi32, #tpu.memory_space<vmem>>
      %dma_wait3A_266 = tpu.memref_squeeze %dma_wait3A_265 : memref<1x40xi32, #tpu.memory_space<vmem>> -> memref<40xi32, #tpu.memory_space<vmem>>
      %dma_wait3A_267 = arith.constant 0 : i32
      %dma_wait3A_268 = tpu.memref_slice %arg4[%dma_wait3A_267] : memref<320000xi32, #tpu.memory_space<hbm>> -> memref<40xi32, #tpu.memory_space<hbm>>
      tpu.wait_dma2 semaphore(%arg17 : memref<!tpu.dma_semaphore, #tpu.memory_space<semaphore_mem>>) src(%dma_wait3A_268 : memref<40xi32, #tpu.memory_space<hbm>>) dst(%dma_wait3A_266 : memref<40xi32, #tpu.memory_space<vmem>>)
      %dma_wait3A_269 = arith.constant 1 : i32
      %dma_wait3A_270 = arith.constant 0 : i32
      %dma_wait3A_271 = tpu.memref_slice %arg9[%dma_wait3A_269, %dma_wait3A_270] : memref<2x40xi32, #tpu.memory_space<vmem>> -> memref<1x40xi32, #tpu.memory_space<vmem>>
      %dma_wait3A_272 = tpu.memref_squeeze %dma_wait3A_271 : memref<1x40xi32, #tpu.memory_space<vmem>> -> memref<40xi32, #tpu.memory_space<vmem>>
      %dma_wait3A_273 = arith.constant 0 : i32
      %dma_wait3A_274 = tpu.memref_slice %arg5[%dma_wait3A_273] : memref<320000xi32, #tpu.memory_space<hbm>> -> memref<40xi32, #tpu.memory_space<hbm>>
      %dma_wait3A_275 = arith.constant 0 : i32
      %dma_wait3A_276 = tpu.memref_slice %arg9[%dma_wait3A_269, %dma_wait3A_275] : memref<2x40xi32, #tpu.memory_space<vmem>> -> memref<1x40xi32, #tpu.memory_space<vmem>>
      %dma_wait3A_277 = tpu.memref_squeeze %dma_wait3A_276 : memref<1x40xi32, #tpu.memory_space<vmem>> -> memref<40xi32, #tpu.memory_space<vmem>>
      %dma_wait3A_278 = arith.constant 0 : i32
      %dma_wait3A_279 = tpu.memref_slice %arg5[%dma_wait3A_278] : memref<320000xi32, #tpu.memory_space<hbm>> -> memref<40xi32, #tpu.memory_space<hbm>>
      tpu.wait_dma2 semaphore(%arg17 : memref<!tpu.dma_semaphore, #tpu.memory_space<semaphore_mem>>) src(%dma_wait3A_279 : memref<40xi32, #tpu.memory_space<hbm>>) dst(%dma_wait3A_277 : memref<40xi32, #tpu.memory_space<vmem>>)
      %dma_start3A_280 = arith.constant 1 : i32
      %dma_start3A_281 = arith.constant 1 : i32
      %dma_start3A_282 = arith.constant 0 : i32
      %dma_start3A_283 = arith.constant 0 : i32
      %dma_start3A_284 = tpu.memref_slice %arg11[%dma_start3A_281, %dma_start3A_282, %dma_start3A_283] : memref<2x40x144xf32, #tpu.memory_space<vmem>> -> memref<1x40x144xf32, #tpu.memory_space<vmem>>
      %dma_start3A_285 = tpu.memref_squeeze %dma_start3A_284 : memref<1x40x144xf32, #tpu.memory_space<vmem>> -> memref<40x144xf32, #tpu.memory_space<vmem>>
      %dma_start3A_286 = arith.constant 0 : i32
      %dma_start3A_287 = tpu.memref_slice %arg8[%dma_start3A_280, %dma_start3A_286] : memref<2x40xi32, #tpu.memory_space<vmem>> -> memref<1x40xi32, #tpu.memory_space<vmem>>
      %dma_start3A_288 = tpu.memref_squeeze %dma_start3A_287 : memref<1x40xi32, #tpu.memory_space<vmem>> -> memref<40xi32, #tpu.memory_space<vmem>>
      %dma_start3A_289 = arith.constant 0 : i32
      %dma_start3A_290 = arith.constant 0 : i32
      %dma_start3A_291 = tpu.memref_slice %arg2[%dma_start3A_289, %dma_start3A_290] : memref<10000x144xf32, #tpu.memory_space<hbm>> -> memref<10000x144xf32, #tpu.memory_space<hbm>>
      tpu.enqueue_indirect_dma source(%dma_start3A_291 : memref<10000x144xf32, #tpu.memory_space<hbm>>) target(%dma_start3A_285 : memref<40x144xf32, #tpu.memory_space<vmem>>) offsets(%dma_start3A_288 : memref<40xi32, #tpu.memory_space<vmem>>) semaphore(%arg19 : memref<!tpu.dma_semaphore, #tpu.memory_space<semaphore_mem>>)
      %dma_start3A_292 = arith.constant 1 : i32
      %dma_start3A_293 = arith.constant 1 : i32
      %dma_start3A_294 = arith.constant 0 : i32
      %dma_start3A_295 = arith.constant 0 : i32
      %dma_start3A_296 = tpu.memref_slice %arg12[%dma_start3A_293, %dma_start3A_294, %dma_start3A_295] : memref<2x40x16xf32, #tpu.memory_space<vmem>> -> memref<1x40x16xf32, #tpu.memory_space<vmem>>
      %dma_start3A_297 = tpu.memref_squeeze %dma_start3A_296 : memref<1x40x16xf32, #tpu.memory_space<vmem>> -> memref<40x16xf32, #tpu.memory_space<vmem>>
      %dma_start3A_298 = arith.constant 0 : i32
      %dma_start3A_299 = tpu.memref_slice %arg9[%dma_start3A_292, %dma_start3A_298] : memref<2x40xi32, #tpu.memory_space<vmem>> -> memref<1x40xi32, #tpu.memory_space<vmem>>
      %dma_start3A_300 = tpu.memref_squeeze %dma_start3A_299 : memref<1x40xi32, #tpu.memory_space<vmem>> -> memref<40xi32, #tpu.memory_space<vmem>>
      %dma_start3A_301 = arith.constant 0 : i32
      %dma_start3A_302 = arith.constant 0 : i32
      %dma_start3A_303 = tpu.memref_slice %arg3[%dma_start3A_301, %dma_start3A_302] : memref<10000x16xf32, #tpu.memory_space<hbm>> -> memref<10000x16xf32, #tpu.memory_space<hbm>>
      tpu.enqueue_indirect_dma source(%dma_start3A_303 : memref<10000x16xf32, #tpu.memory_space<hbm>>) target(%dma_start3A_297 : memref<40x16xf32, #tpu.memory_space<vmem>>) offsets(%dma_start3A_300 : memref<40xi32, #tpu.memory_space<vmem>>) semaphore(%arg19 : memref<!tpu.dma_semaphore, #tpu.memory_space<semaphore_mem>>)
      %dma_wait3A_304 = arith.constant 0 : i32
      %dma_wait3A_305 = arith.constant 0 : i32
      %dma_wait3A_306 = arith.constant 0 : i32
      %dma_wait3A_307 = arith.constant 0 : i32
      %dma_wait3A_308 = tpu.memref_slice %arg11[%dma_wait3A_305, %dma_wait3A_306, %dma_wait3A_307] : memref<2x40x144xf32, #tpu.memory_space<vmem>> -> memref<1x40x144xf32, #tpu.memory_space<vmem>>
      %dma_wait3A_309 = tpu.memref_squeeze %dma_wait3A_308 : memref<1x40x144xf32, #tpu.memory_space<vmem>> -> memref<40x144xf32, #tpu.memory_space<vmem>>
      %dma_wait3A_310 = arith.constant 0 : i32
      %dma_wait3A_311 = tpu.memref_slice %arg8[%dma_wait3A_304, %dma_wait3A_310] : memref<2x40xi32, #tpu.memory_space<vmem>> -> memref<1x40xi32, #tpu.memory_space<vmem>>
      %dma_wait3A_312 = tpu.memref_squeeze %dma_wait3A_311 : memref<1x40xi32, #tpu.memory_space<vmem>> -> memref<40xi32, #tpu.memory_space<vmem>>
      %dma_wait3A_313 = arith.constant 0 : i32
      %dma_wait3A_314 = arith.constant 0 : i32
      %dma_wait3A_315 = tpu.memref_slice %arg2[%dma_wait3A_313, %dma_wait3A_314] : memref<10000x144xf32, #tpu.memory_space<hbm>> -> memref<10000x144xf32, #tpu.memory_space<hbm>>
      tpu.wait_indirect_dma semaphore(%arg18 : memref<!tpu.dma_semaphore, #tpu.memory_space<semaphore_mem>>) src(%dma_wait3A_315 : memref<10000x144xf32, #tpu.memory_space<hbm>>) dst(%dma_wait3A_309 : memref<40x144xf32, #tpu.memory_space<vmem>>)
      %dma_wait3A_316 = arith.constant 0 : i32
      %dma_wait3A_317 = arith.constant 0 : i32
      %dma_wait3A_318 = arith.constant 0 : i32
      %dma_wait3A_319 = arith.constant 0 : i32
      %dma_wait3A_320 = tpu.memref_slice %arg12[%dma_wait3A_317, %dma_wait3A_318, %dma_wait3A_319] : memref<2x40x16xf32, #tpu.memory_space<vmem>> -> memref<1x40x16xf32, #tpu.memory_space<vmem>>
      %dma_wait3A_321 = tpu.memref_squeeze %dma_wait3A_320 : memref<1x40x16xf32, #tpu.memory_space<vmem>> -> memref<40x16xf32, #tpu.memory_space<vmem>>
      %dma_wait3A_322 = arith.constant 0 : i32
      %dma_wait3A_323 = tpu.memref_slice %arg9[%dma_wait3A_316, %dma_wait3A_322] : memref<2x40xi32, #tpu.memory_space<vmem>> -> memref<1x40xi32, #tpu.memory_space<vmem>>
      %dma_wait3A_324 = tpu.memref_squeeze %dma_wait3A_323 : memref<1x40xi32, #tpu.memory_space<vmem>> -> memref<40xi32, #tpu.memory_space<vmem>>
      %dma_wait3A_325 = arith.constant 0 : i32
      %dma_wait3A_326 = arith.constant 0 : i32
      %dma_wait3A_327 = tpu.memref_slice %arg3[%dma_wait3A_325, %dma_wait3A_326] : memref<10000x16xf32, #tpu.memory_space<hbm>> -> memref<10000x16xf32, #tpu.memory_space<hbm>>
      tpu.wait_indirect_dma semaphore(%arg18 : memref<!tpu.dma_semaphore, #tpu.memory_space<semaphore_mem>>) src(%dma_wait3A_327 : memref<10000x16xf32, #tpu.memory_space<hbm>>) dst(%dma_wait3A_321 : memref<40x16xf32, #tpu.memory_space<vmem>>)
      %dma_wait3A_328 = arith.constant 0 : i32
      %dma_wait3A_329 = arith.constant 0 : i32
      %dma_wait3A_330 = arith.constant 0 : i32
      %dma_wait3A_331 = arith.constant 0 : i32
      %dma_wait3A_332 = tpu.memref_slice %arg13[%dma_wait3A_328, %dma_wait3A_330, %dma_wait3A_331] : memref<2x40x144xf32, #tpu.memory_space<vmem>> -> memref<1x40x144xf32, #tpu.memory_space<vmem>>
      %dma_wait3A_333 = tpu.memref_squeeze %dma_wait3A_332 : memref<1x40x144xf32, #tpu.memory_space<vmem>> -> memref<40x144xf32, #tpu.memory_space<vmem>>
      %dma_wait3A_334 = arith.constant 0 : i32
      %dma_wait3A_335 = tpu.memref_slice %arg10[%dma_wait3A_329, %dma_wait3A_334] : memref<2x40xi32, #tpu.memory_space<vmem>> -> memref<1x40xi32, #tpu.memory_space<vmem>>
      %dma_wait3A_336 = tpu.memref_squeeze %dma_wait3A_335 : memref<1x40xi32, #tpu.memory_space<vmem>> -> memref<40xi32, #tpu.memory_space<vmem>>
      %dma_wait3A_337 = arith.constant 0 : i32
      %dma_wait3A_338 = arith.constant 0 : i32
      %dma_wait3A_339 = tpu.memref_slice %arg15[%dma_wait3A_337, %dma_wait3A_338] : memref<10240x144xf32, #tpu.memory_space<vmem_shared>> -> memref<10240x144xf32, #tpu.memory_space<vmem_shared>>
      tpu.wait_indirect_dma semaphore(%arg20 : memref<!tpu.dma_semaphore, #tpu.memory_space<semaphore_mem>>) src(%dma_wait3A_333 : memref<40x144xf32, #tpu.memory_space<vmem>>) dst(%dma_wait3A_339 : memref<10240x144xf32, #tpu.memory_space<vmem_shared>>)
      %mul3A_340 = arith.constant 10000 : i32
      %mul3A_341 = arith.muli %add3A, %mul3A_340 : i32
      %mul3A_342 = arith.constant 40 : i32
      %mul3A_343 = arith.muli %mul3A_257, %mul3A_342 : i32
      %add3A_344 = arith.addi %mul3A_341, %mul3A_343 : i32
      %dma_start3A_345 = arith.constant 0 : i32
      %dma_start3A_346 = arith.constant 0 : i32
      %dma_start3A_347 = tpu.memref_slice %arg10[%dma_start3A_345, %dma_start3A_346] : memref<2x40xi32, #tpu.memory_space<vmem>> -> memref<1x40xi32, #tpu.memory_space<vmem>>
      %dma_start3A_348 = tpu.memref_squeeze %dma_start3A_347 : memref<1x40xi32, #tpu.memory_space<vmem>> -> memref<40xi32, #tpu.memory_space<vmem>>
      %dma_start3A_349 = tpu.memref_slice %arg5[%add3A_344] : memref<320000xi32, #tpu.memory_space<hbm>> -> memref<40xi32, #tpu.memory_space<hbm>>
      %dma_start3A_350 = arith.constant 0 : i32
      %dma_start3A_351 = tpu.memref_slice %arg10[%dma_start3A_345, %dma_start3A_350] : memref<2x40xi32, #tpu.memory_space<vmem>> -> memref<1x40xi32, #tpu.memory_space<vmem>>
      %dma_start3A_352 = tpu.memref_squeeze %dma_start3A_351 : memref<1x40xi32, #tpu.memory_space<vmem>> -> memref<40xi32, #tpu.memory_space<vmem>>
      %dma_start3A_353 = tpu.memref_slice %arg5[%add3A_344] : memref<320000xi32, #tpu.memory_space<hbm>> -> memref<40xi32, #tpu.memory_space<hbm>>
      tpu.enqueue_dma source(%dma_start3A_353 : memref<40xi32, #tpu.memory_space<hbm>>) target(%dma_start3A_352 : memref<40xi32, #tpu.memory_space<vmem>>) target_semaphore(%arg22 : memref<!tpu.dma_semaphore, #tpu.memory_space<semaphore_mem>>)
      %scan3A_354 = arith.constant 0 : i32
      %scan3A_355 = arith.constant 0 : i32
      %scan3A_356 = arith.constant 20 : i32
      %scan3A_357 = arith.addi %scan3A_355, %scan3A_356 : i32
      %scan3A_358 = arith.constant 1 : i32
      scf.for %scan3A_565 = %scan3A_355 to %scan3A_357 step %scan3A_358  : i32 {
        %mul3A_566 = arith.constant 2 : i32
        %mul3A_567 = arith.muli %mul3A_566, %scan3A_565 : i32
        %add3A_568 = arith.constant 1 : i32
        %add3A_569 = arith.addi %mul3A_567, %add3A_568 : i32
        %get3A_570 = arith.constant 0 : i32
        %get3A_571 = arith.index_cast %get3A_570 : i32 to index
        %get3A_572 = arith.index_cast %mul3A_567 : i32 to index
        %get3A_573 = arith.constant 128 : index
        %get3A_574 = tpu.vector_load %arg11[%get3A_571, %get3A_572, %get3A_573] {strides = array<i32>} : memref<2x40x144xf32, #tpu.memory_space<vmem>>, vector<16xf32>,
        %get3A_575 = arith.constant 0 : i32
        %get3A_576 = arith.index_cast %get3A_575 : i32 to index
        %get3A_577 = arith.index_cast %mul3A_567 : i32 to index
        %get3A_578 = arith.constant 0 : index
        %get3A_579 = tpu.vector_load %arg12[%get3A_576, %get3A_577, %get3A_578] {strides = array<i32>} : memref<2x40x16xf32, #tpu.memory_space<vmem>>, vector<16xf32>,
        %add3A_580 = arith.addf %get3A_574, %get3A_579 : vector<16xf32>
        %get3A_581 = arith.constant 0 : i32
        %get3A_582 = arith.index_cast %get3A_581 : i32 to index
        %get3A_583 = arith.index_cast %add3A_569 : i32 to index
        %get3A_584 = arith.constant 128 : index
        %get3A_585 = tpu.vector_load %arg11[%get3A_582, %get3A_583, %get3A_584] {strides = array<i32>} : memref<2x40x144xf32, #tpu.memory_space<vmem>>, vector<16xf32>,
        %get3A_586 = arith.constant 0 : i32
        %get3A_587 = arith.index_cast %get3A_586 : i32 to index
        %get3A_588 = arith.index_cast %add3A_569 : i32 to index
        %get3A_589 = arith.constant 0 : index
        %get3A_590 = tpu.vector_load %arg12[%get3A_587, %get3A_588, %get3A_589] {strides = array<i32>} : memref<2x40x16xf32, #tpu.memory_space<vmem>>, vector<16xf32>,
        %add3A_591 = arith.addf %get3A_585, %get3A_590 : vector<16xf32>
        %mul3A_592 = arith.constant 2.000000e-01 : f32
        %mul3A_593 = vector.broadcast %mul3A_592 : f32 to vector<16xf32>
        %mul3A_594 = arith.mulf %mul3A_593, %add3A_580 : vector<16xf32>
        %max3A = arith.maximumf %add3A_580, %mul3A_594 : vector<16xf32>
        %mul3A_595 = arith.constant 2.000000e-01 : f32
        %mul3A_596 = vector.broadcast %mul3A_595 : f32 to vector<16xf32>
        %mul3A_597 = arith.mulf %mul3A_596, %add3A_591 : vector<16xf32>
        %max3A_598 = arith.maximumf %add3A_591, %mul3A_597 : vector<16xf32>
        %sub3A = arith.subf %max3A, %get3A_13 : vector<16xf32>
        %exp3A = math.exp %sub3A : vector<16xf32>
        %sub3A_599 = arith.subf %max3A_598, %get3A_13 : vector<16xf32>
        %exp3A_600 = math.exp %sub3A_599 : vector<16xf32>
        %swap3A = arith.constant 0 : i32
        %swap3A_601 = arith.index_cast %swap3A : i32 to index
        %swap3A_602 = arith.index_cast %mul3A_567 : i32 to index
        %swap3A_603 = arith.constant 128 : index
        %swap3A_604 = tpu.vector_load %arg13[%swap3A_601, %swap3A_602, %swap3A_603] {strides = array<i32>} : memref<2x40x144xf32, #tpu.memory_space<vmem>>, vector<16xf32>,
        tpu.vector_store %arg13[%swap3A_601, %swap3A_602, %swap3A_603], %exp3A {strides = array<i32>} : memref<2x40x144xf32, #tpu.memory_space<vmem>>, vector<16xf32>,
        %eq3A = arith.constant 0 : i32
        %eq3A_605 = vector.broadcast %eq3A : i32 to vector<16xi32>
        %eq3A_606 = arith.cmpi eq, %iota3A, %eq3A_605 : vector<16xi32>
        %convert_element_type3A = arith.extui %eq3A_606 : vector<16xi1> to vector<16xi32>
        %convert_element_type3A_607 = arith.sitofp %convert_element_type3A : vector<16xi32> to vector<16xf32>
        %mul3A_608 = arith.mulf %exp3A, %convert_element_type3A_607 : vector<16xf32>
        %reduce_sum3A = arith.constant true
        %reduce_sum3A_609 = vector.broadcast %reduce_sum3A : i1 to vector<16xi1>
        %reduce_sum3A_610 = tpu.scan <sum>, %mul3A_608 masked %reduce_sum3A_609 : vector<16xf32>, vector<16xi1> -> vector<16xf32>
        %reduce_sum3A_611 = vector.extract %reduce_sum3A_610[15] : f32 from vector<16xf32>
        %broadcast_in_dim3A_612 = vector.broadcast %reduce_sum3A_611 : f32 to vector<16xf32>
        %get3A_613 = arith.constant 0 : i32
        %get3A_614 = arith.index_cast %get3A_613 : i32 to index
        %get3A_615 = arith.index_cast %mul3A_567 : i32 to index
        %get3A_616 = arith.constant 0 : index
        %get3A_617 = tpu.vector_load %arg11[%get3A_614, %get3A_615, %get3A_616] {strides = array<i32>} : memref<2x40x144xf32, #tpu.memory_space<vmem>>, vector<16xf32>,
        %mul3A_618 = arith.mulf %get3A_617, %broadcast_in_dim3A_612 : vector<16xf32>
        %swap3A_619 = arith.constant 0 : i32
        %swap3A_620 = arith.index_cast %swap3A_619 : i32 to index
        %swap3A_621 = arith.index_cast %mul3A_567 : i32 to index
        %swap3A_622 = arith.constant 0 : index
        %swap3A_623 = tpu.vector_load %arg13[%swap3A_620, %swap3A_621, %swap3A_622] {strides = array<i32>} : memref<2x40x144xf32, #tpu.memory_space<vmem>>, vector<16xf32>,
        tpu.vector_store %arg13[%swap3A_620, %swap3A_621, %swap3A_622], %mul3A_618 {strides = array<i32>} : memref<2x40x144xf32, #tpu.memory_space<vmem>>, vector<16xf32>,
        %eq3A_624 = arith.constant 1 : i32
        %eq3A_625 = vector.broadcast %eq3A_624 : i32 to vector<16xi32>
        %eq3A_626 = arith.cmpi eq, %iota3A, %eq3A_625 : vector<16xi32>
        %convert_element_type3A_627 = arith.extui %eq3A_626 : vector<16xi1> to vector<16xi32>
        %convert_element_type3A_628 = arith.sitofp %convert_element_type3A_627 : vector<16xi32> to vector<16xf32>
        %mul3A_629 = arith.mulf %exp3A, %convert_element_type3A_628 : vector<16xf32>
        %reduce_sum3A_630 = arith.constant true
        %reduce_sum3A_631 = vector.broadcast %reduce_sum3A_630 : i1 to vector<16xi1>
        %reduce_sum3A_632 = tpu.scan <sum>, %mul3A_629 masked %reduce_sum3A_631 : vector<16xf32>, vector<16xi1> -> vector<16xf32>
        %reduce_sum3A_633 = vector.extract %reduce_sum3A_632[15] : f32 from vector<16xf32>
        %broadcast_in_dim3A_634 = vector.broadcast %reduce_sum3A_633 : f32 to vector<16xf32>
        %get3A_635 = arith.constant 0 : i32
        %get3A_636 = arith.index_cast %get3A_635 : i32 to index
        %get3A_637 = arith.index_cast %mul3A_567 : i32 to index
        %get3A_638 = arith.constant 16 : index
        %get3A_639 = tpu.vector_load %arg11[%get3A_636, %get3A_637, %get3A_638] {strides = array<i32>} : memref<2x40x144xf32, #tpu.memory_space<vmem>>, vector<16xf32>,
        %mul3A_640 = arith.mulf %get3A_639, %broadcast_in_dim3A_634 : vector<16xf32>
        %swap3A_641 = arith.constant 0 : i32
        %swap3A_642 = arith.index_cast %swap3A_641 : i32 to index
        %swap3A_643 = arith.index_cast %mul3A_567 : i32 to index
        %swap3A_644 = arith.constant 16 : index
        %swap3A_645 = tpu.vector_load %arg13[%swap3A_642, %swap3A_643, %swap3A_644] {strides = array<i32>} : memref<2x40x144xf32, #tpu.memory_space<vmem>>, vector<16xf32>,
        tpu.vector_store %arg13[%swap3A_642, %swap3A_643, %swap3A_644], %mul3A_640 {strides = array<i32>} : memref<2x40x144xf32, #tpu.memory_space<vmem>>, vector<16xf32>,
        %eq3A_646 = arith.constant 2 : i32
        %eq3A_647 = vector.broadcast %eq3A_646 : i32 to vector<16xi32>
        %eq3A_648 = arith.cmpi eq, %iota3A, %eq3A_647 : vector<16xi32>
        %convert_element_type3A_649 = arith.extui %eq3A_648 : vector<16xi1> to vector<16xi32>
        %convert_element_type3A_650 = arith.sitofp %convert_element_type3A_649 : vector<16xi32> to vector<16xf32>
        %mul3A_651 = arith.mulf %exp3A, %convert_element_type3A_650 : vector<16xf32>
        %reduce_sum3A_652 = arith.constant true
        %reduce_sum3A_653 = vector.broadcast %reduce_sum3A_652 : i1 to vector<16xi1>
        %reduce_sum3A_654 = tpu.scan <sum>, %mul3A_651 masked %reduce_sum3A_653 : vector<16xf32>, vector<16xi1> -> vector<16xf32>
        %reduce_sum3A_655 = vector.extract %reduce_sum3A_654[15] : f32 from vector<16xf32>
        %broadcast_in_dim3A_656 = vector.broadcast %reduce_sum3A_655 : f32 to vector<16xf32>
        %get3A_657 = arith.constant 0 : i32
        %get3A_658 = arith.index_cast %get3A_657 : i32 to index
        %get3A_659 = arith.index_cast %mul3A_567 : i32 to index
        %get3A_660 = arith.constant 32 : index
        %get3A_661 = tpu.vector_load %arg11[%get3A_658, %get3A_659, %get3A_660] {strides = array<i32>} : memref<2x40x144xf32, #tpu.memory_space<vmem>>, vector<16xf32>,
        %mul3A_662 = arith.mulf %get3A_661, %broadcast_in_dim3A_656 : vector<16xf32>
        %swap3A_663 = arith.constant 0 : i32
        %swap3A_664 = arith.index_cast %swap3A_663 : i32 to index
        %swap3A_665 = arith.index_cast %mul3A_567 : i32 to index
        %swap3A_666 = arith.constant 32 : index
        %swap3A_667 = tpu.vector_load %arg13[%swap3A_664, %swap3A_665, %swap3A_666] {strides = array<i32>} : memref<2x40x144xf32, #tpu.memory_space<vmem>>, vector<16xf32>,
        tpu.vector_store %arg13[%swap3A_664, %swap3A_665, %swap3A_666], %mul3A_662 {strides = array<i32>} : memref<2x40x144xf32, #tpu.memory_space<vmem>>, vector<16xf32>,
        %eq3A_668 = arith.constant 3 : i32
        %eq3A_669 = vector.broadcast %eq3A_668 : i32 to vector<16xi32>
        %eq3A_670 = arith.cmpi eq, %iota3A, %eq3A_669 : vector<16xi32>
        %convert_element_type3A_671 = arith.extui %eq3A_670 : vector<16xi1> to vector<16xi32>
        %convert_element_type3A_672 = arith.sitofp %convert_element_type3A_671 : vector<16xi32> to vector<16xf32>
        %mul3A_673 = arith.mulf %exp3A, %convert_element_type3A_672 : vector<16xf32>
        %reduce_sum3A_674 = arith.constant true
        %reduce_sum3A_675 = vector.broadcast %reduce_sum3A_674 : i1 to vector<16xi1>
        %reduce_sum3A_676 = tpu.scan <sum>, %mul3A_673 masked %reduce_sum3A_675 : vector<16xf32>, vector<16xi1> -> vector<16xf32>
        %reduce_sum3A_677 = vector.extract %reduce_sum3A_676[15] : f32 from vector<16xf32>
        %broadcast_in_dim3A_678 = vector.broadcast %reduce_sum3A_677 : f32 to vector<16xf32>
        %get3A_679 = arith.constant 0 : i32
        %get3A_680 = arith.index_cast %get3A_679 : i32 to index
        %get3A_681 = arith.index_cast %mul3A_567 : i32 to index
        %get3A_682 = arith.constant 48 : index
        %get3A_683 = tpu.vector_load %arg11[%get3A_680, %get3A_681, %get3A_682] {strides = array<i32>} : memref<2x40x144xf32, #tpu.memory_space<vmem>>, vector<16xf32>,
        %mul3A_684 = arith.mulf %get3A_683, %broadcast_in_dim3A_678 : vector<16xf32>
        %swap3A_685 = arith.constant 0 : i32
        %swap3A_686 = arith.index_cast %swap3A_685 : i32 to index
        %swap3A_687 = arith.index_cast %mul3A_567 : i32 to index
        %swap3A_688 = arith.constant 48 : index
        %swap3A_689 = tpu.vector_load %arg13[%swap3A_686, %swap3A_687, %swap3A_688] {strides = array<i32>} : memref<2x40x144xf32, #tpu.memory_space<vmem>>, vector<16xf32>,
        tpu.vector_store %arg13[%swap3A_686, %swap3A_687, %swap3A_688], %mul3A_684 {strides = array<i32>} : memref<2x40x144xf32, #tpu.memory_space<vmem>>, vector<16xf32>,
        %eq3A_690 = arith.constant 4 : i32
        %eq3A_691 = vector.broadcast %eq3A_690 : i32 to vector<16xi32>
        %eq3A_692 = arith.cmpi eq, %iota3A, %eq3A_691 : vector<16xi32>
        %convert_element_type3A_693 = arith.extui %eq3A_692 : vector<16xi1> to vector<16xi32>
        %convert_element_type3A_694 = arith.sitofp %convert_element_type3A_693 : vector<16xi32> to vector<16xf32>
        %mul3A_695 = arith.mulf %exp3A, %convert_element_type3A_694 : vector<16xf32>
        %reduce_sum3A_696 = arith.constant true
        %reduce_sum3A_697 = vector.broadcast %reduce_sum3A_696 : i1 to vector<16xi1>
        %reduce_sum3A_698 = tpu.scan <sum>, %mul3A_695 masked %reduce_sum3A_697 : vector<16xf32>, vector<16xi1> -> vector<16xf32>
        %reduce_sum3A_699 = vector.extract %reduce_sum3A_698[15] : f32 from vector<16xf32>
        %broadcast_in_dim3A_700 = vector.broadcast %reduce_sum3A_699 : f32 to vector<16xf32>
        %get3A_701 = arith.constant 0 : i32
        %get3A_702 = arith.index_cast %get3A_701 : i32 to index
        %get3A_703 = arith.index_cast %mul3A_567 : i32 to index
        %get3A_704 = arith.constant 64 : index
        %get3A_705 = tpu.vector_load %arg11[%get3A_702, %get3A_703, %get3A_704] {strides = array<i32>} : memref<2x40x144xf32, #tpu.memory_space<vmem>>, vector<16xf32>,
        %mul3A_706 = arith.mulf %get3A_705, %broadcast_in_dim3A_700 : vector<16xf32>
        %swap3A_707 = arith.constant 0 : i32
        %swap3A_708 = arith.index_cast %swap3A_707 : i32 to index
        %swap3A_709 = arith.index_cast %mul3A_567 : i32 to index
        %swap3A_710 = arith.constant 64 : index
        %swap3A_711 = tpu.vector_load %arg13[%swap3A_708, %swap3A_709, %swap3A_710] {strides = array<i32>} : memref<2x40x144xf32, #tpu.memory_space<vmem>>, vector<16xf32>,
        tpu.vector_store %arg13[%swap3A_708, %swap3A_709, %swap3A_710], %mul3A_706 {strides = array<i32>} : memref<2x40x144xf32, #tpu.memory_space<vmem>>, vector<16xf32>,
        %eq3A_712 = arith.constant 5 : i32
        %eq3A_713 = vector.broadcast %eq3A_712 : i32 to vector<16xi32>
        %eq3A_714 = arith.cmpi eq, %iota3A, %eq3A_713 : vector<16xi32>
        %convert_element_type3A_715 = arith.extui %eq3A_714 : vector<16xi1> to vector<16xi32>
        %convert_element_type3A_716 = arith.sitofp %convert_element_type3A_715 : vector<16xi32> to vector<16xf32>
        %mul3A_717 = arith.mulf %exp3A, %convert_element_type3A_716 : vector<16xf32>
        %reduce_sum3A_718 = arith.constant true
        %reduce_sum3A_719 = vector.broadcast %reduce_sum3A_718 : i1 to vector<16xi1>
        %reduce_sum3A_720 = tpu.scan <sum>, %mul3A_717 masked %reduce_sum3A_719 : vector<16xf32>, vector<16xi1> -> vector<16xf32>
        %reduce_sum3A_721 = vector.extract %reduce_sum3A_720[15] : f32 from vector<16xf32>
        %broadcast_in_dim3A_722 = vector.broadcast %reduce_sum3A_721 : f32 to vector<16xf32>
        %get3A_723 = arith.constant 0 : i32
        %get3A_724 = arith.index_cast %get3A_723 : i32 to index
        %get3A_725 = arith.index_cast %mul3A_567 : i32 to index
        %get3A_726 = arith.constant 80 : index
        %get3A_727 = tpu.vector_load %arg11[%get3A_724, %get3A_725, %get3A_726] {strides = array<i32>} : memref<2x40x144xf32, #tpu.memory_space<vmem>>, vector<16xf32>,
        %mul3A_728 = arith.mulf %get3A_727, %broadcast_in_dim3A_722 : vector<16xf32>
        %swap3A_729 = arith.constant 0 : i32
        %swap3A_730 = arith.index_cast %swap3A_729 : i32 to index
        %swap3A_731 = arith.index_cast %mul3A_567 : i32 to index
        %swap3A_732 = arith.constant 80 : index
        %swap3A_733 = tpu.vector_load %arg13[%swap3A_730, %swap3A_731, %swap3A_732] {strides = array<i32>} : memref<2x40x144xf32, #tpu.memory_space<vmem>>, vector<16xf32>,
        tpu.vector_store %arg13[%swap3A_730, %swap3A_731, %swap3A_732], %mul3A_728 {strides = array<i32>} : memref<2x40x144xf32, #tpu.memory_space<vmem>>, vector<16xf32>,
        %eq3A_734 = arith.constant 6 : i32
        %eq3A_735 = vector.broadcast %eq3A_734 : i32 to vector<16xi32>
        %eq3A_736 = arith.cmpi eq, %iota3A, %eq3A_735 : vector<16xi32>
        %convert_element_type3A_737 = arith.extui %eq3A_736 : vector<16xi1> to vector<16xi32>
        %convert_element_type3A_738 = arith.sitofp %convert_element_type3A_737 : vector<16xi32> to vector<16xf32>
        %mul3A_739 = arith.mulf %exp3A, %convert_element_type3A_738 : vector<16xf32>
        %reduce_sum3A_740 = arith.constant true
        %reduce_sum3A_741 = vector.broadcast %reduce_sum3A_740 : i1 to vector<16xi1>
        %reduce_sum3A_742 = tpu.scan <sum>, %mul3A_739 masked %reduce_sum3A_741 : vector<16xf32>, vector<16xi1> -> vector<16xf32>
        %reduce_sum3A_743 = vector.extract %reduce_sum3A_742[15] : f32 from vector<16xf32>
        %broadcast_in_dim3A_744 = vector.broadcast %reduce_sum3A_743 : f32 to vector<16xf32>
        %get3A_745 = arith.constant 0 : i32
        %get3A_746 = arith.index_cast %get3A_745 : i32 to index
        %get3A_747 = arith.index_cast %mul3A_567 : i32 to index
        %get3A_748 = arith.constant 96 : index
        %get3A_749 = tpu.vector_load %arg11[%get3A_746, %get3A_747, %get3A_748] {strides = array<i32>} : memref<2x40x144xf32, #tpu.memory_space<vmem>>, vector<16xf32>,
        %mul3A_750 = arith.mulf %get3A_749, %broadcast_in_dim3A_744 : vector<16xf32>
        %swap3A_751 = arith.constant 0 : i32
        %swap3A_752 = arith.index_cast %swap3A_751 : i32 to index
        %swap3A_753 = arith.index_cast %mul3A_567 : i32 to index
        %swap3A_754 = arith.constant 96 : index
        %swap3A_755 = tpu.vector_load %arg13[%swap3A_752, %swap3A_753, %swap3A_754] {strides = array<i32>} : memref<2x40x144xf32, #tpu.memory_space<vmem>>, vector<16xf32>,
        tpu.vector_store %arg13[%swap3A_752, %swap3A_753, %swap3A_754], %mul3A_750 {strides = array<i32>} : memref<2x40x144xf32, #tpu.memory_space<vmem>>, vector<16xf32>,
        %eq3A_756 = arith.constant 7 : i32
        %eq3A_757 = vector.broadcast %eq3A_756 : i32 to vector<16xi32>
        %eq3A_758 = arith.cmpi eq, %iota3A, %eq3A_757 : vector<16xi32>
        %convert_element_type3A_759 = arith.extui %eq3A_758 : vector<16xi1> to vector<16xi32>
        %convert_element_type3A_760 = arith.sitofp %convert_element_type3A_759 : vector<16xi32> to vector<16xf32>
        %mul3A_761 = arith.mulf %exp3A, %convert_element_type3A_760 : vector<16xf32>
        %reduce_sum3A_762 = arith.constant true
        %reduce_sum3A_763 = vector.broadcast %reduce_sum3A_762 : i1 to vector<16xi1>
        %reduce_sum3A_764 = tpu.scan <sum>, %mul3A_761 masked %reduce_sum3A_763 : vector<16xf32>, vector<16xi1> -> vector<16xf32>
        %reduce_sum3A_765 = vector.extract %reduce_sum3A_764[15] : f32 from vector<16xf32>
        %broadcast_in_dim3A_766 = vector.broadcast %reduce_sum3A_765 : f32 to vector<16xf32>
        %get3A_767 = arith.constant 0 : i32
        %get3A_768 = arith.index_cast %get3A_767 : i32 to index
        %get3A_769 = arith.index_cast %mul3A_567 : i32 to index
        %get3A_770 = arith.constant 112 : index
        %get3A_771 = tpu.vector_load %arg11[%get3A_768, %get3A_769, %get3A_770] {strides = array<i32>} : memref<2x40x144xf32, #tpu.memory_space<vmem>>, vector<16xf32>,
        %mul3A_772 = arith.mulf %get3A_771, %broadcast_in_dim3A_766 : vector<16xf32>
        %swap3A_773 = arith.constant 0 : i32
        %swap3A_774 = arith.index_cast %swap3A_773 : i32 to index
        %swap3A_775 = arith.index_cast %mul3A_567 : i32 to index
        %swap3A_776 = arith.constant 112 : index
        %swap3A_777 = tpu.vector_load %arg13[%swap3A_774, %swap3A_775, %swap3A_776] {strides = array<i32>} : memref<2x40x144xf32, #tpu.memory_space<vmem>>, vector<16xf32>,
        tpu.vector_store %arg13[%swap3A_774, %swap3A_775, %swap3A_776], %mul3A_772 {strides = array<i32>} : memref<2x40x144xf32, #tpu.memory_space<vmem>>, vector<16xf32>,
        %swap3A_778 = arith.constant 0 : i32
        %swap3A_779 = arith.index_cast %swap3A_778 : i32 to index
        %swap3A_780 = arith.index_cast %add3A_569 : i32 to index
        %swap3A_781 = arith.constant 128 : index
        %swap3A_782 = tpu.vector_load %arg13[%swap3A_779, %swap3A_780, %swap3A_781] {strides = array<i32>} : memref<2x40x144xf32, #tpu.memory_space<vmem>>, vector<16xf32>,
        tpu.vector_store %arg13[%swap3A_779, %swap3A_780, %swap3A_781], %exp3A_600 {strides = array<i32>} : memref<2x40x144xf32, #tpu.memory_space<vmem>>, vector<16xf32>,
        %eq3A_783 = arith.constant 0 : i32
        %eq3A_784 = vector.broadcast %eq3A_783 : i32 to vector<16xi32>
        %eq3A_785 = arith.cmpi eq, %iota3A, %eq3A_784 : vector<16xi32>
        %convert_element_type3A_786 = arith.extui %eq3A_785 : vector<16xi1> to vector<16xi32>
        %convert_element_type3A_787 = arith.sitofp %convert_element_type3A_786 : vector<16xi32> to vector<16xf32>
        %mul3A_788 = arith.mulf %exp3A_600, %convert_element_type3A_787 : vector<16xf32>
        %reduce_sum3A_789 = arith.constant true
        %reduce_sum3A_790 = vector.broadcast %reduce_sum3A_789 : i1 to vector<16xi1>
        %reduce_sum3A_791 = tpu.scan <sum>, %mul3A_788 masked %reduce_sum3A_790 : vector<16xf32>, vector<16xi1> -> vector<16xf32>
        %reduce_sum3A_792 = vector.extract %reduce_sum3A_791[15] : f32 from vector<16xf32>
        %broadcast_in_dim3A_793 = vector.broadcast %reduce_sum3A_792 : f32 to vector<16xf32>
        %get3A_794 = arith.constant 0 : i32
        %get3A_795 = arith.index_cast %get3A_794 : i32 to index
        %get3A_796 = arith.index_cast %add3A_569 : i32 to index
        %get3A_797 = arith.constant 0 : index
        %get3A_798 = tpu.vector_load %arg11[%get3A_795, %get3A_796, %get3A_797] {strides = array<i32>} : memref<2x40x144xf32, #tpu.memory_space<vmem>>, vector<16xf32>,
        %mul3A_799 = arith.mulf %get3A_798, %broadcast_in_dim3A_793 : vector<16xf32>
        %swap3A_800 = arith.constant 0 : i32
        %swap3A_801 = arith.index_cast %swap3A_800 : i32 to index
        %swap3A_802 = arith.index_cast %add3A_569 : i32 to index
        %swap3A_803 = arith.constant 0 : index
        %swap3A_804 = tpu.vector_load %arg13[%swap3A_801, %swap3A_802, %swap3A_803] {strides = array<i32>} : memref<2x40x144xf32, #tpu.memory_space<vmem>>, vector<16xf32>,
        tpu.vector_store %arg13[%swap3A_801, %swap3A_802, %swap3A_803], %mul3A_799 {strides = array<i32>} : memref<2x40x144xf32, #tpu.memory_space<vmem>>, vector<16xf32>,
        %eq3A_805 = arith.constant 1 : i32
        %eq3A_806 = vector.broadcast %eq3A_805 : i32 to vector<16xi32>
        %eq3A_807 = arith.cmpi eq, %iota3A, %eq3A_806 : vector<16xi32>
        %convert_element_type3A_808 = arith.extui %eq3A_807 : vector<16xi1> to vector<16xi32>
        %convert_element_type3A_809 = arith.sitofp %convert_element_type3A_808 : vector<16xi32> to vector<16xf32>
        %mul3A_810 = arith.mulf %exp3A_600, %convert_element_type3A_809 : vector<16xf32>
        %reduce_sum3A_811 = arith.constant true
        %reduce_sum3A_812 = vector.broadcast %reduce_sum3A_811 : i1 to vector<16xi1>
        %reduce_sum3A_813 = tpu.scan <sum>, %mul3A_810 masked %reduce_sum3A_812 : vector<16xf32>, vector<16xi1> -> vector<16xf32>
        %reduce_sum3A_814 = vector.extract %reduce_sum3A_813[15] : f32 from vector<16xf32>
        %broadcast_in_dim3A_815 = vector.broadcast %reduce_sum3A_814 : f32 to vector<16xf32>
        %get3A_816 = arith.constant 0 : i32
        %get3A_817 = arith.index_cast %get3A_816 : i32 to index
        %get3A_818 = arith.index_cast %add3A_569 : i32 to index
        %get3A_819 = arith.constant 16 : index
        %get3A_820 = tpu.vector_load %arg11[%get3A_817, %get3A_818, %get3A_819] {strides = array<i32>} : memref<2x40x144xf32, #tpu.memory_space<vmem>>, vector<16xf32>,
        %mul3A_821 = arith.mulf %get3A_820, %broadcast_in_dim3A_815 : vector<16xf32>
        %swap3A_822 = arith.constant 0 : i32
        %swap3A_823 = arith.index_cast %swap3A_822 : i32 to index
        %swap3A_824 = arith.index_cast %add3A_569 : i32 to index
        %swap3A_825 = arith.constant 16 : index
        %swap3A_826 = tpu.vector_load %arg13[%swap3A_823, %swap3A_824, %swap3A_825] {strides = array<i32>} : memref<2x40x144xf32, #tpu.memory_space<vmem>>, vector<16xf32>,
        tpu.vector_store %arg13[%swap3A_823, %swap3A_824, %swap3A_825], %mul3A_821 {strides = array<i32>} : memref<2x40x144xf32, #tpu.memory_space<vmem>>, vector<16xf32>,
        %eq3A_827 = arith.constant 2 : i32
        %eq3A_828 = vector.broadcast %eq3A_827 : i32 to vector<16xi32>
        %eq3A_829 = arith.cmpi eq, %iota3A, %eq3A_828 : vector<16xi32>
        %convert_element_type3A_830 = arith.extui %eq3A_829 : vector<16xi1> to vector<16xi32>
        %convert_element_type3A_831 = arith.sitofp %convert_element_type3A_830 : vector<16xi32> to vector<16xf32>
        %mul3A_832 = arith.mulf %exp3A_600, %convert_element_type3A_831 : vector<16xf32>
        %reduce_sum3A_833 = arith.constant true
        %reduce_sum3A_834 = vector.broadcast %reduce_sum3A_833 : i1 to vector<16xi1>
        %reduce_sum3A_835 = tpu.scan <sum>, %mul3A_832 masked %reduce_sum3A_834 : vector<16xf32>, vector<16xi1> -> vector<16xf32>
        %reduce_sum3A_836 = vector.extract %reduce_sum3A_835[15] : f32 from vector<16xf32>
        %broadcast_in_dim3A_837 = vector.broadcast %reduce_sum3A_836 : f32 to vector<16xf32>
        %get3A_838 = arith.constant 0 : i32
        %get3A_839 = arith.index_cast %get3A_838 : i32 to index
        %get3A_840 = arith.index_cast %add3A_569 : i32 to index
        %get3A_841 = arith.constant 32 : index
        %get3A_842 = tpu.vector_load %arg11[%get3A_839, %get3A_840, %get3A_841] {strides = array<i32>} : memref<2x40x144xf32, #tpu.memory_space<vmem>>, vector<16xf32>,
        %mul3A_843 = arith.mulf %get3A_842, %broadcast_in_dim3A_837 : vector<16xf32>
        %swap3A_844 = arith.constant 0 : i32
        %swap3A_845 = arith.index_cast %swap3A_844 : i32 to index
        %swap3A_846 = arith.index_cast %add3A_569 : i32 to index
        %swap3A_847 = arith.constant 32 : index
        %swap3A_848 = tpu.vector_load %arg13[%swap3A_845, %swap3A_846, %swap3A_847] {strides = array<i32>} : memref<2x40x144xf32, #tpu.memory_space<vmem>>, vector<16xf32>,
        tpu.vector_store %arg13[%swap3A_845, %swap3A_846, %swap3A_847], %mul3A_843 {strides = array<i32>} : memref<2x40x144xf32, #tpu.memory_space<vmem>>, vector<16xf32>,
        %eq3A_849 = arith.constant 3 : i32
        %eq3A_850 = vector.broadcast %eq3A_849 : i32 to vector<16xi32>
        %eq3A_851 = arith.cmpi eq, %iota3A, %eq3A_850 : vector<16xi32>
        %convert_element_type3A_852 = arith.extui %eq3A_851 : vector<16xi1> to vector<16xi32>
        %convert_element_type3A_853 = arith.sitofp %convert_element_type3A_852 : vector<16xi32> to vector<16xf32>
        %mul3A_854 = arith.mulf %exp3A_600, %convert_element_type3A_853 : vector<16xf32>
        %reduce_sum3A_855 = arith.constant true
        %reduce_sum3A_856 = vector.broadcast %reduce_sum3A_855 : i1 to vector<16xi1>
        %reduce_sum3A_857 = tpu.scan <sum>, %mul3A_854 masked %reduce_sum3A_856 : vector<16xf32>, vector<16xi1> -> vector<16xf32>
        %reduce_sum3A_858 = vector.extract %reduce_sum3A_857[15] : f32 from vector<16xf32>
        %broadcast_in_dim3A_859 = vector.broadcast %reduce_sum3A_858 : f32 to vector<16xf32>
        %get3A_860 = arith.constant 0 : i32
        %get3A_861 = arith.index_cast %get3A_860 : i32 to index
        %get3A_862 = arith.index_cast %add3A_569 : i32 to index
        %get3A_863 = arith.constant 48 : index
        %get3A_864 = tpu.vector_load %arg11[%get3A_861, %get3A_862, %get3A_863] {strides = array<i32>} : memref<2x40x144xf32, #tpu.memory_space<vmem>>, vector<16xf32>,
        %mul3A_865 = arith.mulf %get3A_864, %broadcast_in_dim3A_859 : vector<16xf32>
        %swap3A_866 = arith.constant 0 : i32
        %swap3A_867 = arith.index_cast %swap3A_866 : i32 to index
        %swap3A_868 = arith.index_cast %add3A_569 : i32 to index
        %swap3A_869 = arith.constant 48 : index
        %swap3A_870 = tpu.vector_load %arg13[%swap3A_867, %swap3A_868, %swap3A_869] {strides = array<i32>} : memref<2x40x144xf32, #tpu.memory_space<vmem>>, vector<16xf32>,
        tpu.vector_store %arg13[%swap3A_867, %swap3A_868, %swap3A_869], %mul3A_865 {strides = array<i32>} : memref<2x40x144xf32, #tpu.memory_space<vmem>>, vector<16xf32>,
        %eq3A_871 = arith.constant 4 : i32
        %eq3A_872 = vector.broadcast %eq3A_871 : i32 to vector<16xi32>
        %eq3A_873 = arith.cmpi eq, %iota3A, %eq3A_872 : vector<16xi32>
        %convert_element_type3A_874 = arith.extui %eq3A_873 : vector<16xi1> to vector<16xi32>
        %convert_element_type3A_875 = arith.sitofp %convert_element_type3A_874 : vector<16xi32> to vector<16xf32>
        %mul3A_876 = arith.mulf %exp3A_600, %convert_element_type3A_875 : vector<16xf32>
        %reduce_sum3A_877 = arith.constant true
        %reduce_sum3A_878 = vector.broadcast %reduce_sum3A_877 : i1 to vector<16xi1>
        %reduce_sum3A_879 = tpu.scan <sum>, %mul3A_876 masked %reduce_sum3A_878 : vector<16xf32>, vector<16xi1> -> vector<16xf32>
        %reduce_sum3A_880 = vector.extract %reduce_sum3A_879[15] : f32 from vector<16xf32>
        %broadcast_in_dim3A_881 = vector.broadcast %reduce_sum3A_880 : f32 to vector<16xf32>
        %get3A_882 = arith.constant 0 : i32
        %get3A_883 = arith.index_cast %get3A_882 : i32 to index
        %get3A_884 = arith.index_cast %add3A_569 : i32 to index
        %get3A_885 = arith.constant 64 : index
        %get3A_886 = tpu.vector_load %arg11[%get3A_883, %get3A_884, %get3A_885] {strides = array<i32>} : memref<2x40x144xf32, #tpu.memory_space<vmem>>, vector<16xf32>,
        %mul3A_887 = arith.mulf %get3A_886, %broadcast_in_dim3A_881 : vector<16xf32>
        %swap3A_888 = arith.constant 0 : i32
        %swap3A_889 = arith.index_cast %swap3A_888 : i32 to index
        %swap3A_890 = arith.index_cast %add3A_569 : i32 to index
        %swap3A_891 = arith.constant 64 : index
        %swap3A_892 = tpu.vector_load %arg13[%swap3A_889, %swap3A_890, %swap3A_891] {strides = array<i32>} : memref<2x40x144xf32, #tpu.memory_space<vmem>>, vector<16xf32>,
        tpu.vector_store %arg13[%swap3A_889, %swap3A_890, %swap3A_891], %mul3A_887 {strides = array<i32>} : memref<2x40x144xf32, #tpu.memory_space<vmem>>, vector<16xf32>,
        %eq3A_893 = arith.constant 5 : i32
        %eq3A_894 = vector.broadcast %eq3A_893 : i32 to vector<16xi32>
        %eq3A_895 = arith.cmpi eq, %iota3A, %eq3A_894 : vector<16xi32>
        %convert_element_type3A_896 = arith.extui %eq3A_895 : vector<16xi1> to vector<16xi32>
        %convert_element_type3A_897 = arith.sitofp %convert_element_type3A_896 : vector<16xi32> to vector<16xf32>
        %mul3A_898 = arith.mulf %exp3A_600, %convert_element_type3A_897 : vector<16xf32>
        %reduce_sum3A_899 = arith.constant true
        %reduce_sum3A_900 = vector.broadcast %reduce_sum3A_899 : i1 to vector<16xi1>
        %reduce_sum3A_901 = tpu.scan <sum>, %mul3A_898 masked %reduce_sum3A_900 : vector<16xf32>, vector<16xi1> -> vector<16xf32>
        %reduce_sum3A_902 = vector.extract %reduce_sum3A_901[15] : f32 from vector<16xf32>
        %broadcast_in_dim3A_903 = vector.broadcast %reduce_sum3A_902 : f32 to vector<16xf32>
        %get3A_904 = arith.constant 0 : i32
        %get3A_905 = arith.index_cast %get3A_904 : i32 to index
        %get3A_906 = arith.index_cast %add3A_569 : i32 to index
        %get3A_907 = arith.constant 80 : index
        %get3A_908 = tpu.vector_load %arg11[%get3A_905, %get3A_906, %get3A_907] {strides = array<i32>} : memref<2x40x144xf32, #tpu.memory_space<vmem>>, vector<16xf32>,
        %mul3A_909 = arith.mulf %get3A_908, %broadcast_in_dim3A_903 : vector<16xf32>
        %swap3A_910 = arith.constant 0 : i32
        %swap3A_911 = arith.index_cast %swap3A_910 : i32 to index
        %swap3A_912 = arith.index_cast %add3A_569 : i32 to index
        %swap3A_913 = arith.constant 80 : index
        %swap3A_914 = tpu.vector_load %arg13[%swap3A_911, %swap3A_912, %swap3A_913] {strides = array<i32>} : memref<2x40x144xf32, #tpu.memory_space<vmem>>, vector<16xf32>,
        tpu.vector_store %arg13[%swap3A_911, %swap3A_912, %swap3A_913], %mul3A_909 {strides = array<i32>} : memref<2x40x144xf32, #tpu.memory_space<vmem>>, vector<16xf32>,
        %eq3A_915 = arith.constant 6 : i32
        %eq3A_916 = vector.broadcast %eq3A_915 : i32 to vector<16xi32>
        %eq3A_917 = arith.cmpi eq, %iota3A, %eq3A_916 : vector<16xi32>
        %convert_element_type3A_918 = arith.extui %eq3A_917 : vector<16xi1> to vector<16xi32>
        %convert_element_type3A_919 = arith.sitofp %convert_element_type3A_918 : vector<16xi32> to vector<16xf32>
        %mul3A_920 = arith.mulf %exp3A_600, %convert_element_type3A_919 : vector<16xf32>
        %reduce_sum3A_921 = arith.constant true
        %reduce_sum3A_922 = vector.broadcast %reduce_sum3A_921 : i1 to vector<16xi1>
        %reduce_sum3A_923 = tpu.scan <sum>, %mul3A_920 masked %reduce_sum3A_922 : vector<16xf32>, vector<16xi1> -> vector<16xf32>
        %reduce_sum3A_924 = vector.extract %reduce_sum3A_923[15] : f32 from vector<16xf32>
        %broadcast_in_dim3A_925 = vector.broadcast %reduce_sum3A_924 : f32 to vector<16xf32>
        %get3A_926 = arith.constant 0 : i32
        %get3A_927 = arith.index_cast %get3A_926 : i32 to index
        %get3A_928 = arith.index_cast %add3A_569 : i32 to index
        %get3A_929 = arith.constant 96 : index
        %get3A_930 = tpu.vector_load %arg11[%get3A_927, %get3A_928, %get3A_929] {strides = array<i32>} : memref<2x40x144xf32, #tpu.memory_space<vmem>>, vector<16xf32>,
        %mul3A_931 = arith.mulf %get3A_930, %broadcast_in_dim3A_925 : vector<16xf32>
        %swap3A_932 = arith.constant 0 : i32
        %swap3A_933 = arith.index_cast %swap3A_932 : i32 to index
        %swap3A_934 = arith.index_cast %add3A_569 : i32 to index
        %swap3A_935 = arith.constant 96 : index
        %swap3A_936 = tpu.vector_load %arg13[%swap3A_933, %swap3A_934, %swap3A_935] {strides = array<i32>} : memref<2x40x144xf32, #tpu.memory_space<vmem>>, vector<16xf32>,
        tpu.vector_store %arg13[%swap3A_933, %swap3A_934, %swap3A_935], %mul3A_931 {strides = array<i32>} : memref<2x40x144xf32, #tpu.memory_space<vmem>>, vector<16xf32>,
        %eq3A_937 = arith.constant 7 : i32
        %eq3A_938 = vector.broadcast %eq3A_937 : i32 to vector<16xi32>
        %eq3A_939 = arith.cmpi eq, %iota3A, %eq3A_938 : vector<16xi32>
        %convert_element_type3A_940 = arith.extui %eq3A_939 : vector<16xi1> to vector<16xi32>
        %convert_element_type3A_941 = arith.sitofp %convert_element_type3A_940 : vector<16xi32> to vector<16xf32>
        %mul3A_942 = arith.mulf %exp3A_600, %convert_element_type3A_941 : vector<16xf32>
        %reduce_sum3A_943 = arith.constant true
        %reduce_sum3A_944 = vector.broadcast %reduce_sum3A_943 : i1 to vector<16xi1>
        %reduce_sum3A_945 = tpu.scan <sum>, %mul3A_942 masked %reduce_sum3A_944 : vector<16xf32>, vector<16xi1> -> vector<16xf32>
        %reduce_sum3A_946 = vector.extract %reduce_sum3A_945[15] : f32 from vector<16xf32>
        %broadcast_in_dim3A_947 = vector.broadcast %reduce_sum3A_946 : f32 to vector<16xf32>
        %get3A_948 = arith.constant 0 : i32
        %get3A_949 = arith.index_cast %get3A_948 : i32 to index
        %get3A_950 = arith.index_cast %add3A_569 : i32 to index
        %get3A_951 = arith.constant 112 : index
        %get3A_952 = tpu.vector_load %arg11[%get3A_949, %get3A_950, %get3A_951] {strides = array<i32>} : memref<2x40x144xf32, #tpu.memory_space<vmem>>, vector<16xf32>,
        %mul3A_953 = arith.mulf %get3A_952, %broadcast_in_dim3A_947 : vector<16xf32>
        %swap3A_954 = arith.constant 0 : i32
        %swap3A_955 = arith.index_cast %swap3A_954 : i32 to index
        %swap3A_956 = arith.index_cast %add3A_569 : i32 to index
        %swap3A_957 = arith.constant 112 : index
        %swap3A_958 = tpu.vector_load %arg13[%swap3A_955, %swap3A_956, %swap3A_957] {strides = array<i32>} : memref<2x40x144xf32, #tpu.memory_space<vmem>>, vector<16xf32>,
        tpu.vector_store %arg13[%swap3A_955, %swap3A_956, %swap3A_957], %mul3A_953 {strides = array<i32>} : memref<2x40x144xf32, #tpu.memory_space<vmem>>, vector<16xf32>,
      }
      %scan3A_359 = arith.constant 20 : i32
      %dma_wait3A_360 = arith.constant 0 : i32
      %dma_wait3A_361 = arith.constant 0 : i32
      %dma_wait3A_362 = tpu.memref_slice %arg10[%dma_wait3A_360, %dma_wait3A_361] : memref<2x40xi32, #tpu.memory_space<vmem>> -> memref<1x40xi32, #tpu.memory_space<vmem>>
      %dma_wait3A_363 = tpu.memref_squeeze %dma_wait3A_362 : memref<1x40xi32, #tpu.memory_space<vmem>> -> memref<40xi32, #tpu.memory_space<vmem>>
      %dma_wait3A_364 = arith.constant 0 : i32
      %dma_wait3A_365 = tpu.memref_slice %arg5[%dma_wait3A_364] : memref<320000xi32, #tpu.memory_space<hbm>> -> memref<40xi32, #tpu.memory_space<hbm>>
      %dma_wait3A_366 = arith.constant 0 : i32
      %dma_wait3A_367 = tpu.memref_slice %arg10[%dma_wait3A_360, %dma_wait3A_366] : memref<2x40xi32, #tpu.memory_space<vmem>> -> memref<1x40xi32, #tpu.memory_space<vmem>>
      %dma_wait3A_368 = tpu.memref_squeeze %dma_wait3A_367 : memref<1x40xi32, #tpu.memory_space<vmem>> -> memref<40xi32, #tpu.memory_space<vmem>>
      %dma_wait3A_369 = arith.constant 0 : i32
      %dma_wait3A_370 = tpu.memref_slice %arg5[%dma_wait3A_369] : memref<320000xi32, #tpu.memory_space<hbm>> -> memref<40xi32, #tpu.memory_space<hbm>>
      tpu.wait_dma2 semaphore(%arg22 : memref<!tpu.dma_semaphore, #tpu.memory_space<semaphore_mem>>) src(%dma_wait3A_370 : memref<40xi32, #tpu.memory_space<hbm>>) dst(%dma_wait3A_368 : memref<40xi32, #tpu.memory_space<vmem>>)
      %dma_start3A_371 = arith.constant 0 : i32
      %dma_start3A_372 = arith.constant 0 : i32
      %dma_start3A_373 = arith.constant 0 : i32
      %dma_start3A_374 = arith.constant 0 : i32
      %dma_start3A_375 = tpu.memref_slice %arg13[%dma_start3A_371, %dma_start3A_373, %dma_start3A_374] : memref<2x40x144xf32, #tpu.memory_space<vmem>> -> memref<1x40x144xf32, #tpu.memory_space<vmem>>
      %dma_start3A_376 = tpu.memref_squeeze %dma_start3A_375 : memref<1x40x144xf32, #tpu.memory_space<vmem>> -> memref<40x144xf32, #tpu.memory_space<vmem>>
      %dma_start3A_377 = arith.constant 0 : i32
      %dma_start3A_378 = tpu.memref_slice %arg10[%dma_start3A_372, %dma_start3A_377] : memref<2x40xi32, #tpu.memory_space<vmem>> -> memref<1x40xi32, #tpu.memory_space<vmem>>
      %dma_start3A_379 = tpu.memref_squeeze %dma_start3A_378 : memref<1x40xi32, #tpu.memory_space<vmem>> -> memref<40xi32, #tpu.memory_space<vmem>>
      %dma_start3A_380 = arith.constant 0 : i32
      %dma_start3A_381 = arith.constant 0 : i32
      %dma_start3A_382 = tpu.memref_slice %arg15[%dma_start3A_380, %dma_start3A_381] : memref<10240x144xf32, #tpu.memory_space<vmem_shared>> -> memref<10240x144xf32, #tpu.memory_space<vmem_shared>>
      tpu.enqueue_indirect_dma source(%dma_start3A_376 : memref<40x144xf32, #tpu.memory_space<vmem>>) target(%dma_start3A_382 : memref<10240x144xf32, #tpu.memory_space<vmem_shared>>) offsets(%dma_start3A_379 : memref<40xi32, #tpu.memory_space<vmem>>) semaphore(%arg20 : memref<!tpu.dma_semaphore, #tpu.memory_space<semaphore_mem>>) {add = true}
      %add3A_383 = arith.constant 2 : i32
      %add3A_384 = arith.addi %mul3A_257, %add3A_383 : i32
      %min3A = arith.constant 249 : i32
      %min3A_385 = arith.minsi %add3A_384, %min3A : i32
      %mul3A_386 = arith.constant 10000 : i32
      %mul3A_387 = arith.muli %add3A, %mul3A_386 : i32
      %mul3A_388 = arith.constant 40 : i32
      %mul3A_389 = arith.muli %min3A_385, %mul3A_388 : i32
      %add3A_390 = arith.addi %mul3A_387, %mul3A_389 : i32
      %dma_start3A_391 = arith.constant 0 : i32
      %dma_start3A_392 = arith.constant 0 : i32
      %dma_start3A_393 = tpu.memref_slice %arg8[%dma_start3A_391, %dma_start3A_392] : memref<2x40xi32, #tpu.memory_space<vmem>> -> memref<1x40xi32, #tpu.memory_space<vmem>>
      %dma_start3A_394 = tpu.memref_squeeze %dma_start3A_393 : memref<1x40xi32, #tpu.memory_space<vmem>> -> memref<40xi32, #tpu.memory_space<vmem>>
      %dma_start3A_395 = tpu.memref_slice %arg4[%add3A_390] : memref<320000xi32, #tpu.memory_space<hbm>> -> memref<40xi32, #tpu.memory_space<hbm>>
      %dma_start3A_396 = arith.constant 0 : i32
      %dma_start3A_397 = tpu.memref_slice %arg8[%dma_start3A_391, %dma_start3A_396] : memref<2x40xi32, #tpu.memory_space<vmem>> -> memref<1x40xi32, #tpu.memory_space<vmem>>
      %dma_start3A_398 = tpu.memref_squeeze %dma_start3A_397 : memref<1x40xi32, #tpu.memory_space<vmem>> -> memref<40xi32, #tpu.memory_space<vmem>>
      %dma_start3A_399 = tpu.memref_slice %arg4[%add3A_390] : memref<320000xi32, #tpu.memory_space<hbm>> -> memref<40xi32, #tpu.memory_space<hbm>>
      tpu.enqueue_dma source(%dma_start3A_399 : memref<40xi32, #tpu.memory_space<hbm>>) target(%dma_start3A_398 : memref<40xi32, #tpu.memory_space<vmem>>) target_semaphore(%arg16 : memref<!tpu.dma_semaphore, #tpu.memory_space<semaphore_mem>>)
      %dma_start3A_400 = arith.constant 0 : i32
      %dma_start3A_401 = arith.constant 0 : i32
      %dma_start3A_402 = tpu.memref_slice %arg9[%dma_start3A_400, %dma_start3A_401] : memref<2x40xi32, #tpu.memory_space<vmem>> -> memref<1x40xi32, #tpu.memory_space<vmem>>
      %dma_start3A_403 = tpu.memref_squeeze %dma_start3A_402 : memref<1x40xi32, #tpu.memory_space<vmem>> -> memref<40xi32, #tpu.memory_space<vmem>>
      %dma_start3A_404 = tpu.memref_slice %arg5[%add3A_390] : memref<320000xi32, #tpu.memory_space<hbm>> -> memref<40xi32, #tpu.memory_space<hbm>>
      %dma_start3A_405 = arith.constant 0 : i32
      %dma_start3A_406 = tpu.memref_slice %arg9[%dma_start3A_400, %dma_start3A_405] : memref<2x40xi32, #tpu.memory_space<vmem>> -> memref<1x40xi32, #tpu.memory_space<vmem>>
      %dma_start3A_407 = tpu.memref_squeeze %dma_start3A_406 : memref<1x40xi32, #tpu.memory_space<vmem>> -> memref<40xi32, #tpu.memory_space<vmem>>
      %dma_start3A_408 = tpu.memref_slice %arg5[%add3A_390] : memref<320000xi32, #tpu.memory_space<hbm>> -> memref<40xi32, #tpu.memory_space<hbm>>
      tpu.enqueue_dma source(%dma_start3A_408 : memref<40xi32, #tpu.memory_space<hbm>>) target(%dma_start3A_407 : memref<40xi32, #tpu.memory_space<vmem>>) target_semaphore(%arg16 : memref<!tpu.dma_semaphore, #tpu.memory_space<semaphore_mem>>)
      %mul3A_409 = arith.constant 2 : i32
      %mul3A_410 = arith.muli %mul3A_409, %scan3A_255 : i32
      %add3A_411 = arith.constant 1 : i32
      %add3A_412 = arith.addi %mul3A_410, %add3A_411 : i32
      %dma_wait3A_413 = arith.constant 0 : i32
      %dma_wait3A_414 = arith.constant 0 : i32
      %dma_wait3A_415 = tpu.memref_slice %arg8[%dma_wait3A_413, %dma_wait3A_414] : memref<2x40xi32, #tpu.memory_space<vmem>> -> memref<1x40xi32, #tpu.memory_space<vmem>>
      %dma_wait3A_416 = tpu.memref_squeeze %dma_wait3A_415 : memref<1x40xi32, #tpu.memory_space<vmem>> -> memref<40xi32, #tpu.memory_space<vmem>>
      %dma_wait3A_417 = arith.constant 0 : i32
      %dma_wait3A_418 = tpu.memref_slice %arg4[%dma_wait3A_417] : memref<320000xi32, #tpu.memory_space<hbm>> -> memref<40xi32, #tpu.memory_space<hbm>>
      %dma_wait3A_419 = arith.constant 0 : i32
      %dma_wait3A_420 = tpu.memref_slice %arg8[%dma_wait3A_413, %dma_wait3A_419] : memref<2x40xi32, #tpu.memory_space<vmem>> -> memref<1x40xi32, #tpu.memory_space<vmem>>
      %dma_wait3A_421 = tpu.memref_squeeze %dma_wait3A_420 : memref<1x40xi32, #tpu.memory_space<vmem>> -> memref<40xi32, #tpu.memory_space<vmem>>
      %dma_wait3A_422 = arith.constant 0 : i32
      %dma_wait3A_423 = tpu.memref_slice %arg4[%dma_wait3A_422] : memref<320000xi32, #tpu.memory_space<hbm>> -> memref<40xi32, #tpu.memory_space<hbm>>
      tpu.wait_dma2 semaphore(%arg16 : memref<!tpu.dma_semaphore, #tpu.memory_space<semaphore_mem>>) src(%dma_wait3A_423 : memref<40xi32, #tpu.memory_space<hbm>>) dst(%dma_wait3A_421 : memref<40xi32, #tpu.memory_space<vmem>>)
      %dma_wait3A_424 = arith.constant 0 : i32
      %dma_wait3A_425 = arith.constant 0 : i32
      %dma_wait3A_426 = tpu.memref_slice %arg9[%dma_wait3A_424, %dma_wait3A_425] : memref<2x40xi32, #tpu.memory_space<vmem>> -> memref<1x40xi32, #tpu.memory_space<vmem>>
      %dma_wait3A_427 = tpu.memref_squeeze %dma_wait3A_426 : memref<1x40xi32, #tpu.memory_space<vmem>> -> memref<40xi32, #tpu.memory_space<vmem>>
      %dma_wait3A_428 = arith.constant 0 : i32
      %dma_wait3A_429 = tpu.memref_slice %arg5[%dma_wait3A_428] : memref<320000xi32, #tpu.memory_space<hbm>> -> memref<40xi32, #tpu.memory_space<hbm>>
      %dma_wait3A_430 = arith.constant 0 : i32
      %dma_wait3A_431 = tpu.memref_slice %arg9[%dma_wait3A_424, %dma_wait3A_430] : memref<2x40xi32, #tpu.memory_space<vmem>> -> memref<1x40xi32, #tpu.memory_space<vmem>>
      %dma_wait3A_432 = tpu.memref_squeeze %dma_wait3A_431 : memref<1x40xi32, #tpu.memory_space<vmem>> -> memref<40xi32, #tpu.memory_space<vmem>>
      %dma_wait3A_433 = arith.constant 0 : i32
      %dma_wait3A_434 = tpu.memref_slice %arg5[%dma_wait3A_433] : memref<320000xi32, #tpu.memory_space<hbm>> -> memref<40xi32, #tpu.memory_space<hbm>>
      tpu.wait_dma2 semaphore(%arg16 : memref<!tpu.dma_semaphore, #tpu.memory_space<semaphore_mem>>) src(%dma_wait3A_434 : memref<40xi32, #tpu.memory_space<hbm>>) dst(%dma_wait3A_432 : memref<40xi32, #tpu.memory_space<vmem>>)
      %dma_start3A_435 = arith.constant 0 : i32
      %dma_start3A_436 = arith.constant 0 : i32
      %dma_start3A_437 = arith.constant 0 : i32
      %dma_start3A_438 = arith.constant 0 : i32
      %dma_start3A_439 = tpu.memref_slice %arg11[%dma_start3A_436, %dma_start3A_437, %dma_start3A_438] : memref<2x40x144xf32, #tpu.memory_space<vmem>> -> memref<1x40x144xf32, #tpu.memory_space<vmem>>
      %dma_start3A_440 = tpu.memref_squeeze %dma_start3A_439 : memref<1x40x144xf32, #tpu.memory_space<vmem>> -> memref<40x144xf32, #tpu.memory_space<vmem>>
      %dma_start3A_441 = arith.constant 0 : i32
      %dma_start3A_442 = tpu.memref_slice %arg8[%dma_start3A_435, %dma_start3A_441] : memref<2x40xi32, #tpu.memory_space<vmem>> -> memref<1x40xi32, #tpu.memory_space<vmem>>
      %dma_start3A_443 = tpu.memref_squeeze %dma_start3A_442 : memref<1x40xi32, #tpu.memory_space<vmem>> -> memref<40xi32, #tpu.memory_space<vmem>>
      %dma_start3A_444 = arith.constant 0 : i32
      %dma_start3A_445 = arith.constant 0 : i32
      %dma_start3A_446 = tpu.memref_slice %arg2[%dma_start3A_444, %dma_start3A_445] : memref<10000x144xf32, #tpu.memory_space<hbm>> -> memref<10000x144xf32, #tpu.memory_space<hbm>>
      tpu.enqueue_indirect_dma source(%dma_start3A_446 : memref<10000x144xf32, #tpu.memory_space<hbm>>) target(%dma_start3A_440 : memref<40x144xf32, #tpu.memory_space<vmem>>) offsets(%dma_start3A_443 : memref<40xi32, #tpu.memory_space<vmem>>) semaphore(%arg18 : memref<!tpu.dma_semaphore, #tpu.memory_space<semaphore_mem>>)
      %dma_start3A_447 = arith.constant 0 : i32
      %dma_start3A_448 = arith.constant 0 : i32
      %dma_start3A_449 = arith.constant 0 : i32
      %dma_start3A_450 = arith.constant 0 : i32
      %dma_start3A_451 = tpu.memref_slice %arg12[%dma_start3A_448, %dma_start3A_449, %dma_start3A_450] : memref<2x40x16xf32, #tpu.memory_space<vmem>> -> memref<1x40x16xf32, #tpu.memory_space<vmem>>
      %dma_start3A_452 = tpu.memref_squeeze %dma_start3A_451 : memref<1x40x16xf32, #tpu.memory_space<vmem>> -> memref<40x16xf32, #tpu.memory_space<vmem>>
      %dma_start3A_453 = arith.constant 0 : i32
      %dma_start3A_454 = tpu.memref_slice %arg9[%dma_start3A_447, %dma_start3A_453] : memref<2x40xi32, #tpu.memory_space<vmem>> -> memref<1x40xi32, #tpu.memory_space<vmem>>
      %dma_start3A_455 = tpu.memref_squeeze %dma_start3A_454 : memref<1x40xi32, #tpu.memory_space<vmem>> -> memref<40xi32, #tpu.memory_space<vmem>>
      %dma_start3A_456 = arith.constant 0 : i32
      %dma_start3A_457 = arith.constant 0 : i32
      %dma_start3A_458 = tpu.memref_slice %arg3[%dma_start3A_456, %dma_start3A_457] : memref<10000x16xf32, #tpu.memory_space<hbm>> -> memref<10000x16xf32, #tpu.memory_space<hbm>>
      tpu.enqueue_indirect_dma source(%dma_start3A_458 : memref<10000x16xf32, #tpu.memory_space<hbm>>) target(%dma_start3A_452 : memref<40x16xf32, #tpu.memory_space<vmem>>) offsets(%dma_start3A_455 : memref<40xi32, #tpu.memory_space<vmem>>) semaphore(%arg18 : memref<!tpu.dma_semaphore, #tpu.memory_space<semaphore_mem>>)
      %dma_wait3A_459 = arith.constant 1 : i32
      %dma_wait3A_460 = arith.constant 1 : i32
      %dma_wait3A_461 = arith.constant 0 : i32
      %dma_wait3A_462 = arith.constant 0 : i32
      %dma_wait3A_463 = tpu.memref_slice %arg11[%dma_wait3A_460, %dma_wait3A_461, %dma_wait3A_462] : memref<2x40x144xf32, #tpu.memory_space<vmem>> -> memref<1x40x144xf32, #tpu.memory_space<vmem>>
      %dma_wait3A_464 = tpu.memref_squeeze %dma_wait3A_463 : memref<1x40x144xf32, #tpu.memory_space<vmem>> -> memref<40x144xf32, #tpu.memory_space<vmem>>
      %dma_wait3A_465 = arith.constant 0 : i32
      %dma_wait3A_466 = tpu.memref_slice %arg8[%dma_wait3A_459, %dma_wait3A_465] : memref<2x40xi32, #tpu.memory_space<vmem>> -> memref<1x40xi32, #tpu.memory_space<vmem>>
      %dma_wait3A_467 = tpu.memref_squeeze %dma_wait3A_466 : memref<1x40xi32, #tpu.memory_space<vmem>> -> memref<40xi32, #tpu.memory_space<vmem>>
      %dma_wait3A_468 = arith.constant 0 : i32
      %dma_wait3A_469 = arith.constant 0 : i32
      %dma_wait3A_470 = tpu.memref_slice %arg2[%dma_wait3A_468, %dma_wait3A_469] : memref<10000x144xf32, #tpu.memory_space<hbm>> -> memref<10000x144xf32, #tpu.memory_space<hbm>>
      tpu.wait_indirect_dma semaphore(%arg19 : memref<!tpu.dma_semaphore, #tpu.memory_space<semaphore_mem>>) src(%dma_wait3A_470 : memref<10000x144xf32, #tpu.memory_space<hbm>>) dst(%dma_wait3A_464 : memref<40x144xf32, #tpu.memory_space<vmem>>)
      %dma_wait3A_471 = arith.constant 1 : i32
      %dma_wait3A_472 = arith.constant 1 : i32
      %dma_wait3A_473 = arith.constant 0 : i32
      %dma_wait3A_474 = arith.constant 0 : i32
      %dma_wait3A_475 = tpu.memref_slice %arg12[%dma_wait3A_472, %dma_wait3A_473, %dma_wait3A_474] : memref<2x40x16xf32, #tpu.memory_space<vmem>> -> memref<1x40x16xf32, #tpu.memory_space<vmem>>
      %dma_wait3A_476 = tpu.memref_squeeze %dma_wait3A_475 : memref<1x40x16xf32, #tpu.memory_space<vmem>> -> memref<40x16xf32, #tpu.memory_space<vmem>>
      %dma_wait3A_477 = arith.constant 0 : i32
      %dma_wait3A_478 = tpu.memref_slice %arg9[%dma_wait3A_471, %dma_wait3A_477] : memref<2x40xi32, #tpu.memory_space<vmem>> -> memref<1x40xi32, #tpu.memory_space<vmem>>
      %dma_wait3A_479 = tpu.memref_squeeze %dma_wait3A_478 : memref<1x40xi32, #tpu.memory_space<vmem>> -> memref<40xi32, #tpu.memory_space<vmem>>
      %dma_wait3A_480 = arith.constant 0 : i32
      %dma_wait3A_481 = arith.constant 0 : i32
      %dma_wait3A_482 = tpu.memref_slice %arg3[%dma_wait3A_480, %dma_wait3A_481] : memref<10000x16xf32, #tpu.memory_space<hbm>> -> memref<10000x16xf32, #tpu.memory_space<hbm>>
      tpu.wait_indirect_dma semaphore(%arg19 : memref<!tpu.dma_semaphore, #tpu.memory_space<semaphore_mem>>) src(%dma_wait3A_482 : memref<10000x16xf32, #tpu.memory_space<hbm>>) dst(%dma_wait3A_476 : memref<40x16xf32, #tpu.memory_space<vmem>>)
      %dma_wait3A_483 = arith.constant 1 : i32
      %dma_wait3A_484 = arith.constant 1 : i32
      %dma_wait3A_485 = arith.constant 0 : i32
      %dma_wait3A_486 = arith.constant 0 : i32
      %dma_wait3A_487 = tpu.memref_slice %arg13[%dma_wait3A_483, %dma_wait3A_485, %dma_wait3A_486] : memref<2x40x144xf32, #tpu.memory_space<vmem>> -> memref<1x40x144xf32, #tpu.memory_space<vmem>>
      %dma_wait3A_488 = tpu.memref_squeeze %dma_wait3A_487 : memref<1x40x144xf32, #tpu.memory_space<vmem>> -> memref<40x144xf32, #tpu.memory_space<vmem>>
      %dma_wait3A_489 = arith.constant 0 : i32
      %dma_wait3A_490 = tpu.memref_slice %arg10[%dma_wait3A_484, %dma_wait3A_489] : memref<2x40xi32, #tpu.memory_space<vmem>> -> memref<1x40xi32, #tpu.memory_space<vmem>>
      %dma_wait3A_491 = tpu.memref_squeeze %dma_wait3A_490 : memref<1x40xi32, #tpu.memory_space<vmem>> -> memref<40xi32, #tpu.memory_space<vmem>>
      %dma_wait3A_492 = arith.constant 0 : i32
      %dma_wait3A_493 = arith.constant 0 : i32
      %dma_wait3A_494 = tpu.memref_slice %arg15[%dma_wait3A_492, %dma_wait3A_493] : memref<10240x144xf32, #tpu.memory_space<vmem_shared>> -> memref<10240x144xf32, #tpu.memory_space<vmem_shared>>
      tpu.wait_indirect_dma semaphore(%arg21 : memref<!tpu.dma_semaphore, #tpu.memory_space<semaphore_mem>>) src(%dma_wait3A_488 : memref<40x144xf32, #tpu.memory_space<vmem>>) dst(%dma_wait3A_494 : memref<10240x144xf32, #tpu.memory_space<vmem_shared>>)
      %mul3A_495 = arith.constant 10000 : i32
      %mul3A_496 = arith.muli %add3A, %mul3A_495 : i32
      %mul3A_497 = arith.constant 40 : i32
      %mul3A_498 = arith.muli %add3A_412, %mul3A_497 : i32
      %add3A_499 = arith.addi %mul3A_496, %mul3A_498 : i32
      %dma_start3A_500 = arith.constant 1 : i32
      %dma_start3A_501 = arith.constant 0 : i32
      %dma_start3A_502 = tpu.memref_slice %arg10[%dma_start3A_500, %dma_start3A_501] : memref<2x40xi32, #tpu.memory_space<vmem>> -> memref<1x40xi32, #tpu.memory_space<vmem>>
      %dma_start3A_503 = tpu.memref_squeeze %dma_start3A_502 : memref<1x40xi32, #tpu.memory_space<vmem>> -> memref<40xi32, #tpu.memory_space<vmem>>
      %dma_start3A_504 = tpu.memref_slice %arg5[%add3A_499] : memref<320000xi32, #tpu.memory_space<hbm>> -> memref<40xi32, #tpu.memory_space<hbm>>
      %dma_start3A_505 = arith.constant 0 : i32
      %dma_start3A_506 = tpu.memref_slice %arg10[%dma_start3A_500, %dma_start3A_505] : memref<2x40xi32, #tpu.memory_space<vmem>> -> memref<1x40xi32, #tpu.memory_space<vmem>>
      %dma_start3A_507 = tpu.memref_squeeze %dma_start3A_506 : memref<1x40xi32, #tpu.memory_space<vmem>> -> memref<40xi32, #tpu.memory_space<vmem>>
      %dma_start3A_508 = tpu.memref_slice %arg5[%add3A_499] : memref<320000xi32, #tpu.memory_space<hbm>> -> memref<40xi32, #tpu.memory_space<hbm>>
      tpu.enqueue_dma source(%dma_start3A_508 : memref<40xi32, #tpu.memory_space<hbm>>) target(%dma_start3A_507 : memref<40xi32, #tpu.memory_space<vmem>>) target_semaphore(%arg23 : memref<!tpu.dma_semaphore, #tpu.memory_space<semaphore_mem>>)
      %scan3A_509 = arith.constant 0 : i32
      %scan3A_510 = arith.constant 0 : i32
      %scan3A_511 = arith.constant 20 : i32
      %scan3A_512 = arith.addi %scan3A_510, %scan3A_511 : i32
      %scan3A_513 = arith.constant 1 : i32
      scf.for %scan3A_565 = %scan3A_510 to %scan3A_512 step %scan3A_513  : i32 {
        %mul3A_566 = arith.constant 2 : i32
        %mul3A_567 = arith.muli %mul3A_566, %scan3A_565 : i32
        %add3A_568 = arith.constant 1 : i32
        %add3A_569 = arith.addi %mul3A_567, %add3A_568 : i32
        %get3A_570 = arith.constant 1 : i32
        %get3A_571 = arith.index_cast %get3A_570 : i32 to index
        %get3A_572 = arith.index_cast %mul3A_567 : i32 to index
        %get3A_573 = arith.constant 128 : index
        %get3A_574 = tpu.vector_load %arg11[%get3A_571, %get3A_572, %get3A_573] {strides = array<i32>} : memref<2x40x144xf32, #tpu.memory_space<vmem>>, vector<16xf32>,
        %get3A_575 = arith.constant 1 : i32
        %get3A_576 = arith.index_cast %get3A_575 : i32 to index
        %get3A_577 = arith.index_cast %mul3A_567 : i32 to index
        %get3A_578 = arith.constant 0 : index
        %get3A_579 = tpu.vector_load %arg12[%get3A_576, %get3A_577, %get3A_578] {strides = array<i32>} : memref<2x40x16xf32, #tpu.memory_space<vmem>>, vector<16xf32>,
        %add3A_580 = arith.addf %get3A_574, %get3A_579 : vector<16xf32>
        %get3A_581 = arith.constant 1 : i32
        %get3A_582 = arith.index_cast %get3A_581 : i32 to index
        %get3A_583 = arith.index_cast %add3A_569 : i32 to index
        %get3A_584 = arith.constant 128 : index
        %get3A_585 = tpu.vector_load %arg11[%get3A_582, %get3A_583, %get3A_584] {strides = array<i32>} : memref<2x40x144xf32, #tpu.memory_space<vmem>>, vector<16xf32>,
        %get3A_586 = arith.constant 1 : i32
        %get3A_587 = arith.index_cast %get3A_586 : i32 to index
        %get3A_588 = arith.index_cast %add3A_569 : i32 to index
        %get3A_589 = arith.constant 0 : index
        %get3A_590 = tpu.vector_load %arg12[%get3A_587, %get3A_588, %get3A_589] {strides = array<i32>} : memref<2x40x16xf32, #tpu.memory_space<vmem>>, vector<16xf32>,
        %add3A_591 = arith.addf %get3A_585, %get3A_590 : vector<16xf32>
        %mul3A_592 = arith.constant 2.000000e-01 : f32
        %mul3A_593 = vector.broadcast %mul3A_592 : f32 to vector<16xf32>
        %mul3A_594 = arith.mulf %mul3A_593, %add3A_580 : vector<16xf32>
        %max3A = arith.maximumf %add3A_580, %mul3A_594 : vector<16xf32>
        %mul3A_595 = arith.constant 2.000000e-01 : f32
        %mul3A_596 = vector.broadcast %mul3A_595 : f32 to vector<16xf32>
        %mul3A_597 = arith.mulf %mul3A_596, %add3A_591 : vector<16xf32>
        %max3A_598 = arith.maximumf %add3A_591, %mul3A_597 : vector<16xf32>
        %sub3A = arith.subf %max3A, %get3A_13 : vector<16xf32>
        %exp3A = math.exp %sub3A : vector<16xf32>
        %sub3A_599 = arith.subf %max3A_598, %get3A_13 : vector<16xf32>
        %exp3A_600 = math.exp %sub3A_599 : vector<16xf32>
        %swap3A = arith.constant 1 : i32
        %swap3A_601 = arith.index_cast %swap3A : i32 to index
        %swap3A_602 = arith.index_cast %mul3A_567 : i32 to index
        %swap3A_603 = arith.constant 128 : index
        %swap3A_604 = tpu.vector_load %arg13[%swap3A_601, %swap3A_602, %swap3A_603] {strides = array<i32>} : memref<2x40x144xf32, #tpu.memory_space<vmem>>, vector<16xf32>,
        tpu.vector_store %arg13[%swap3A_601, %swap3A_602, %swap3A_603], %exp3A {strides = array<i32>} : memref<2x40x144xf32, #tpu.memory_space<vmem>>, vector<16xf32>,
        %eq3A = arith.constant 0 : i32
        %eq3A_605 = vector.broadcast %eq3A : i32 to vector<16xi32>
        %eq3A_606 = arith.cmpi eq, %iota3A, %eq3A_605 : vector<16xi32>
        %convert_element_type3A = arith.extui %eq3A_606 : vector<16xi1> to vector<16xi32>
        %convert_element_type3A_607 = arith.sitofp %convert_element_type3A : vector<16xi32> to vector<16xf32>
        %mul3A_608 = arith.mulf %exp3A, %convert_element_type3A_607 : vector<16xf32>
        %reduce_sum3A = arith.constant true
        %reduce_sum3A_609 = vector.broadcast %reduce_sum3A : i1 to vector<16xi1>
        %reduce_sum3A_610 = tpu.scan <sum>, %mul3A_608 masked %reduce_sum3A_609 : vector<16xf32>, vector<16xi1> -> vector<16xf32>
        %reduce_sum3A_611 = vector.extract %reduce_sum3A_610[15] : f32 from vector<16xf32>
        %broadcast_in_dim3A_612 = vector.broadcast %reduce_sum3A_611 : f32 to vector<16xf32>
        %get3A_613 = arith.constant 1 : i32
        %get3A_614 = arith.index_cast %get3A_613 : i32 to index
        %get3A_615 = arith.index_cast %mul3A_567 : i32 to index
        %get3A_616 = arith.constant 0 : index
        %get3A_617 = tpu.vector_load %arg11[%get3A_614, %get3A_615, %get3A_616] {strides = array<i32>} : memref<2x40x144xf32, #tpu.memory_space<vmem>>, vector<16xf32>,
        %mul3A_618 = arith.mulf %get3A_617, %broadcast_in_dim3A_612 : vector<16xf32>
        %swap3A_619 = arith.constant 1 : i32
        %swap3A_620 = arith.index_cast %swap3A_619 : i32 to index
        %swap3A_621 = arith.index_cast %mul3A_567 : i32 to index
        %swap3A_622 = arith.constant 0 : index
        %swap3A_623 = tpu.vector_load %arg13[%swap3A_620, %swap3A_621, %swap3A_622] {strides = array<i32>} : memref<2x40x144xf32, #tpu.memory_space<vmem>>, vector<16xf32>,
        tpu.vector_store %arg13[%swap3A_620, %swap3A_621, %swap3A_622], %mul3A_618 {strides = array<i32>} : memref<2x40x144xf32, #tpu.memory_space<vmem>>, vector<16xf32>,
        %eq3A_624 = arith.constant 1 : i32
        %eq3A_625 = vector.broadcast %eq3A_624 : i32 to vector<16xi32>
        %eq3A_626 = arith.cmpi eq, %iota3A, %eq3A_625 : vector<16xi32>
        %convert_element_type3A_627 = arith.extui %eq3A_626 : vector<16xi1> to vector<16xi32>
        %convert_element_type3A_628 = arith.sitofp %convert_element_type3A_627 : vector<16xi32> to vector<16xf32>
        %mul3A_629 = arith.mulf %exp3A, %convert_element_type3A_628 : vector<16xf32>
        %reduce_sum3A_630 = arith.constant true
        %reduce_sum3A_631 = vector.broadcast %reduce_sum3A_630 : i1 to vector<16xi1>
        %reduce_sum3A_632 = tpu.scan <sum>, %mul3A_629 masked %reduce_sum3A_631 : vector<16xf32>, vector<16xi1> -> vector<16xf32>
        %reduce_sum3A_633 = vector.extract %reduce_sum3A_632[15] : f32 from vector<16xf32>
        %broadcast_in_dim3A_634 = vector.broadcast %reduce_sum3A_633 : f32 to vector<16xf32>
        %get3A_635 = arith.constant 1 : i32
        %get3A_636 = arith.index_cast %get3A_635 : i32 to index
        %get3A_637 = arith.index_cast %mul3A_567 : i32 to index
        %get3A_638 = arith.constant 16 : index
        %get3A_639 = tpu.vector_load %arg11[%get3A_636, %get3A_637, %get3A_638] {strides = array<i32>} : memref<2x40x144xf32, #tpu.memory_space<vmem>>, vector<16xf32>,
        %mul3A_640 = arith.mulf %get3A_639, %broadcast_in_dim3A_634 : vector<16xf32>
        %swap3A_641 = arith.constant 1 : i32
        %swap3A_642 = arith.index_cast %swap3A_641 : i32 to index
        %swap3A_643 = arith.index_cast %mul3A_567 : i32 to index
        %swap3A_644 = arith.constant 16 : index
        %swap3A_645 = tpu.vector_load %arg13[%swap3A_642, %swap3A_643, %swap3A_644] {strides = array<i32>} : memref<2x40x144xf32, #tpu.memory_space<vmem>>, vector<16xf32>,
        tpu.vector_store %arg13[%swap3A_642, %swap3A_643, %swap3A_644], %mul3A_640 {strides = array<i32>} : memref<2x40x144xf32, #tpu.memory_space<vmem>>, vector<16xf32>,
        %eq3A_646 = arith.constant 2 : i32
        %eq3A_647 = vector.broadcast %eq3A_646 : i32 to vector<16xi32>
        %eq3A_648 = arith.cmpi eq, %iota3A, %eq3A_647 : vector<16xi32>
        %convert_element_type3A_649 = arith.extui %eq3A_648 : vector<16xi1> to vector<16xi32>
        %convert_element_type3A_650 = arith.sitofp %convert_element_type3A_649 : vector<16xi32> to vector<16xf32>
        %mul3A_651 = arith.mulf %exp3A, %convert_element_type3A_650 : vector<16xf32>
        %reduce_sum3A_652 = arith.constant true
        %reduce_sum3A_653 = vector.broadcast %reduce_sum3A_652 : i1 to vector<16xi1>
        %reduce_sum3A_654 = tpu.scan <sum>, %mul3A_651 masked %reduce_sum3A_653 : vector<16xf32>, vector<16xi1> -> vector<16xf32>
        %reduce_sum3A_655 = vector.extract %reduce_sum3A_654[15] : f32 from vector<16xf32>
        %broadcast_in_dim3A_656 = vector.broadcast %reduce_sum3A_655 : f32 to vector<16xf32>
        %get3A_657 = arith.constant 1 : i32
        %get3A_658 = arith.index_cast %get3A_657 : i32 to index
        %get3A_659 = arith.index_cast %mul3A_567 : i32 to index
        %get3A_660 = arith.constant 32 : index
        %get3A_661 = tpu.vector_load %arg11[%get3A_658, %get3A_659, %get3A_660] {strides = array<i32>} : memref<2x40x144xf32, #tpu.memory_space<vmem>>, vector<16xf32>,
        %mul3A_662 = arith.mulf %get3A_661, %broadcast_in_dim3A_656 : vector<16xf32>
        %swap3A_663 = arith.constant 1 : i32
        %swap3A_664 = arith.index_cast %swap3A_663 : i32 to index
        %swap3A_665 = arith.index_cast %mul3A_567 : i32 to index
        %swap3A_666 = arith.constant 32 : index
        %swap3A_667 = tpu.vector_load %arg13[%swap3A_664, %swap3A_665, %swap3A_666] {strides = array<i32>} : memref<2x40x144xf32, #tpu.memory_space<vmem>>, vector<16xf32>,
        tpu.vector_store %arg13[%swap3A_664, %swap3A_665, %swap3A_666], %mul3A_662 {strides = array<i32>} : memref<2x40x144xf32, #tpu.memory_space<vmem>>, vector<16xf32>,
        %eq3A_668 = arith.constant 3 : i32
        %eq3A_669 = vector.broadcast %eq3A_668 : i32 to vector<16xi32>
        %eq3A_670 = arith.cmpi eq, %iota3A, %eq3A_669 : vector<16xi32>
        %convert_element_type3A_671 = arith.extui %eq3A_670 : vector<16xi1> to vector<16xi32>
        %convert_element_type3A_672 = arith.sitofp %convert_element_type3A_671 : vector<16xi32> to vector<16xf32>
        %mul3A_673 = arith.mulf %exp3A, %convert_element_type3A_672 : vector<16xf32>
        %reduce_sum3A_674 = arith.constant true
        %reduce_sum3A_675 = vector.broadcast %reduce_sum3A_674 : i1 to vector<16xi1>
        %reduce_sum3A_676 = tpu.scan <sum>, %mul3A_673 masked %reduce_sum3A_675 : vector<16xf32>, vector<16xi1> -> vector<16xf32>
        %reduce_sum3A_677 = vector.extract %reduce_sum3A_676[15] : f32 from vector<16xf32>
        %broadcast_in_dim3A_678 = vector.broadcast %reduce_sum3A_677 : f32 to vector<16xf32>
        %get3A_679 = arith.constant 1 : i32
        %get3A_680 = arith.index_cast %get3A_679 : i32 to index
        %get3A_681 = arith.index_cast %mul3A_567 : i32 to index
        %get3A_682 = arith.constant 48 : index
        %get3A_683 = tpu.vector_load %arg11[%get3A_680, %get3A_681, %get3A_682] {strides = array<i32>} : memref<2x40x144xf32, #tpu.memory_space<vmem>>, vector<16xf32>,
        %mul3A_684 = arith.mulf %get3A_683, %broadcast_in_dim3A_678 : vector<16xf32>
        %swap3A_685 = arith.constant 1 : i32
        %swap3A_686 = arith.index_cast %swap3A_685 : i32 to index
        %swap3A_687 = arith.index_cast %mul3A_567 : i32 to index
        %swap3A_688 = arith.constant 48 : index
        %swap3A_689 = tpu.vector_load %arg13[%swap3A_686, %swap3A_687, %swap3A_688] {strides = array<i32>} : memref<2x40x144xf32, #tpu.memory_space<vmem>>, vector<16xf32>,
        tpu.vector_store %arg13[%swap3A_686, %swap3A_687, %swap3A_688], %mul3A_684 {strides = array<i32>} : memref<2x40x144xf32, #tpu.memory_space<vmem>>, vector<16xf32>,
        %eq3A_690 = arith.constant 4 : i32
        %eq3A_691 = vector.broadcast %eq3A_690 : i32 to vector<16xi32>
        %eq3A_692 = arith.cmpi eq, %iota3A, %eq3A_691 : vector<16xi32>
        %convert_element_type3A_693 = arith.extui %eq3A_692 : vector<16xi1> to vector<16xi32>
        %convert_element_type3A_694 = arith.sitofp %convert_element_type3A_693 : vector<16xi32> to vector<16xf32>
        %mul3A_695 = arith.mulf %exp3A, %convert_element_type3A_694 : vector<16xf32>
        %reduce_sum3A_696 = arith.constant true
        %reduce_sum3A_697 = vector.broadcast %reduce_sum3A_696 : i1 to vector<16xi1>
        %reduce_sum3A_698 = tpu.scan <sum>, %mul3A_695 masked %reduce_sum3A_697 : vector<16xf32>, vector<16xi1> -> vector<16xf32>
        %reduce_sum3A_699 = vector.extract %reduce_sum3A_698[15] : f32 from vector<16xf32>
        %broadcast_in_dim3A_700 = vector.broadcast %reduce_sum3A_699 : f32 to vector<16xf32>
        %get3A_701 = arith.constant 1 : i32
        %get3A_702 = arith.index_cast %get3A_701 : i32 to index
        %get3A_703 = arith.index_cast %mul3A_567 : i32 to index
        %get3A_704 = arith.constant 64 : index
        %get3A_705 = tpu.vector_load %arg11[%get3A_702, %get3A_703, %get3A_704] {strides = array<i32>} : memref<2x40x144xf32, #tpu.memory_space<vmem>>, vector<16xf32>,
        %mul3A_706 = arith.mulf %get3A_705, %broadcast_in_dim3A_700 : vector<16xf32>
        %swap3A_707 = arith.constant 1 : i32
        %swap3A_708 = arith.index_cast %swap3A_707 : i32 to index
        %swap3A_709 = arith.index_cast %mul3A_567 : i32 to index
        %swap3A_710 = arith.constant 64 : index
        %swap3A_711 = tpu.vector_load %arg13[%swap3A_708, %swap3A_709, %swap3A_710] {strides = array<i32>} : memref<2x40x144xf32, #tpu.memory_space<vmem>>, vector<16xf32>,
        tpu.vector_store %arg13[%swap3A_708, %swap3A_709, %swap3A_710], %mul3A_706 {strides = array<i32>} : memref<2x40x144xf32, #tpu.memory_space<vmem>>, vector<16xf32>,
        %eq3A_712 = arith.constant 5 : i32
        %eq3A_713 = vector.broadcast %eq3A_712 : i32 to vector<16xi32>
        %eq3A_714 = arith.cmpi eq, %iota3A, %eq3A_713 : vector<16xi32>
        %convert_element_type3A_715 = arith.extui %eq3A_714 : vector<16xi1> to vector<16xi32>
        %convert_element_type3A_716 = arith.sitofp %convert_element_type3A_715 : vector<16xi32> to vector<16xf32>
        %mul3A_717 = arith.mulf %exp3A, %convert_element_type3A_716 : vector<16xf32>
        %reduce_sum3A_718 = arith.constant true
        %reduce_sum3A_719 = vector.broadcast %reduce_sum3A_718 : i1 to vector<16xi1>
        %reduce_sum3A_720 = tpu.scan <sum>, %mul3A_717 masked %reduce_sum3A_719 : vector<16xf32>, vector<16xi1> -> vector<16xf32>
        %reduce_sum3A_721 = vector.extract %reduce_sum3A_720[15] : f32 from vector<16xf32>
        %broadcast_in_dim3A_722 = vector.broadcast %reduce_sum3A_721 : f32 to vector<16xf32>
        %get3A_723 = arith.constant 1 : i32
        %get3A_724 = arith.index_cast %get3A_723 : i32 to index
        %get3A_725 = arith.index_cast %mul3A_567 : i32 to index
        %get3A_726 = arith.constant 80 : index
        %get3A_727 = tpu.vector_load %arg11[%get3A_724, %get3A_725, %get3A_726] {strides = array<i32>} : memref<2x40x144xf32, #tpu.memory_space<vmem>>, vector<16xf32>,
        %mul3A_728 = arith.mulf %get3A_727, %broadcast_in_dim3A_722 : vector<16xf32>
        %swap3A_729 = arith.constant 1 : i32
        %swap3A_730 = arith.index_cast %swap3A_729 : i32 to index
        %swap3A_731 = arith.index_cast %mul3A_567 : i32 to index
        %swap3A_732 = arith.constant 80 : index
        %swap3A_733 = tpu.vector_load %arg13[%swap3A_730, %swap3A_731, %swap3A_732] {strides = array<i32>} : memref<2x40x144xf32, #tpu.memory_space<vmem>>, vector<16xf32>,
        tpu.vector_store %arg13[%swap3A_730, %swap3A_731, %swap3A_732], %mul3A_728 {strides = array<i32>} : memref<2x40x144xf32, #tpu.memory_space<vmem>>, vector<16xf32>,
        %eq3A_734 = arith.constant 6 : i32
        %eq3A_735 = vector.broadcast %eq3A_734 : i32 to vector<16xi32>
        %eq3A_736 = arith.cmpi eq, %iota3A, %eq3A_735 : vector<16xi32>
        %convert_element_type3A_737 = arith.extui %eq3A_736 : vector<16xi1> to vector<16xi32>
        %convert_element_type3A_738 = arith.sitofp %convert_element_type3A_737 : vector<16xi32> to vector<16xf32>
        %mul3A_739 = arith.mulf %exp3A, %convert_element_type3A_738 : vector<16xf32>
        %reduce_sum3A_740 = arith.constant true
        %reduce_sum3A_741 = vector.broadcast %reduce_sum3A_740 : i1 to vector<16xi1>
        %reduce_sum3A_742 = tpu.scan <sum>, %mul3A_739 masked %reduce_sum3A_741 : vector<16xf32>, vector<16xi1> -> vector<16xf32>
        %reduce_sum3A_743 = vector.extract %reduce_sum3A_742[15] : f32 from vector<16xf32>
        %broadcast_in_dim3A_744 = vector.broadcast %reduce_sum3A_743 : f32 to vector<16xf32>
        %get3A_745 = arith.constant 1 : i32
        %get3A_746 = arith.index_cast %get3A_745 : i32 to index
        %get3A_747 = arith.index_cast %mul3A_567 : i32 to index
        %get3A_748 = arith.constant 96 : index
        %get3A_749 = tpu.vector_load %arg11[%get3A_746, %get3A_747, %get3A_748] {strides = array<i32>} : memref<2x40x144xf32, #tpu.memory_space<vmem>>, vector<16xf32>,
        %mul3A_750 = arith.mulf %get3A_749, %broadcast_in_dim3A_744 : vector<16xf32>
        %swap3A_751 = arith.constant 1 : i32
        %swap3A_752 = arith.index_cast %swap3A_751 : i32 to index
        %swap3A_753 = arith.index_cast %mul3A_567 : i32 to index
        %swap3A_754 = arith.constant 96 : index
        %swap3A_755 = tpu.vector_load %arg13[%swap3A_752, %swap3A_753, %swap3A_754] {strides = array<i32>} : memref<2x40x144xf32, #tpu.memory_space<vmem>>, vector<16xf32>,
        tpu.vector_store %arg13[%swap3A_752, %swap3A_753, %swap3A_754], %mul3A_750 {strides = array<i32>} : memref<2x40x144xf32, #tpu.memory_space<vmem>>, vector<16xf32>,
        %eq3A_756 = arith.constant 7 : i32
        %eq3A_757 = vector.broadcast %eq3A_756 : i32 to vector<16xi32>
        %eq3A_758 = arith.cmpi eq, %iota3A, %eq3A_757 : vector<16xi32>
        %convert_element_type3A_759 = arith.extui %eq3A_758 : vector<16xi1> to vector<16xi32>
        %convert_element_type3A_760 = arith.sitofp %convert_element_type3A_759 : vector<16xi32> to vector<16xf32>
        %mul3A_761 = arith.mulf %exp3A, %convert_element_type3A_760 : vector<16xf32>
        %reduce_sum3A_762 = arith.constant true
        %reduce_sum3A_763 = vector.broadcast %reduce_sum3A_762 : i1 to vector<16xi1>
        %reduce_sum3A_764 = tpu.scan <sum>, %mul3A_761 masked %reduce_sum3A_763 : vector<16xf32>, vector<16xi1> -> vector<16xf32>
        %reduce_sum3A_765 = vector.extract %reduce_sum3A_764[15] : f32 from vector<16xf32>
        %broadcast_in_dim3A_766 = vector.broadcast %reduce_sum3A_765 : f32 to vector<16xf32>
        %get3A_767 = arith.constant 1 : i32
        %get3A_768 = arith.index_cast %get3A_767 : i32 to index
        %get3A_769 = arith.index_cast %mul3A_567 : i32 to index
        %get3A_770 = arith.constant 112 : index
        %get3A_771 = tpu.vector_load %arg11[%get3A_768, %get3A_769, %get3A_770] {strides = array<i32>} : memref<2x40x144xf32, #tpu.memory_space<vmem>>, vector<16xf32>,
        %mul3A_772 = arith.mulf %get3A_771, %broadcast_in_dim3A_766 : vector<16xf32>
        %swap3A_773 = arith.constant 1 : i32
        %swap3A_774 = arith.index_cast %swap3A_773 : i32 to index
        %swap3A_775 = arith.index_cast %mul3A_567 : i32 to index
        %swap3A_776 = arith.constant 112 : index
        %swap3A_777 = tpu.vector_load %arg13[%swap3A_774, %swap3A_775, %swap3A_776] {strides = array<i32>} : memref<2x40x144xf32, #tpu.memory_space<vmem>>, vector<16xf32>,
        tpu.vector_store %arg13[%swap3A_774, %swap3A_775, %swap3A_776], %mul3A_772 {strides = array<i32>} : memref<2x40x144xf32, #tpu.memory_space<vmem>>, vector<16xf32>,
        %swap3A_778 = arith.constant 1 : i32
        %swap3A_779 = arith.index_cast %swap3A_778 : i32 to index
        %swap3A_780 = arith.index_cast %add3A_569 : i32 to index
        %swap3A_781 = arith.constant 128 : index
        %swap3A_782 = tpu.vector_load %arg13[%swap3A_779, %swap3A_780, %swap3A_781] {strides = array<i32>} : memref<2x40x144xf32, #tpu.memory_space<vmem>>, vector<16xf32>,
        tpu.vector_store %arg13[%swap3A_779, %swap3A_780, %swap3A_781], %exp3A_600 {strides = array<i32>} : memref<2x40x144xf32, #tpu.memory_space<vmem>>, vector<16xf32>,
        %eq3A_783 = arith.constant 0 : i32
        %eq3A_784 = vector.broadcast %eq3A_783 : i32 to vector<16xi32>
        %eq3A_785 = arith.cmpi eq, %iota3A, %eq3A_784 : vector<16xi32>
        %convert_element_type3A_786 = arith.extui %eq3A_785 : vector<16xi1> to vector<16xi32>
        %convert_element_type3A_787 = arith.sitofp %convert_element_type3A_786 : vector<16xi32> to vector<16xf32>
        %mul3A_788 = arith.mulf %exp3A_600, %convert_element_type3A_787 : vector<16xf32>
        %reduce_sum3A_789 = arith.constant true
        %reduce_sum3A_790 = vector.broadcast %reduce_sum3A_789 : i1 to vector<16xi1>
        %reduce_sum3A_791 = tpu.scan <sum>, %mul3A_788 masked %reduce_sum3A_790 : vector<16xf32>, vector<16xi1> -> vector<16xf32>
        %reduce_sum3A_792 = vector.extract %reduce_sum3A_791[15] : f32 from vector<16xf32>
        %broadcast_in_dim3A_793 = vector.broadcast %reduce_sum3A_792 : f32 to vector<16xf32>
        %get3A_794 = arith.constant 1 : i32
        %get3A_795 = arith.index_cast %get3A_794 : i32 to index
        %get3A_796 = arith.index_cast %add3A_569 : i32 to index
        %get3A_797 = arith.constant 0 : index
        %get3A_798 = tpu.vector_load %arg11[%get3A_795, %get3A_796, %get3A_797] {strides = array<i32>} : memref<2x40x144xf32, #tpu.memory_space<vmem>>, vector<16xf32>,
        %mul3A_799 = arith.mulf %get3A_798, %broadcast_in_dim3A_793 : vector<16xf32>
        %swap3A_800 = arith.constant 1 : i32
        %swap3A_801 = arith.index_cast %swap3A_800 : i32 to index
        %swap3A_802 = arith.index_cast %add3A_569 : i32 to index
        %swap3A_803 = arith.constant 0 : index
        %swap3A_804 = tpu.vector_load %arg13[%swap3A_801, %swap3A_802, %swap3A_803] {strides = array<i32>} : memref<2x40x144xf32, #tpu.memory_space<vmem>>, vector<16xf32>,
        tpu.vector_store %arg13[%swap3A_801, %swap3A_802, %swap3A_803], %mul3A_799 {strides = array<i32>} : memref<2x40x144xf32, #tpu.memory_space<vmem>>, vector<16xf32>,
        %eq3A_805 = arith.constant 1 : i32
        %eq3A_806 = vector.broadcast %eq3A_805 : i32 to vector<16xi32>
        %eq3A_807 = arith.cmpi eq, %iota3A, %eq3A_806 : vector<16xi32>
        %convert_element_type3A_808 = arith.extui %eq3A_807 : vector<16xi1> to vector<16xi32>
        %convert_element_type3A_809 = arith.sitofp %convert_element_type3A_808 : vector<16xi32> to vector<16xf32>
        %mul3A_810 = arith.mulf %exp3A_600, %convert_element_type3A_809 : vector<16xf32>
        %reduce_sum3A_811 = arith.constant true
        %reduce_sum3A_812 = vector.broadcast %reduce_sum3A_811 : i1 to vector<16xi1>
        %reduce_sum3A_813 = tpu.scan <sum>, %mul3A_810 masked %reduce_sum3A_812 : vector<16xf32>, vector<16xi1> -> vector<16xf32>
        %reduce_sum3A_814 = vector.extract %reduce_sum3A_813[15] : f32 from vector<16xf32>
        %broadcast_in_dim3A_815 = vector.broadcast %reduce_sum3A_814 : f32 to vector<16xf32>
        %get3A_816 = arith.constant 1 : i32
        %get3A_817 = arith.index_cast %get3A_816 : i32 to index
        %get3A_818 = arith.index_cast %add3A_569 : i32 to index
        %get3A_819 = arith.constant 16 : index
        %get3A_820 = tpu.vector_load %arg11[%get3A_817, %get3A_818, %get3A_819] {strides = array<i32>} : memref<2x40x144xf32, #tpu.memory_space<vmem>>, vector<16xf32>,
        %mul3A_821 = arith.mulf %get3A_820, %broadcast_in_dim3A_815 : vector<16xf32>
        %swap3A_822 = arith.constant 1 : i32
        %swap3A_823 = arith.index_cast %swap3A_822 : i32 to index
        %swap3A_824 = arith.index_cast %add3A_569 : i32 to index
        %swap3A_825 = arith.constant 16 : index
        %swap3A_826 = tpu.vector_load %arg13[%swap3A_823, %swap3A_824, %swap3A_825] {strides = array<i32>} : memref<2x40x144xf32, #tpu.memory_space<vmem>>, vector<16xf32>,
        tpu.vector_store %arg13[%swap3A_823, %swap3A_824, %swap3A_825], %mul3A_821 {strides = array<i32>} : memref<2x40x144xf32, #tpu.memory_space<vmem>>, vector<16xf32>,
        %eq3A_827 = arith.constant 2 : i32
        %eq3A_828 = vector.broadcast %eq3A_827 : i32 to vector<16xi32>
        %eq3A_829 = arith.cmpi eq, %iota3A, %eq3A_828 : vector<16xi32>
        %convert_element_type3A_830 = arith.extui %eq3A_829 : vector<16xi1> to vector<16xi32>
        %convert_element_type3A_831 = arith.sitofp %convert_element_type3A_830 : vector<16xi32> to vector<16xf32>
        %mul3A_832 = arith.mulf %exp3A_600, %convert_element_type3A_831 : vector<16xf32>
        %reduce_sum3A_833 = arith.constant true
        %reduce_sum3A_834 = vector.broadcast %reduce_sum3A_833 : i1 to vector<16xi1>
        %reduce_sum3A_835 = tpu.scan <sum>, %mul3A_832 masked %reduce_sum3A_834 : vector<16xf32>, vector<16xi1> -> vector<16xf32>
        %reduce_sum3A_836 = vector.extract %reduce_sum3A_835[15] : f32 from vector<16xf32>
        %broadcast_in_dim3A_837 = vector.broadcast %reduce_sum3A_836 : f32 to vector<16xf32>
        %get3A_838 = arith.constant 1 : i32
        %get3A_839 = arith.index_cast %get3A_838 : i32 to index
        %get3A_840 = arith.index_cast %add3A_569 : i32 to index
        %get3A_841 = arith.constant 32 : index
        %get3A_842 = tpu.vector_load %arg11[%get3A_839, %get3A_840, %get3A_841] {strides = array<i32>} : memref<2x40x144xf32, #tpu.memory_space<vmem>>, vector<16xf32>,
        %mul3A_843 = arith.mulf %get3A_842, %broadcast_in_dim3A_837 : vector<16xf32>
        %swap3A_844 = arith.constant 1 : i32
        %swap3A_845 = arith.index_cast %swap3A_844 : i32 to index
        %swap3A_846 = arith.index_cast %add3A_569 : i32 to index
        %swap3A_847 = arith.constant 32 : index
        %swap3A_848 = tpu.vector_load %arg13[%swap3A_845, %swap3A_846, %swap3A_847] {strides = array<i32>} : memref<2x40x144xf32, #tpu.memory_space<vmem>>, vector<16xf32>,
        tpu.vector_store %arg13[%swap3A_845, %swap3A_846, %swap3A_847], %mul3A_843 {strides = array<i32>} : memref<2x40x144xf32, #tpu.memory_space<vmem>>, vector<16xf32>,
        %eq3A_849 = arith.constant 3 : i32
        %eq3A_850 = vector.broadcast %eq3A_849 : i32 to vector<16xi32>
        %eq3A_851 = arith.cmpi eq, %iota3A, %eq3A_850 : vector<16xi32>
        %convert_element_type3A_852 = arith.extui %eq3A_851 : vector<16xi1> to vector<16xi32>
        %convert_element_type3A_853 = arith.sitofp %convert_element_type3A_852 : vector<16xi32> to vector<16xf32>
        %mul3A_854 = arith.mulf %exp3A_600, %convert_element_type3A_853 : vector<16xf32>
        %reduce_sum3A_855 = arith.constant true
        %reduce_sum3A_856 = vector.broadcast %reduce_sum3A_855 : i1 to vector<16xi1>
        %reduce_sum3A_857 = tpu.scan <sum>, %mul3A_854 masked %reduce_sum3A_856 : vector<16xf32>, vector<16xi1> -> vector<16xf32>
        %reduce_sum3A_858 = vector.extract %reduce_sum3A_857[15] : f32 from vector<16xf32>
        %broadcast_in_dim3A_859 = vector.broadcast %reduce_sum3A_858 : f32 to vector<16xf32>
        %get3A_860 = arith.constant 1 : i32
        %get3A_861 = arith.index_cast %get3A_860 : i32 to index
        %get3A_862 = arith.index_cast %add3A_569 : i32 to index
        %get3A_863 = arith.constant 48 : index
        %get3A_864 = tpu.vector_load %arg11[%get3A_861, %get3A_862, %get3A_863] {strides = array<i32>} : memref<2x40x144xf32, #tpu.memory_space<vmem>>, vector<16xf32>,
        %mul3A_865 = arith.mulf %get3A_864, %broadcast_in_dim3A_859 : vector<16xf32>
        %swap3A_866 = arith.constant 1 : i32
        %swap3A_867 = arith.index_cast %swap3A_866 : i32 to index
        %swap3A_868 = arith.index_cast %add3A_569 : i32 to index
        %swap3A_869 = arith.constant 48 : index
        %swap3A_870 = tpu.vector_load %arg13[%swap3A_867, %swap3A_868, %swap3A_869] {strides = array<i32>} : memref<2x40x144xf32, #tpu.memory_space<vmem>>, vector<16xf32>,
        tpu.vector_store %arg13[%swap3A_867, %swap3A_868, %swap3A_869], %mul3A_865 {strides = array<i32>} : memref<2x40x144xf32, #tpu.memory_space<vmem>>, vector<16xf32>,
        %eq3A_871 = arith.constant 4 : i32
        %eq3A_872 = vector.broadcast %eq3A_871 : i32 to vector<16xi32>
        %eq3A_873 = arith.cmpi eq, %iota3A, %eq3A_872 : vector<16xi32>
        %convert_element_type3A_874 = arith.extui %eq3A_873 : vector<16xi1> to vector<16xi32>
        %convert_element_type3A_875 = arith.sitofp %convert_element_type3A_874 : vector<16xi32> to vector<16xf32>
        %mul3A_876 = arith.mulf %exp3A_600, %convert_element_type3A_875 : vector<16xf32>
        %reduce_sum3A_877 = arith.constant true
        %reduce_sum3A_878 = vector.broadcast %reduce_sum3A_877 : i1 to vector<16xi1>
        %reduce_sum3A_879 = tpu.scan <sum>, %mul3A_876 masked %reduce_sum3A_878 : vector<16xf32>, vector<16xi1> -> vector<16xf32>
        %reduce_sum3A_880 = vector.extract %reduce_sum3A_879[15] : f32 from vector<16xf32>
        %broadcast_in_dim3A_881 = vector.broadcast %reduce_sum3A_880 : f32 to vector<16xf32>
        %get3A_882 = arith.constant 1 : i32
        %get3A_883 = arith.index_cast %get3A_882 : i32 to index
        %get3A_884 = arith.index_cast %add3A_569 : i32 to index
        %get3A_885 = arith.constant 64 : index
        %get3A_886 = tpu.vector_load %arg11[%get3A_883, %get3A_884, %get3A_885] {strides = array<i32>} : memref<2x40x144xf32, #tpu.memory_space<vmem>>, vector<16xf32>,
        %mul3A_887 = arith.mulf %get3A_886, %broadcast_in_dim3A_881 : vector<16xf32>
        %swap3A_888 = arith.constant 1 : i32
        %swap3A_889 = arith.index_cast %swap3A_888 : i32 to index
        %swap3A_890 = arith.index_cast %add3A_569 : i32 to index
        %swap3A_891 = arith.constant 64 : index
        %swap3A_892 = tpu.vector_load %arg13[%swap3A_889, %swap3A_890, %swap3A_891] {strides = array<i32>} : memref<2x40x144xf32, #tpu.memory_space<vmem>>, vector<16xf32>,
        tpu.vector_store %arg13[%swap3A_889, %swap3A_890, %swap3A_891], %mul3A_887 {strides = array<i32>} : memref<2x40x144xf32, #tpu.memory_space<vmem>>, vector<16xf32>,
        %eq3A_893 = arith.constant 5 : i32
        %eq3A_894 = vector.broadcast %eq3A_893 : i32 to vector<16xi32>
        %eq3A_895 = arith.cmpi eq, %iota3A, %eq3A_894 : vector<16xi32>
        %convert_element_type3A_896 = arith.extui %eq3A_895 : vector<16xi1> to vector<16xi32>
        %convert_element_type3A_897 = arith.sitofp %convert_element_type3A_896 : vector<16xi32> to vector<16xf32>
        %mul3A_898 = arith.mulf %exp3A_600, %convert_element_type3A_897 : vector<16xf32>
        %reduce_sum3A_899 = arith.constant true
        %reduce_sum3A_900 = vector.broadcast %reduce_sum3A_899 : i1 to vector<16xi1>
        %reduce_sum3A_901 = tpu.scan <sum>, %mul3A_898 masked %reduce_sum3A_900 : vector<16xf32>, vector<16xi1> -> vector<16xf32>
        %reduce_sum3A_902 = vector.extract %reduce_sum3A_901[15] : f32 from vector<16xf32>
        %broadcast_in_dim3A_903 = vector.broadcast %reduce_sum3A_902 : f32 to vector<16xf32>
        %get3A_904 = arith.constant 1 : i32
        %get3A_905 = arith.index_cast %get3A_904 : i32 to index
        %get3A_906 = arith.index_cast %add3A_569 : i32 to index
        %get3A_907 = arith.constant 80 : index
        %get3A_908 = tpu.vector_load %arg11[%get3A_905, %get3A_906, %get3A_907] {strides = array<i32>} : memref<2x40x144xf32, #tpu.memory_space<vmem>>, vector<16xf32>,
        %mul3A_909 = arith.mulf %get3A_908, %broadcast_in_dim3A_903 : vector<16xf32>
        %swap3A_910 = arith.constant 1 : i32
        %swap3A_911 = arith.index_cast %swap3A_910 : i32 to index
        %swap3A_912 = arith.index_cast %add3A_569 : i32 to index
        %swap3A_913 = arith.constant 80 : index
        %swap3A_914 = tpu.vector_load %arg13[%swap3A_911, %swap3A_912, %swap3A_913] {strides = array<i32>} : memref<2x40x144xf32, #tpu.memory_space<vmem>>, vector<16xf32>,
        tpu.vector_store %arg13[%swap3A_911, %swap3A_912, %swap3A_913], %mul3A_909 {strides = array<i32>} : memref<2x40x144xf32, #tpu.memory_space<vmem>>, vector<16xf32>,
        %eq3A_915 = arith.constant 6 : i32
        %eq3A_916 = vector.broadcast %eq3A_915 : i32 to vector<16xi32>
        %eq3A_917 = arith.cmpi eq, %iota3A, %eq3A_916 : vector<16xi32>
        %convert_element_type3A_918 = arith.extui %eq3A_917 : vector<16xi1> to vector<16xi32>
        %convert_element_type3A_919 = arith.sitofp %convert_element_type3A_918 : vector<16xi32> to vector<16xf32>
        %mul3A_920 = arith.mulf %exp3A_600, %convert_element_type3A_919 : vector<16xf32>
        %reduce_sum3A_921 = arith.constant true
        %reduce_sum3A_922 = vector.broadcast %reduce_sum3A_921 : i1 to vector<16xi1>
        %reduce_sum3A_923 = tpu.scan <sum>, %mul3A_920 masked %reduce_sum3A_922 : vector<16xf32>, vector<16xi1> -> vector<16xf32>
        %reduce_sum3A_924 = vector.extract %reduce_sum3A_923[15] : f32 from vector<16xf32>
        %broadcast_in_dim3A_925 = vector.broadcast %reduce_sum3A_924 : f32 to vector<16xf32>
        %get3A_926 = arith.constant 1 : i32
        %get3A_927 = arith.index_cast %get3A_926 : i32 to index
        %get3A_928 = arith.index_cast %add3A_569 : i32 to index
        %get3A_929 = arith.constant 96 : index
        %get3A_930 = tpu.vector_load %arg11[%get3A_927, %get3A_928, %get3A_929] {strides = array<i32>} : memref<2x40x144xf32, #tpu.memory_space<vmem>>, vector<16xf32>,
        %mul3A_931 = arith.mulf %get3A_930, %broadcast_in_dim3A_925 : vector<16xf32>
        %swap3A_932 = arith.constant 1 : i32
        %swap3A_933 = arith.index_cast %swap3A_932 : i32 to index
        %swap3A_934 = arith.index_cast %add3A_569 : i32 to index
        %swap3A_935 = arith.constant 96 : index
        %swap3A_936 = tpu.vector_load %arg13[%swap3A_933, %swap3A_934, %swap3A_935] {strides = array<i32>} : memref<2x40x144xf32, #tpu.memory_space<vmem>>, vector<16xf32>,
        tpu.vector_store %arg13[%swap3A_933, %swap3A_934, %swap3A_935], %mul3A_931 {strides = array<i32>} : memref<2x40x144xf32, #tpu.memory_space<vmem>>, vector<16xf32>,
        %eq3A_937 = arith.constant 7 : i32
        %eq3A_938 = vector.broadcast %eq3A_937 : i32 to vector<16xi32>
        %eq3A_939 = arith.cmpi eq, %iota3A, %eq3A_938 : vector<16xi32>
        %convert_element_type3A_940 = arith.extui %eq3A_939 : vector<16xi1> to vector<16xi32>
        %convert_element_type3A_941 = arith.sitofp %convert_element_type3A_940 : vector<16xi32> to vector<16xf32>
        %mul3A_942 = arith.mulf %exp3A_600, %convert_element_type3A_941 : vector<16xf32>
        %reduce_sum3A_943 = arith.constant true
        %reduce_sum3A_944 = vector.broadcast %reduce_sum3A_943 : i1 to vector<16xi1>
        %reduce_sum3A_945 = tpu.scan <sum>, %mul3A_942 masked %reduce_sum3A_944 : vector<16xf32>, vector<16xi1> -> vector<16xf32>
        %reduce_sum3A_946 = vector.extract %reduce_sum3A_945[15] : f32 from vector<16xf32>
        %broadcast_in_dim3A_947 = vector.broadcast %reduce_sum3A_946 : f32 to vector<16xf32>
        %get3A_948 = arith.constant 1 : i32
        %get3A_949 = arith.index_cast %get3A_948 : i32 to index
        %get3A_950 = arith.index_cast %add3A_569 : i32 to index
        %get3A_951 = arith.constant 112 : index
        %get3A_952 = tpu.vector_load %arg11[%get3A_949, %get3A_950, %get3A_951] {strides = array<i32>} : memref<2x40x144xf32, #tpu.memory_space<vmem>>, vector<16xf32>,
        %mul3A_953 = arith.mulf %get3A_952, %broadcast_in_dim3A_947 : vector<16xf32>
        %swap3A_954 = arith.constant 1 : i32
        %swap3A_955 = arith.index_cast %swap3A_954 : i32 to index
        %swap3A_956 = arith.index_cast %add3A_569 : i32 to index
        %swap3A_957 = arith.constant 112 : index
        %swap3A_958 = tpu.vector_load %arg13[%swap3A_955, %swap3A_956, %swap3A_957] {strides = array<i32>} : memref<2x40x144xf32, #tpu.memory_space<vmem>>, vector<16xf32>,
        tpu.vector_store %arg13[%swap3A_955, %swap3A_956, %swap3A_957], %mul3A_953 {strides = array<i32>} : memref<2x40x144xf32, #tpu.memory_space<vmem>>, vector<16xf32>,
      }
      %scan3A_514 = arith.constant 20 : i32
      %dma_wait3A_515 = arith.constant 1 : i32
      %dma_wait3A_516 = arith.constant 0 : i32
      %dma_wait3A_517 = tpu.memref_slice %arg10[%dma_wait3A_515, %dma_wait3A_516] : memref<2x40xi32, #tpu.memory_space<vmem>> -> memref<1x40xi32, #tpu.memory_space<vmem>>
      %dma_wait3A_518 = tpu.memref_squeeze %dma_wait3A_517 : memref<1x40xi32, #tpu.memory_space<vmem>> -> memref<40xi32, #tpu.memory_space<vmem>>
      %dma_wait3A_519 = arith.constant 0 : i32
      %dma_wait3A_520 = tpu.memref_slice %arg5[%dma_wait3A_519] : memref<320000xi32, #tpu.memory_space<hbm>> -> memref<40xi32, #tpu.memory_space<hbm>>
      %dma_wait3A_521 = arith.constant 0 : i32
      %dma_wait3A_522 = tpu.memref_slice %arg10[%dma_wait3A_515, %dma_wait3A_521] : memref<2x40xi32, #tpu.memory_space<vmem>> -> memref<1x40xi32, #tpu.memory_space<vmem>>
      %dma_wait3A_523 = tpu.memref_squeeze %dma_wait3A_522 : memref<1x40xi32, #tpu.memory_space<vmem>> -> memref<40xi32, #tpu.memory_space<vmem>>
      %dma_wait3A_524 = arith.constant 0 : i32
      %dma_wait3A_525 = tpu.memref_slice %arg5[%dma_wait3A_524] : memref<320000xi32, #tpu.memory_space<hbm>> -> memref<40xi32, #tpu.memory_space<hbm>>
      tpu.wait_dma2 semaphore(%arg23 : memref<!tpu.dma_semaphore, #tpu.memory_space<semaphore_mem>>) src(%dma_wait3A_525 : memref<40xi32, #tpu.memory_space<hbm>>) dst(%dma_wait3A_523 : memref<40xi32, #tpu.memory_space<vmem>>)
      %dma_start3A_526 = arith.constant 1 : i32
      %dma_start3A_527 = arith.constant 1 : i32
      %dma_start3A_528 = arith.constant 0 : i32
      %dma_start3A_529 = arith.constant 0 : i32
      %dma_start3A_530 = tpu.memref_slice %arg13[%dma_start3A_526, %dma_start3A_528, %dma_start3A_529] : memref<2x40x144xf32, #tpu.memory_space<vmem>> -> memref<1x40x144xf32, #tpu.memory_space<vmem>>
      %dma_start3A_531 = tpu.memref_squeeze %dma_start3A_530 : memref<1x40x144xf32, #tpu.memory_space<vmem>> -> memref<40x144xf32, #tpu.memory_space<vmem>>
      %dma_start3A_532 = arith.constant 0 : i32
      %dma_start3A_533 = tpu.memref_slice %arg10[%dma_start3A_527, %dma_start3A_532] : memref<2x40xi32, #tpu.memory_space<vmem>> -> memref<1x40xi32, #tpu.memory_space<vmem>>
      %dma_start3A_534 = tpu.memref_squeeze %dma_start3A_533 : memref<1x40xi32, #tpu.memory_space<vmem>> -> memref<40xi32, #tpu.memory_space<vmem>>
      %dma_start3A_535 = arith.constant 0 : i32
      %dma_start3A_536 = arith.constant 0 : i32
      %dma_start3A_537 = tpu.memref_slice %arg15[%dma_start3A_535, %dma_start3A_536] : memref<10240x144xf32, #tpu.memory_space<vmem_shared>> -> memref<10240x144xf32, #tpu.memory_space<vmem_shared>>
      tpu.enqueue_indirect_dma source(%dma_start3A_531 : memref<40x144xf32, #tpu.memory_space<vmem>>) target(%dma_start3A_537 : memref<10240x144xf32, #tpu.memory_space<vmem_shared>>) offsets(%dma_start3A_534 : memref<40xi32, #tpu.memory_space<vmem>>) semaphore(%arg21 : memref<!tpu.dma_semaphore, #tpu.memory_space<semaphore_mem>>) {add = true}
      %add3A_538 = arith.constant 2 : i32
      %add3A_539 = arith.addi %add3A_412, %add3A_538 : i32
      %min3A_540 = arith.constant 249 : i32
      %min3A_541 = arith.minsi %add3A_539, %min3A_540 : i32
      %mul3A_542 = arith.constant 10000 : i32
      %mul3A_543 = arith.muli %add3A, %mul3A_542 : i32
      %mul3A_544 = arith.constant 40 : i32
      %mul3A_545 = arith.muli %min3A_541, %mul3A_544 : i32
      %add3A_546 = arith.addi %mul3A_543, %mul3A_545 : i32
      %dma_start3A_547 = arith.constant 1 : i32
      %dma_start3A_548 = arith.constant 0 : i32
      %dma_start3A_549 = tpu.memref_slice %arg8[%dma_start3A_547, %dma_start3A_548] : memref<2x40xi32, #tpu.memory_space<vmem>> -> memref<1x40xi32, #tpu.memory_space<vmem>>
      %dma_start3A_550 = tpu.memref_squeeze %dma_start3A_549 : memref<1x40xi32, #tpu.memory_space<vmem>> -> memref<40xi32, #tpu.memory_space<vmem>>
      %dma_start3A_551 = tpu.memref_slice %arg4[%add3A_546] : memref<320000xi32, #tpu.memory_space<hbm>> -> memref<40xi32, #tpu.memory_space<hbm>>
      %dma_start3A_552 = arith.constant 0 : i32
      %dma_start3A_553 = tpu.memref_slice %arg8[%dma_start3A_547, %dma_start3A_552] : memref<2x40xi32, #tpu.memory_space<vmem>> -> memref<1x40xi32, #tpu.memory_space<vmem>>
      %dma_start3A_554 = tpu.memref_squeeze %dma_start3A_553 : memref<1x40xi32, #tpu.memory_space<vmem>> -> memref<40xi32, #tpu.memory_space<vmem>>
      %dma_start3A_555 = tpu.memref_slice %arg4[%add3A_546] : memref<320000xi32, #tpu.memory_space<hbm>> -> memref<40xi32, #tpu.memory_space<hbm>>
      tpu.enqueue_dma source(%dma_start3A_555 : memref<40xi32, #tpu.memory_space<hbm>>) target(%dma_start3A_554 : memref<40xi32, #tpu.memory_space<vmem>>) target_semaphore(%arg17 : memref<!tpu.dma_semaphore, #tpu.memory_space<semaphore_mem>>)
      %dma_start3A_556 = arith.constant 1 : i32
      %dma_start3A_557 = arith.constant 0 : i32
      %dma_start3A_558 = tpu.memref_slice %arg9[%dma_start3A_556, %dma_start3A_557] : memref<2x40xi32, #tpu.memory_space<vmem>> -> memref<1x40xi32, #tpu.memory_space<vmem>>
      %dma_start3A_559 = tpu.memref_squeeze %dma_start3A_558 : memref<1x40xi32, #tpu.memory_space<vmem>> -> memref<40xi32, #tpu.memory_space<vmem>>
      %dma_start3A_560 = tpu.memref_slice %arg5[%add3A_546] : memref<320000xi32, #tpu.memory_space<hbm>> -> memref<40xi32, #tpu.memory_space<hbm>>
      %dma_start3A_561 = arith.constant 0 : i32
      %dma_start3A_562 = tpu.memref_slice %arg9[%dma_start3A_556, %dma_start3A_561] : memref<2x40xi32, #tpu.memory_space<vmem>> -> memref<1x40xi32, #tpu.memory_space<vmem>>
      %dma_start3A_563 = tpu.memref_squeeze %dma_start3A_562 : memref<1x40xi32, #tpu.memory_space<vmem>> -> memref<40xi32, #tpu.memory_space<vmem>>
      %dma_start3A_564 = tpu.memref_slice %arg5[%add3A_546] : memref<320000xi32, #tpu.memory_space<hbm>> -> memref<40xi32, #tpu.memory_space<hbm>>
      tpu.enqueue_dma source(%dma_start3A_564 : memref<40xi32, #tpu.memory_space<hbm>>) target(%dma_start3A_563 : memref<40xi32, #tpu.memory_space<vmem>>) target_semaphore(%arg17 : memref<!tpu.dma_semaphore, #tpu.memory_space<semaphore_mem>>)
    }
    %scan3A_179 = arith.constant 125 : i32
    %dma_wait3A_180 = arith.constant 1 : i32
    %dma_wait3A_181 = arith.constant 0 : i32
    %dma_wait3A_182 = tpu.memref_slice %arg8[%dma_wait3A_180, %dma_wait3A_181] : memref<2x40xi32, #tpu.memory_space<vmem>> -> memref<1x40xi32, #tpu.memory_space<vmem>>
    %dma_wait3A_183 = tpu.memref_squeeze %dma_wait3A_182 : memref<1x40xi32, #tpu.memory_space<vmem>> -> memref<40xi32, #tpu.memory_space<vmem>>
    %dma_wait3A_184 = arith.constant 0 : i32
    %dma_wait3A_185 = tpu.memref_slice %arg4[%dma_wait3A_184] : memref<320000xi32, #tpu.memory_space<hbm>> -> memref<40xi32, #tpu.memory_space<hbm>>
    %dma_wait3A_186 = arith.constant 0 : i32
    %dma_wait3A_187 = tpu.memref_slice %arg8[%dma_wait3A_180, %dma_wait3A_186] : memref<2x40xi32, #tpu.memory_space<vmem>> -> memref<1x40xi32, #tpu.memory_space<vmem>>
    %dma_wait3A_188 = tpu.memref_squeeze %dma_wait3A_187 : memref<1x40xi32, #tpu.memory_space<vmem>> -> memref<40xi32, #tpu.memory_space<vmem>>
    %dma_wait3A_189 = arith.constant 0 : i32
    %dma_wait3A_190 = tpu.memref_slice %arg4[%dma_wait3A_189] : memref<320000xi32, #tpu.memory_space<hbm>> -> memref<40xi32, #tpu.memory_space<hbm>>
    tpu.wait_dma2 semaphore(%arg17 : memref<!tpu.dma_semaphore, #tpu.memory_space<semaphore_mem>>) src(%dma_wait3A_190 : memref<40xi32, #tpu.memory_space<hbm>>) dst(%dma_wait3A_188 : memref<40xi32, #tpu.memory_space<vmem>>)
    %dma_wait3A_191 = arith.constant 1 : i32
    %dma_wait3A_192 = arith.constant 0 : i32
    %dma_wait3A_193 = tpu.memref_slice %arg9[%dma_wait3A_191, %dma_wait3A_192] : memref<2x40xi32, #tpu.memory_space<vmem>> -> memref<1x40xi32, #tpu.memory_space<vmem>>
    %dma_wait3A_194 = tpu.memref_squeeze %dma_wait3A_193 : memref<1x40xi32, #tpu.memory_space<vmem>> -> memref<40xi32, #tpu.memory_space<vmem>>
    %dma_wait3A_195 = arith.constant 0 : i32
    %dma_wait3A_196 = tpu.memref_slice %arg5[%dma_wait3A_195] : memref<320000xi32, #tpu.memory_space<hbm>> -> memref<40xi32, #tpu.memory_space<hbm>>
    %dma_wait3A_197 = arith.constant 0 : i32
    %dma_wait3A_198 = tpu.memref_slice %arg9[%dma_wait3A_191, %dma_wait3A_197] : memref<2x40xi32, #tpu.memory_space<vmem>> -> memref<1x40xi32, #tpu.memory_space<vmem>>
    %dma_wait3A_199 = tpu.memref_squeeze %dma_wait3A_198 : memref<1x40xi32, #tpu.memory_space<vmem>> -> memref<40xi32, #tpu.memory_space<vmem>>
    %dma_wait3A_200 = arith.constant 0 : i32
    %dma_wait3A_201 = tpu.memref_slice %arg5[%dma_wait3A_200] : memref<320000xi32, #tpu.memory_space<hbm>> -> memref<40xi32, #tpu.memory_space<hbm>>
    tpu.wait_dma2 semaphore(%arg17 : memref<!tpu.dma_semaphore, #tpu.memory_space<semaphore_mem>>) src(%dma_wait3A_201 : memref<40xi32, #tpu.memory_space<hbm>>) dst(%dma_wait3A_199 : memref<40xi32, #tpu.memory_space<vmem>>)
    %dma_wait3A_202 = arith.constant 0 : i32
    %dma_wait3A_203 = arith.constant 0 : i32
    %dma_wait3A_204 = arith.constant 0 : i32
    %dma_wait3A_205 = arith.constant 0 : i32
    %dma_wait3A_206 = tpu.memref_slice %arg11[%dma_wait3A_203, %dma_wait3A_204, %dma_wait3A_205] : memref<2x40x144xf32, #tpu.memory_space<vmem>> -> memref<1x40x144xf32, #tpu.memory_space<vmem>>
    %dma_wait3A_207 = tpu.memref_squeeze %dma_wait3A_206 : memref<1x40x144xf32, #tpu.memory_space<vmem>> -> memref<40x144xf32, #tpu.memory_space<vmem>>
    %dma_wait3A_208 = arith.constant 0 : i32
    %dma_wait3A_209 = tpu.memref_slice %arg8[%dma_wait3A_202, %dma_wait3A_208] : memref<2x40xi32, #tpu.memory_space<vmem>> -> memref<1x40xi32, #tpu.memory_space<vmem>>
    %dma_wait3A_210 = tpu.memref_squeeze %dma_wait3A_209 : memref<1x40xi32, #tpu.memory_space<vmem>> -> memref<40xi32, #tpu.memory_space<vmem>>
    %dma_wait3A_211 = arith.constant 0 : i32
    %dma_wait3A_212 = arith.constant 0 : i32
    %dma_wait3A_213 = tpu.memref_slice %arg2[%dma_wait3A_211, %dma_wait3A_212] : memref<10000x144xf32, #tpu.memory_space<hbm>> -> memref<10000x144xf32, #tpu.memory_space<hbm>>
    tpu.wait_indirect_dma semaphore(%arg18 : memref<!tpu.dma_semaphore, #tpu.memory_space<semaphore_mem>>) src(%dma_wait3A_213 : memref<10000x144xf32, #tpu.memory_space<hbm>>) dst(%dma_wait3A_207 : memref<40x144xf32, #tpu.memory_space<vmem>>)
    %dma_wait3A_214 = arith.constant 0 : i32
    %dma_wait3A_215 = arith.constant 0 : i32
    %dma_wait3A_216 = arith.constant 0 : i32
    %dma_wait3A_217 = arith.constant 0 : i32
    %dma_wait3A_218 = tpu.memref_slice %arg12[%dma_wait3A_215, %dma_wait3A_216, %dma_wait3A_217] : memref<2x40x16xf32, #tpu.memory_space<vmem>> -> memref<1x40x16xf32, #tpu.memory_space<vmem>>
    %dma_wait3A_219 = tpu.memref_squeeze %dma_wait3A_218 : memref<1x40x16xf32, #tpu.memory_space<vmem>> -> memref<40x16xf32, #tpu.memory_space<vmem>>
    %dma_wait3A_220 = arith.constant 0 : i32
    %dma_wait3A_221 = tpu.memref_slice %arg9[%dma_wait3A_214, %dma_wait3A_220] : memref<2x40xi32, #tpu.memory_space<vmem>> -> memref<1x40xi32, #tpu.memory_space<vmem>>
    %dma_wait3A_222 = tpu.memref_squeeze %dma_wait3A_221 : memref<1x40xi32, #tpu.memory_space<vmem>> -> memref<40xi32, #tpu.memory_space<vmem>>
    %dma_wait3A_223 = arith.constant 0 : i32
    %dma_wait3A_224 = arith.constant 0 : i32
    %dma_wait3A_225 = tpu.memref_slice %arg3[%dma_wait3A_223, %dma_wait3A_224] : memref<10000x16xf32, #tpu.memory_space<hbm>> -> memref<10000x16xf32, #tpu.memory_space<hbm>>
    tpu.wait_indirect_dma semaphore(%arg18 : memref<!tpu.dma_semaphore, #tpu.memory_space<semaphore_mem>>) src(%dma_wait3A_225 : memref<10000x16xf32, #tpu.memory_space<hbm>>) dst(%dma_wait3A_219 : memref<40x16xf32, #tpu.memory_space<vmem>>)
    %dma_wait3A_226 = arith.constant 0 : i32
    %dma_wait3A_227 = arith.constant 0 : i32
    %dma_wait3A_228 = arith.constant 0 : i32
    %dma_wait3A_229 = arith.constant 0 : i32
    %dma_wait3A_230 = tpu.memref_slice %arg13[%dma_wait3A_226, %dma_wait3A_228, %dma_wait3A_229] : memref<2x40x144xf32, #tpu.memory_space<vmem>> -> memref<1x40x144xf32, #tpu.memory_space<vmem>>
    %dma_wait3A_231 = tpu.memref_squeeze %dma_wait3A_230 : memref<1x40x144xf32, #tpu.memory_space<vmem>> -> memref<40x144xf32, #tpu.memory_space<vmem>>
    %dma_wait3A_232 = arith.constant 0 : i32
    %dma_wait3A_233 = tpu.memref_slice %arg10[%dma_wait3A_227, %dma_wait3A_232] : memref<2x40xi32, #tpu.memory_space<vmem>> -> memref<1x40xi32, #tpu.memory_space<vmem>>
    %dma_wait3A_234 = tpu.memref_squeeze %dma_wait3A_233 : memref<1x40xi32, #tpu.memory_space<vmem>> -> memref<40xi32, #tpu.memory_space<vmem>>
    %dma_wait3A_235 = arith.constant 0 : i32
    %dma_wait3A_236 = arith.constant 0 : i32
    %dma_wait3A_237 = tpu.memref_slice %arg15[%dma_wait3A_235, %dma_wait3A_236] : memref<10240x144xf32, #tpu.memory_space<vmem_shared>> -> memref<10240x144xf32, #tpu.memory_space<vmem_shared>>
    tpu.wait_indirect_dma semaphore(%arg20 : memref<!tpu.dma_semaphore, #tpu.memory_space<semaphore_mem>>) src(%dma_wait3A_231 : memref<40x144xf32, #tpu.memory_space<vmem>>) dst(%dma_wait3A_237 : memref<10240x144xf32, #tpu.memory_space<vmem_shared>>)
    %dma_wait3A_238 = arith.constant 1 : i32
    %dma_wait3A_239 = arith.constant 1 : i32
    %dma_wait3A_240 = arith.constant 0 : i32
    %dma_wait3A_241 = arith.constant 0 : i32
    %dma_wait3A_242 = tpu.memref_slice %arg13[%dma_wait3A_238, %dma_wait3A_240, %dma_wait3A_241] : memref<2x40x144xf32, #tpu.memory_space<vmem>> -> memref<1x40x144xf32, #tpu.memory_space<vmem>>
    %dma_wait3A_243 = tpu.memref_squeeze %dma_wait3A_242 : memref<1x40x144xf32, #tpu.memory_space<vmem>> -> memref<40x144xf32, #tpu.memory_space<vmem>>
    %dma_wait3A_244 = arith.constant 0 : i32
    %dma_wait3A_245 = tpu.memref_slice %arg10[%dma_wait3A_239, %dma_wait3A_244] : memref<2x40xi32, #tpu.memory_space<vmem>> -> memref<1x40xi32, #tpu.memory_space<vmem>>
    %dma_wait3A_246 = tpu.memref_squeeze %dma_wait3A_245 : memref<1x40xi32, #tpu.memory_space<vmem>> -> memref<40xi32, #tpu.memory_space<vmem>>
    %dma_wait3A_247 = arith.constant 0 : i32
    %dma_wait3A_248 = arith.constant 0 : i32
    %dma_wait3A_249 = tpu.memref_slice %arg15[%dma_wait3A_247, %dma_wait3A_248] : memref<10240x144xf32, #tpu.memory_space<vmem_shared>> -> memref<10240x144xf32, #tpu.memory_space<vmem_shared>>
    tpu.wait_indirect_dma semaphore(%arg21 : memref<!tpu.dma_semaphore, #tpu.memory_space<semaphore_mem>>) src(%dma_wait3A_243 : memref<40x144xf32, #tpu.memory_space<vmem>>) dst(%dma_wait3A_249 : memref<10240x144xf32, #tpu.memory_space<vmem_shared>>)
    %barrier3A_250 = arith.constant 0 : index
    tpu.barrier barrier_id(%barrier3A_250)
    %mul3A_251 = arith.constant 640 : i32
    %mul3A_252 = arith.muli %arg1, %mul3A_251 : i32
    %mul3A_253 = arith.constant 640 : i32
    %mul3A_254 = arith.muli %arg1, %mul3A_253 : i32
    "tpu.region"() ({
      %run_scoped3A = tpu.sem_alloc : memref<!tpu.dma_semaphore, #tpu.memory_space<semaphore_mem>>
      %dma_start3A_255 = arith.constant 0 : i32
      %dma_start3A_256 = tpu.memref_slice %arg7[%arg0, %mul3A_254, %dma_start3A_255] : memref<2x10240x144xf32, #tpu.memory_space<hbm>> -> memref<1x640x144xf32, #tpu.memory_space<hbm>>
      %dma_start3A_257 = tpu.memref_squeeze %dma_start3A_256 : memref<1x640x144xf32, #tpu.memory_space<hbm>> -> memref<640x144xf32, #tpu.memory_space<hbm>>
      %dma_start3A_258 = arith.constant 0 : i32
      %dma_start3A_259 = tpu.memref_slice %arg15[%mul3A_252, %dma_start3A_258] : memref<10240x144xf32, #tpu.memory_space<vmem_shared>> -> memref<640x144xf32, #tpu.memory_space<vmem_shared>>
      tpu.enqueue_dma source(%dma_start3A_259 : memref<640x144xf32, #tpu.memory_space<vmem_shared>>) target(%dma_start3A_257 : memref<640x144xf32, #tpu.memory_space<hbm>>) target_semaphore(%run_scoped3A : memref<!tpu.dma_semaphore, #tpu.memory_space<semaphore_mem>>)
      %dma_wait3A_260 = arith.constant 0 : i32
      %dma_wait3A_261 = tpu.memref_slice %arg7[%arg0, %mul3A_254, %dma_wait3A_260] : memref<2x10240x144xf32, #tpu.memory_space<hbm>> -> memref<1x640x144xf32, #tpu.memory_space<hbm>>
      %dma_wait3A_262 = tpu.memref_squeeze %dma_wait3A_261 : memref<1x640x144xf32, #tpu.memory_space<hbm>> -> memref<640x144xf32, #tpu.memory_space<hbm>>
      %dma_wait3A_263 = arith.constant 0 : i32
      %dma_wait3A_264 = tpu.memref_slice %arg15[%mul3A_252, %dma_wait3A_263] : memref<10240x144xf32, #tpu.memory_space<vmem_shared>> -> memref<640x144xf32, #tpu.memory_space<vmem_shared>>
      tpu.wait_dma2 semaphore(%run_scoped3A : memref<!tpu.dma_semaphore, #tpu.memory_space<semaphore_mem>>) src(%dma_wait3A_264 : memref<640x144xf32, #tpu.memory_space<vmem_shared>>) dst(%dma_wait3A_262 : memref<640x144xf32, #tpu.memory_space<hbm>>)
      tpu.yield
    }) : () -> ()
    return
  }
}

module attributes {stable_mosaic.version = 14 : i64} {
  func.func @_proj_body(%arg0: i32, %arg1: memref<2000x128xf32, #tpu.memory_space<vmem>>, %arg2: memref<128x144xf32, #tpu.memory_space<vmem>>, %arg3: memref<128x16xf32, #tpu.memory_space<vmem>>, %arg4: memref<2000x144xf32, #tpu.memory_space<vmem>>, %arg5: memref<2000x16xf32, #tpu.memory_space<vmem>>) attributes {dimension_semantics = [#tpu.dimension_semantics<arbitrary>], iteration_bounds = array<i64: 5>, scalar_prefetch = 0 : i64, scratch_operands = 0 : i64, tpu.core_type = #tpu.core_type<tc>, window_params = [{transform_indices = @transform_0, window_bounds = array<i64: 2000, 128>}, {pipeline_mode = #tpu.pipeline_mode<synchronous>, transform_indices = @transform_1, window_bounds = array<i64: 128, 144>}, {pipeline_mode = #tpu.pipeline_mode<synchronous>, transform_indices = @transform_2, window_bounds = array<i64: 128, 16>}, {transform_indices = @transform_3, window_bounds = array<i64: 2000, 144>}, {transform_indices = @transform_4, window_bounds = array<i64: 2000, 16>}]} {
    %get3A = arith.constant 0 : index
    %get3A_0 = arith.constant 0 : index
    %get3A_1 = vector.load %arg1[%get3A, %get3A_0] : memref<2000x128xf32, #tpu.memory_space<vmem>>, vector<2000x128xf32>
    %get3A_2 = arith.constant 0 : index
    %get3A_3 = arith.constant 0 : index
    %get3A_4 = vector.load %arg2[%get3A_2, %get3A_3] : memref<128x144xf32, #tpu.memory_space<vmem>>, vector<128x144xf32>
    %dot_general3A = arith.constant dense<0.000000e+00> : vector<2000x144xf32>
    %dot_general3A_5 = tpu.matmul %get3A_1, %get3A_4, %dot_general3A {dimension_numbers = #tpu.dot_dimension_numbers<[1], [0], [0], [1], [0, 0, 1, 1], [], []>, transpose_lhs_hint = false} : vector<2000x128xf32>, vector<128x144xf32>, vector<2000x144xf32> -> vector<2000x144xf32>
    %swap3A = arith.constant 0 : index
    %swap3A_6 = arith.constant 0 : index
    %swap3A_7 = vector.load %arg4[%swap3A, %swap3A_6] : memref<2000x144xf32, #tpu.memory_space<vmem>>, vector<2000x144xf32>
    tpu.vector_store %arg4[%swap3A, %swap3A_6], %dot_general3A_5 {strides = array<i32>} : memref<2000x144xf32, #tpu.memory_space<vmem>>, vector<2000x144xf32>,
    %get3A_8 = arith.constant 0 : index
    %get3A_9 = arith.constant 0 : index
    %get3A_10 = vector.load %arg3[%get3A_8, %get3A_9] : memref<128x16xf32, #tpu.memory_space<vmem>>, vector<128x16xf32>
    %dot_general3A_11 = arith.constant dense<0.000000e+00> : vector<2000x16xf32>
    %dot_general3A_12 = tpu.matmul %get3A_1, %get3A_10, %dot_general3A_11 {dimension_numbers = #tpu.dot_dimension_numbers<[1], [0], [0], [1], [0, 0, 1, 1], [], []>, transpose_lhs_hint = false} : vector<2000x128xf32>, vector<128x16xf32>, vector<2000x16xf32> -> vector<2000x16xf32>
    %swap3A_13 = arith.constant 0 : index
    %swap3A_14 = arith.constant 0 : index
    %swap3A_15 = vector.load %arg5[%swap3A_13, %swap3A_14] : memref<2000x16xf32, #tpu.memory_space<vmem>>, vector<2000x16xf32>
    tpu.vector_store %arg5[%swap3A_13, %swap3A_14], %dot_general3A_12 {strides = array<i32>} : memref<2000x16xf32, #tpu.memory_space<vmem>>, vector<2000x16xf32>,
    return
  }
  func.func @transform_0(%arg0: i32) -> (i32, i32) {
    %c0_i32 = arith.constant 0 : i32
    %c0_i32_0 = arith.constant 0 : i32
    return %arg0, %c0_i32 : i32, i32
  }
  func.func @transform_1(%arg0: i32) -> (i32, i32) {
    %c0_i32 = arith.constant 0 : i32
    %c0_i32_0 = arith.constant 0 : i32
    %c0_i32_1 = arith.constant 0 : i32
    return %c0_i32, %c0_i32_0 : i32, i32
  }
  func.func @transform_2(%arg0: i32) -> (i32, i32) {
    %c0_i32 = arith.constant 0 : i32
    %c0_i32_0 = arith.constant 0 : i32
    %c0_i32_1 = arith.constant 0 : i32
    return %c0_i32, %c0_i32_0 : i32, i32
  }
  func.func @transform_3(%arg0: i32) -> (i32, i32) {
    %c0_i32 = arith.constant 0 : i32
    %c0_i32_0 = arith.constant 0 : i32
    return %arg0, %c0_i32 : i32, i32
  }
  func.func @transform_4(%arg0: i32) -> (i32, i32) {
    %c0_i32 = arith.constant 0 : i32
    %c0_i32_0 = arith.constant 0 : i32
    return %arg0, %c0_i32 : i32, i32
  }
}

module attributes {stable_mosaic.version = 14 : i64} {
  func.func @_epi_body(%arg0: i32, %arg1: memref<1x2000x144xf32, #tpu.memory_space<vmem>>, %arg2: memref<1x2000x144xf32, #tpu.memory_space<vmem>>, %arg3: memref<2000x128xf32, #tpu.memory_space<vmem>>, %arg4: memref<1x128xf32, #tpu.memory_space<vmem>>, %arg5: memref<16x128xf32, #tpu.memory_space<vmem>>, %arg6: memref<2000x128xf32, #tpu.memory_space<vmem>>) attributes {dimension_semantics = [#tpu.dimension_semantics<arbitrary>], iteration_bounds = array<i64: 5>, scalar_prefetch = 0 : i64, scratch_operands = 0 : i64, tpu.core_type = #tpu.core_type<tc>, window_params = [{transform_indices = @transform_0, window_bounds = array<i64: 1, 2000, 144>}, {transform_indices = @transform_1, window_bounds = array<i64: 1, 2000, 144>}, {transform_indices = @transform_2, window_bounds = array<i64: 2000, 128>}, {pipeline_mode = #tpu.pipeline_mode<synchronous>, transform_indices = @transform_3, window_bounds = array<i64: 1, 128>}, {pipeline_mode = #tpu.pipeline_mode<synchronous>, transform_indices = @transform_4, window_bounds = array<i64: 16, 128>}, {transform_indices = @transform_5, window_bounds = array<i64: 2000, 128>}]} {
    %get3A = arith.constant 0 : index
    %get3A_0 = arith.constant 0 : index
    %get3A_1 = arith.constant 0 : index
    %get3A_2 = vector.load %arg1[%get3A, %get3A_0, %get3A_1] : memref<1x2000x144xf32, #tpu.memory_space<vmem>>, vector<1x2000x144xf32>
    %get3A_3 = vector.shape_cast %get3A_2 : vector<1x2000x144xf32> to vector<2000x144xf32>
    %get3A_4 = arith.constant 0 : index
    %get3A_5 = arith.constant 0 : index
    %get3A_6 = arith.constant 0 : index
    %get3A_7 = vector.load %arg2[%get3A_4, %get3A_5, %get3A_6] : memref<1x2000x144xf32, #tpu.memory_space<vmem>>, vector<1x2000x144xf32>
    %get3A_8 = vector.shape_cast %get3A_7 : vector<1x2000x144xf32> to vector<2000x144xf32>
    %add3A = arith.addf %get3A_3, %get3A_8 : vector<2000x144xf32>
    %slice3A = vector.extract_strided_slice %add3A {offsets = [0, 0], sizes = [2000, 128], strides = [1, 1]} : vector<2000x144xf32> to vector<2000x128xf32>
    %slice3A_9 = vector.extract_strided_slice %add3A {offsets = [0, 128], sizes = [2000, 16], strides = [1, 1]} : vector<2000x144xf32> to vector<2000x16xf32>
    %get3A_10 = arith.constant 0 : index
    %get3A_11 = arith.constant 0 : index
    %get3A_12 = vector.load %arg5[%get3A_10, %get3A_11] : memref<16x128xf32, #tpu.memory_space<vmem>>, vector<16x128xf32>
    %dot_general3A = arith.constant dense<0.000000e+00> : vector<2000x128xf32>
    %dot_general3A_13 = tpu.matmul %slice3A_9, %get3A_12, %dot_general3A {dimension_numbers = #tpu.dot_dimension_numbers<[1], [0], [0], [1], [0, 0, 1, 1], [], []>, transpose_lhs_hint = false} : vector<2000x16xf32>, vector<16x128xf32>, vector<2000x128xf32> -> vector<2000x128xf32>
    %add3A_14 = arith.constant 1.000000e-16 : f32
    %add3A_15 = vector.broadcast %add3A_14 : f32 to vector<2000x128xf32>
    %add3A_16 = arith.addf %dot_general3A_13, %add3A_15 : vector<2000x128xf32>
    %div3A = arith.divf %slice3A, %add3A_16 : vector<2000x128xf32>
    %get3A_17 = arith.constant 0 : index
    %get3A_18 = arith.constant 0 : index
    %get3A_19 = vector.load %arg4[%get3A_17, %get3A_18] : memref<1x128xf32, #tpu.memory_space<vmem>>, vector<1x128xf32>
    %add3A_20 = vector.broadcast %get3A_19 : vector<1x128xf32> to vector<2000x128xf32>
    %add3A_21 = arith.addf %div3A, %add3A_20 : vector<2000x128xf32>
    %get3A_22 = arith.constant 0 : index
    %get3A_23 = arith.constant 0 : index
    %get3A_24 = vector.load %arg3[%get3A_22, %get3A_23] : memref<2000x128xf32, #tpu.memory_space<vmem>>, vector<2000x128xf32>
    %gt3A = arith.constant 0.000000e+00 : f32
    %gt3A_25 = vector.broadcast %gt3A : f32 to vector<2000x128xf32>
    %gt3A_26 = arith.cmpf ogt, %add3A_21, %gt3A_25 : vector<2000x128xf32>
    %exp3A = math.exp %add3A_21 : vector<2000x128xf32>
    %sub3A = arith.constant 1.000000e+00 : f32
    %sub3A_27 = vector.broadcast %sub3A : f32 to vector<2000x128xf32>
    %sub3A_28 = arith.subf %exp3A, %sub3A_27 : vector<2000x128xf32>
    %select_n3A = arith.select %gt3A_26, %add3A_21, %sub3A_28 : vector<2000x128xi1>, vector<2000x128xf32>
    %add3A_29 = arith.addf %get3A_24, %select_n3A : vector<2000x128xf32>
    %swap3A = arith.constant 0 : index
    %swap3A_30 = arith.constant 0 : index
    %swap3A_31 = vector.load %arg6[%swap3A, %swap3A_30] : memref<2000x128xf32, #tpu.memory_space<vmem>>, vector<2000x128xf32>
    tpu.vector_store %arg6[%swap3A, %swap3A_30], %add3A_29 {strides = array<i32>} : memref<2000x128xf32, #tpu.memory_space<vmem>>, vector<2000x128xf32>,
    return
  }
  func.func @transform_0(%arg0: i32) -> (i32, i32, i32) {
    %c0_i32 = arith.constant 0 : i32
    %c0_i32_0 = arith.constant 0 : i32
    %c0_i32_1 = arith.constant 0 : i32
    return %c0_i32, %arg0, %c0_i32_0 : i32, i32, i32
  }
  func.func @transform_1(%arg0: i32) -> (i32, i32, i32) {
    %c1_i32 = arith.constant 1 : i32
    %c0_i32 = arith.constant 0 : i32
    %c0_i32_0 = arith.constant 0 : i32
    return %c1_i32, %arg0, %c0_i32 : i32, i32, i32
  }
  func.func @transform_2(%arg0: i32) -> (i32, i32) {
    %c0_i32 = arith.constant 0 : i32
    %c0_i32_0 = arith.constant 0 : i32
    return %arg0, %c0_i32 : i32, i32
  }
  func.func @transform_3(%arg0: i32) -> (i32, i32) {
    %c0_i32 = arith.constant 0 : i32
    %c0_i32_0 = arith.constant 0 : i32
    %c0_i32_1 = arith.constant 0 : i32
    return %c0_i32, %c0_i32_0 : i32, i32
  }
  func.func @transform_4(%arg0: i32) -> (i32, i32) {
    %c0_i32 = arith.constant 0 : i32
    %c0_i32_0 = arith.constant 0 : i32
    %c0_i32_1 = arith.constant 0 : i32
    return %c0_i32, %c0_i32_0 : i32, i32
  }
  func.func @transform_5(%arg0: i32) -> (i32, i32) {
    %c0_i32 = arith.constant 0 : i32
    %c0_i32_0 = arith.constant 0 : i32
    return %arg0, %c0_i32 : i32, i32
  }
}

</mosaic_0001>

<sc_bundles>
// kernel: kernel.5.cloned.1.call-start
scs
__scs_entry_jumppad:
0x0: {  	(pc) =	sbr.rel $0x88, $3  }
0x1: {  	(tag) =	ssettag $0x0;
	lr =	simm.s32 $0x1  }
0x2: {  	[smem:$0x3F9B] =	sst lr;
	_ =	strace $0xD0000000  }
0x3: {  	_ = 	snop  }
0x4: {  	_ = 	snop  }
0x5: {  	_ = 	snop  }
0x6: {  	_ = 	snop  }
0x7: {  	_ = 	snop  }
__scs_overlays_trampoline_lowered:
0x8: {  	[smem:$0x3FAA] =	sst s0  }
0x9: {  	[smem:$0x3FAB] =	sst s1  }
0xa: {  	[smem:$0x3FAC] =	sst s2  }
0xb: {  	[smem:$0x3FAD] =	sst s3  }
0xc: {  	[smem:$0x3FAE] =	sst s4  }
0xd: {  	[smem:$0x3FAF] =	sst s5  }
0xe: {  	[smem:$0x3FB0] =	sst s6  }
0xf: {  	[smem:$0x3FB1] =	sst s7  }
0x10: {  	[smem:$0x3FB2] =	sst s8  }
0x11: {  	[smem:$0x3FB3] =	sst s9;
	s0 =	simm.s32 @!p0 $0x0  }
0x12: {  	s1 =	sld [smem:$0x3F99];
	s0 =	simm.s32 @p0 $0x1  }
0x13: {  	[smem:$0x3FB4] =	sst s0;
	s0 =	simm.s32 @!p1 $0x0  }
0x14: {  	s2 =	sld [smem:$0x3F98];
	s0 =	simm.s32 @p1 $0x1  }
0x15: {  	[smem:$0x3FB5] =	sst s0;
	s0 =	simm.s32 @!p2 $0x0  }
0x16: {  	s3 =	sld [smem:$0x3FDB];
	s0 =	simm.s32 @p2 $0x1  }
0x17: {  	s4 =	simm.s32 $0x1BF5;
	[smem:$0x3FB7] =	sst s0  }
0x18: {  	s0 =	sld [smem:$0x3F9A];
	_ =	swait.ge [sflag:s4], $0x0  }
0x19: {  	s7 =	sld [smem:$0x3F9B]  }
0x1a: {  	s8 =	sadd.s32 $0xFFFFE003, lr  }
0x1b: {  	s9 =	sadd.s32 $0xFFFFFEF7, lr;
	s5 =	simm.s32 $0xFFFFFFFF;
	p2 =	slt.u32 s8, $0xFFFFF086  }
0x1c: {  	p1 =	slt.u32 s9, $0xF7A;
	s5 =	simm.s32 @!p2 $0x0  }
0x1d: {  	s5 =	simm.s32 @p1 $0x1;
	p0 =	seq.s32 s7, s2  }
0x1e: {  	s7 =	smul.u32 @!p0 $0xF7A, s2;
	p2 =	seq.s32 @!p0 s5, $0x0  }
0x1f: {  	s9 =	smul.u32 $0xF7A, s1;
	s8 =	simm.s32 @!p0 $0x1BF5;
	p2 =	por !p2, p0  }
0x20: {  	[sflag:s8] =	ssyncset.s32 @!p0 $0xFFFFF086;
	s6 =	sadd.s32 @!p0 s3, s7;
	s7 =	simm.s32 @!p0 $0x108  }
0x21: {  	s3 =	sadd.s32 s3, s9;
	s6 =	sadd.s32 @!p0 $0x88, s6;
	s7 =	simm.s32 @p2 $0x1082  }
0x22: {  	[simem:s7], [sflag:s8] =	dma.local @!p0 [hbm:s6], $0xF7A  }
0x23: {  	s9 =	sor.u32 $0xD0000000, s2;
	s6 =	simm.s32 $0x108;
	_ =	swait.ge @!p0 [sflag:s8], $0x0  }
0x24: {  	s3 =	sadd.s32 $0x88, s3;
	s6 =	simm.s32 @!p1 $0x1082;
	[sflag:s4] =	ssyncset.s32 $0xFFFFF086  }
0x25: {  	[simem:s6], [sflag:s4] =	dma.local [hbm:s3], $0xF7A  }
0x26: {  	[smem:$0x3F9B] =	sst s1;
	(tag) =	ssettag s2;
	_ =	strace s9  }
0x27: {  	s1 =	sld [smem:$0x3FAB]  }
0x28: {  	s2 =	sld [smem:$0x3FAC]  }
0x29: {  	s4 =	sld [smem:$0x3FAE]  }
0x2a: {  	p0 =	seq.s32 s5, $0x0;
	s5 =	sld [smem:$0x3FAF]  }
0x2b: {  	s6 =	sld [smem:$0x3FB0]  }
0x2c: {  	s7 =	sld [smem:$0x3FB1]  }
0x2d: {  	s3 =	simm.s32 $0x108;
	s8 =	sld [smem:$0x3FB2]  }
0x2e: {  	s3 =	simm.s32 @!p0 $0x1082;
	s9 =	sld [smem:$0x3FB3]  }
0x2f: {  	lr =	sadd.s32 s0, s3;
	s0 =	sld [smem:$0x3FAA]  }
0x30: {  	s3 =	sld [smem:$0x3FAD]  }
0x31: {  	[smem:$0x3FB6] =	sst s10  }
0x32: {  	s10 =	sld [smem:$0x3FB4];
	_ =	sdelay $0x3  }
0x33: {  	p0 =	seq.s32 s10, $0x1;
	s10 =	sld [smem:$0x3FB6];
	_ =	sdelay $0x3  }
0x34: {  	[smem:$0x3FB6] =	sst s10  }
0x35: {  	s10 =	sld [smem:$0x3FB5];
	_ =	sdelay $0x3  }
0x36: {  	p1 =	seq.s32 s10, $0x1;
	s10 =	sld [smem:$0x3FB6];
	_ =	sdelay $0x3  }
0x37: {  	[smem:$0x3FB6] =	sst s10  }
0x38: {  	s10 =	sld [smem:$0x3FB7]  }
0x39: {  	_ = 	snop;
	(pc) =	sbr.ind lr, $3  }
0x3a: {  	_ = 	snop  }
0x3b: {  	_ = 	snop  }
0x3c: {  	p2 =	seq.s32 s10, $0x1;
	s10 =	sld [smem:$0x3FB6]  }
0x3d: {  	_ =	shalt  }
0x3e: {  	_ =	shalt  }
0x3f: {  	_ =	shalt  }
0x40: {  	_ =	shalt  }
0x41: {  	_ =	shalt  }
0x42: {  	_ =	shalt  }
0x43: {  	_ =	shalt  }
0x44: {  	_ =	shalt  }
0x45: {  	_ =	shalt  }
0x46: {  	_ =	shalt  }
0x47: {  	_ =	shalt  }
0x48: {  	_ =	shalt  }
0x49: {  	_ =	shalt  }
0x4a: {  	_ =	shalt  }
0x4b: {  	_ =	shalt  }
0x4c: {  	_ =	shalt  }
0x4d: {  	_ =	shalt  }
0x4e: {  	_ =	shalt  }
0x4f: {  	_ =	shalt  }
0x50: {  	_ =	shalt  }
0x51: {  	_ =	shalt  }
0x52: {  	_ =	shalt  }
0x53: {  	_ =	shalt  }
0x54: {  	_ =	shalt  }
0x55: {  	_ =	shalt  }
0x56: {  	_ =	shalt  }
0x57: {  	_ =	shalt  }
0x58: {  	_ =	shalt  }
0x59: {  	_ =	shalt  }
0x5a: {  	_ =	shalt  }
0x5b: {  	_ =	shalt  }
0x5c: {  	_ =	shalt  }
0x5d: {  	_ =	shalt  }
0x5e: {  	_ =	shalt  }
0x5f: {  	_ =	shalt  }
0x60: {  	_ =	shalt  }
0x61: {  	_ =	shalt  }
0x62: {  	_ =	shalt  }
0x63: {  	_ =	shalt  }
0x64: {  	_ =	shalt  }
0x65: {  	_ =	shalt  }
0x66: {  	_ =	shalt  }
0x67: {  	_ =	shalt  }
0x68: {  	_ =	shalt  }
0x69: {  	_ =	shalt  }
0x6a: {  	_ =	shalt  }
0x6b: {  	_ =	shalt  }
0x6c: {  	_ =	shalt  }
0x6d: {  	_ =	shalt  }
0x6e: {  	_ =	shalt  }
0x6f: {  	_ =	shalt  }
0x70: {  	_ =	shalt  }
0x71: {  	_ =	shalt  }
0x72: {  	_ =	shalt  }
0x73: {  	_ =	shalt  }
0x74: {  	_ =	shalt  }
0x75: {  	_ =	shalt  }
0x76: {  	_ =	shalt  }
0x77: {  	_ =	shalt  }
0x78: {  	_ =	shalt  }
0x79: {  	_ =	shalt  }
0x7a: {  	_ =	shalt  }
0x7b: {  	_ =	shalt  }
0x7c: {  	_ =	shalt  }
0x7d: {  	_ =	shalt  }
0x7e: {  	_ =	shalt  }
0x7f: {  	_ =	shalt  }
0x80: {  	_ =	shalt  }
0x81: {  	_ =	shalt  }
0x82: {  	_ =	shalt  }
0x83: {  	_ =	shalt  }
0x84: {  	_ =	shalt  }
0x85: {  	_ =	shalt  }
0x86: {  	_ =	shalt  }
0x87: {  	_ =	shalt  }
.Lfunc_end0:
.L_simem_size_0:
called_computation_lowered:
.L_overlay_start_0:
0x88: {  	s2 =	sld [smem:$0x3FD9]  }
0x89: {  	s3 =	sld [smem:$0x3FFE];
	_ =	sdelay $0x1  }
0x8a: {  	s1 =	srdreg.scid  }
0x8b: {  	s0 =	sand.u32 $0x1, s1  }
0x8c: {  	s17 =	sshll.u32 s0, $0xA;
	s2 =	sadd.s32 s3, s2  }
0x8d: {  	s2 =	sadd.s32 s2, s17  }
0x8e: {  	[smem:$0x3FC2] =	sst s2  }
0x8f: {  	_ = 	snop  }
0x90: {  	s2 =	sld [smem:$0x3FD0];
	(tm) =	ssettm $0x1  }
0x91: {  	s18 =	sld [smem:$0x3FFB];
	_ =	sdelay $0x3  }
0x92: {  	_ =	strace s18  }
0x93: {  	s3 =	sld [smem:$0x3FFC];
	_ =	sdelay $0x3  }
0x94: {  	_ =	strace s3  }
0x95: {  	s3 =	sld [smem:$0x3FFD];
	_ =	sdelay $0x3  }
0x96: {  	_ =	strace s3  }
0x97: {  	_ =	strace $0x8FFFFFFF  }
0x98: {  	s19 =	sld [smem:$0x3FDB];
	_ =	sdelay $0x1  }
0x99: {  	s4 =	simm.s32 $_scs_section_size  }
0x9a: {  	s5 =	simm.s32 $_size__tile_overlayer_lowered;
	s6 =	simm.s32 $_tile_overlayer_lowered  }
0x9b: {  	s22 =	simm.s32 $0x1BFF;
	s21 =	sshll.u32 s6, $0x1;
	s3 =	sadd.s32 s4, s19  }
0x9c: {  	s7 =	simm.s32 $0x0;
	s20 =	sshll.u32 s5, $0x1;
	s5 =	sadd.s32 s21, s3  }
0x9d: {  	[timem:s7], [sflag:s22] =	dma.local [hbm:s5], s20  }
0x9e: {  	_ =	swait.ge [sflag:s22], s20  }
0x9f: {  	s4 =	ssub.s32 $0x0, s20;
	[sflag:s22] =	ssyncset.done $0x0  }
0xa0: {  	[sflag:s22] =	ssyncadd.s32 s4;
	_ =	sdelay $0x1  }
0xa1: {  	s23 =	simm.s32 $0x1B8B  }
0xa2: {  	_ =	swait.ge [sflag:s23], $0x1  }
0xa3: {  	[sflag:s23] =	ssyncset.done $0x0  }
0xa4: {  	s25 =	simm.s32 $0x1B8E;
	s24 =	sld [smem:$0x3FFE];
	[sflag:s23] =	ssyncadd.s32 $0xFFFFFFFF  }
0xa5: {  	s26 =	simm.s32 $execute0_lowered;
	[smem:$0x3FD2] =	sst s25  }
0xa6: {  	s5 =	sshll.u32 s26, $0x1;
	_ =	strace $0x80000046;
	[dreg:$0x1] =	wrdreg $0xFFFFFFFF  }
0xa7: {  	s28 =	simm.s32 $_size_execute0_lowered;
	s3 =	sadd.s32 s3, s5;
	[dreg:$0x0] =	wrdreg $0x0  }
0xa8: {  	s5 =	sshll.u32 s28, $0x1;
	[dreg:$0x2] =	wrdreg s3  }
0xa9: {  	[dreg:$0x3] =	wrdreg s5  }
0xaa: {  	[dreg:$0x4] =	wrdreg $0xC0  }
0xab: {  	_ =	task [dreg:s7], $0x5FFFF  }
0xac: {  	[dreg:$0x1] =	wrdreg $0xFFFFFFFF  }
0xad: {  	[dreg:$0x0] =	wrdreg $0x60  }
0xae: {  	[dreg:$0x2] =	wrdreg s24  }
0xaf: {  	[dreg:$0x3] =	wrdreg s2  }
0xb0: {  	[dreg:$0x4] =	wrdreg $0x60000  }
0xb1: {  	[dreg:$0x5] =	wrdreg $0x9  }
0xb2: {  	_ =	task.clear_ibuf [dreg:s7], $0x6FFFF;
	_ =	strace $0x90000046  }
0xb3: {  	s29 =	simm.s32 $0x9;
	_ =	strace $0x80000048  }
0xb4: {  	_ =	swait.ge [sflag:s29], $0x1  }
0xb5: {  	[sflag:s29] =	ssyncadd.s32 $0xFFFFFFFF  }
0xb6: {  	_ =	strace $0x90000048  }
0xb7: {  	_ =	sfence  }
0xb8: {  	s30 =	sld [smem:$0x0];
	_ =	sdelay $0x2  }
0xb9: {  	s31 =	sshll.u32 s1, $0xD;
	s1 =	sshrl.u32 s1, $0x2  }
0xba: {  	s3 =	sand.u32 $0x4000, s31;
	s1 =	sadd.s32 s1, s30  }
0xbb: {  	s0 =	sor.u32 s3, s0;
	s1 =	sshll.u32 s1, $0x11  }
0xbc: {  	s0 =	sor.u32 s1, s0  }
0xbd: {  	s0 =	sadd.s32 $0x8F2B, s0  }
0xbe: {  	[sflag:s0] =	ssyncadd.remote.s32 $0x1  }
0xbf: {  	_ =	sfence.sel $0xFFFF  }
0xc0: {  	[dreg:$0x0] =	wrdreg $0xFFFFFFFF;
	(pc) =	sbr.abs _section_cstart, $3  }
0xc1: {  	[dreg:$0x1] =	wrdreg $0xFFFFFFFF  }
0xc2: {  	_ =	task.clear_ibuf [dreg:s7], $0x2FFFF;
	_ =	strace $0x9FFFFFFF  }
0xc3: {  	(tm) =	ssettm $0x7FFFFFFF  }
tec
execute0_lowered:
.L_overlay_start_1:
0x0: {  	(tag) =	ssettag $0x1  }
0x1: {  	s1 =	rddreg [dreg:$0x0]  }
0x2: {  	s2 =	rddreg [dreg:$0x1]  }
0x3: {  	s3 =	rddreg [dreg:$0x2]  }
0x4: {  	s0 =	srdreg.scid;
	s5 =	simm.s32 $0x0;
	s13 =	stileid.u32  }
0x5: {  	s28 =	simm.s32 $0x7;
	s29 =	simm.s32 $0x8;
	s9 =	smul.u32 $0x16800, s13  }
0x6: {  	s0 =	sand.u32 $0x1, s0;
	s8 =	sshll.u32 s13, $0x1;
	s13 =	smul.u32 $0x5A000, s13  }
0x7: {  	[smem:$0x7FF] =	sst s5;
	s10 =	sadd.s32 $0x2C000, s1;
	s4 =	smul.u32 $0x168000, s0  }
0x8: {  	_ =	strace $0x80000047;
	s8 =	sor.u32 s0, s8;
	s0 =	ssub.s32 $0x2, s0  }
0x9: {  	[dreg:$0x4] =	wrdreg s10;
	s21 =	sshrl.u32 s0, $0x1;
	s26 =	sadd.s32 s9, s3  }
0xa: {  	s25 =	sshrl.u32 s13, $0x2;
	s4 =	sadd.s32 s9, s4;
	s17 =	sshrl.u32 s26, $0x3  }
0xb: {  	s0 =	ssub.s32 s0, s21;
	s9 =	sadd.s32 s25, s3;
	[dreg:$0x11] =	wrdreg s17  }
0xc: {  	s31 =	simm.s32 $0x2;
	s0 =	smax.u32 s0, $0x1;
	[dreg:$0xa] =	wrdreg s9  }
0xd: {  	s6 =	sadd.s32 $0x2C200, s1;
	s30 =	sadd.s32 $0x1680, s9;
	[dreg:$0xb] =	wrdreg s0  }
0xe: {  	s7 =	sadd.s32 $0x31200, s1;
	s13 =	sadd.s32 $0x5A00, s9;
	[dreg:$0xc] =	wrdreg s30  }
0xf: {  	s8 =	smul.u32 $0x2710, s8;
	s14 =	sadd.s32 $0x7080, s9;
	[dreg:$0xf] =	wrdreg s13  }
0x10: {  	s4 =	sshrl.u32 s4, $0x3;
	s18 =	sadd.s32 $0x8700, s9;
	[dreg:$0x10] =	wrdreg s14  }
0x11: {  	s11 =	sshrl.u32 s8, $0x3;
	s19 =	sadd.s32 $0x9D80, s9;
	[dreg:$0x12] =	wrdreg s18  }
0x12: {  	s10 =	sadd.s32 $0x28, s8;
	s20 =	sadd.s32 $0xB400, s9;
	[dreg:$0x13] =	wrdreg s19  }
0x13: {  	s15 =	sadd.s32 $0x50, s8;
	s21 =	sadd.s32 $0xCA80, s9;
	[dreg:$0x14] =	wrdreg s20  }
0x14: {  	s16 =	sadd.s32 $0x78, s8;
	s25 =	sadd.s32 $0x12480, s9;
	[dreg:$0x15] =	wrdreg s21  }
0x15: {  	s26 =	sadd.s32 $0x13B00, s9;
	s17 =	simm.s32 $0x9;
	[dreg:$0x19] =	wrdreg s25  }
0x16: {  	s4 =	sadd.s32 s4, s1;
	s12 =	sadd.s32 s7, s11;
	[dreg:$0x1a] =	wrdreg s26  }
0x17: {  	s22 =	sshrl.u32 s10, $0x3;
	s11 =	sadd.s32 s2, s11;
	[dreg:$0x5] =	wrdreg s12  }
0x18: {  	s30 =	sadd.s32 $0x15180, s9;
	s19 =	simm.s32 $0x50;
	[dreg:$0x6] =	wrdreg s11  }
0x19: {  	s20 =	simm.s32 $0x1;
	s23 =	sadd.s32 s7, s22;
	[dreg:$0x1b] =	wrdreg s30  }
0x1a: {  	s21 =	simm.s32 $0x28;
	s24 =	sadd.s32 s2, s22;
	[dreg:$0x7] =	wrdreg s23  }
0x1b: {  	s25 =	simm.s32 $0xA0;
	s4 =	sadd.s32 $0x3B000, s4;
	[dreg:$0x8] =	wrdreg s24  }
0x1c: {  	v0 =	vimm.f32 $0.0e+00;
	vm0 =	vcmask $0x300;
	s26 =	simm.s32 $0xC8;
	s11 =	sadd.s32 $0x2D00, s9;
	[dreg:$0x9] =	wrdreg s4  }
0x1d: {  	vm1 =	vcmask $0x704;
	vm11 =	vcmask $0xB08;
	vm12 =	vcmask $0xF0C;
	s13 =	simm.s32 $0x4;
	s12 =	sadd.s32 $0x4380, s9;
	[dreg:$0xd] =	wrdreg s11  }
0x1e: {  	vm2 =	vcmask $0x1310;
	vm13 =	vcmask $0x1714;
	vm14 =	vcmask $0x1B18;
	s18 =	simm.s32 $0x6;
	s22 =	sadd.s32 $0xE100, s9;
	[dreg:$0xe] =	wrdreg s12  }
0x1f: {  	vm15 =	vcmask $0x1F1C;
	v1 =	vsel vm0, $0x3F800000, v0;
	v2 =	vsel vm1, $0x3F800000, v0;
	[dreg:$0x16] =	wrdreg s22;
	s23 =	sadd.s32 $0xF780, s9;
	s24 =	sadd.s32 $0x10E00, s9  }
0x20: {  	v3 =	vsel vm11, $0x3F800000, v0;
	v4 =	vsel vm12, $0x3F800000, v0;
	v5 =	vsel vm2, $0x3F800000, v0;
	s9 =	simm.s32 $0x3;
	s11 =	simm.s32 $0x5;
	[dreg:$0x17] =	wrdreg s23  }
0x21: {  	v6 =	vsel vm13, $0x3F800000, v0;
	v7 =	vsel vm14, $0x3F800000, v0;
	v8 =	vsel vm15, $0x3F800000, v0;
	s4 =	simm.s32 $0x0;
	[dreg:$0x18] =	wrdreg s24;
	s24 =	simm.s32 $0x78  }
.LBB2_1:
0x22: {  	[dreg:$0x1c] =	wrdreg s4;
	s0 =	simm.s32 $0x40;
	s4 =	simm.s32 $0x340  }
.LBB2_2:
0x23: {  	p0 =	sne.s32 s4, $0x58C0;
	[tilespmem:s0+$0x49B0] =	vst v0  }
0x24: {  	[tilespmem:s0+$0x32B0] =	vst v0  }
0x25: {  	[tilespmem:s0+$0x32C0] =	vst v0  }
0x26: {  	[tilespmem:s0+$0x32D0] =	vst v0  }
0x27: {  	[tilespmem:s0+$0x32E0] =	vst v0  }
0x28: {  	[tilespmem:s0+$0x32F0] =	vst v0  }
0x29: {  	[tilespmem:s0+$0x3300] =	vst v0  }
0x2a: {  	[tilespmem:s0+$0x3310] =	vst v0  }
0x2b: {  	[tilespmem:s0+$0x3320] =	vst v0  }
0x2c: {  	[tilespmem:s0+$0x3330] =	vst v0  }
0x2d: {  	[tilespmem:s0+$0x4930] =	vst v0  }
0x2e: {  	[tilespmem:s0+$0x4940] =	vst v0  }
0x2f: {  	[tilespmem:s0+$0x4950] =	vst v0  }
.Ltmp0:
0x30: {  	[tilespmem:s0+$0x4960] =	vst v0;
	(pc) =	sbr.rel @p0 .LBB2_2-.Ltmp0, $4  }
0x31: {  	[tilespmem:s0+$0x4970] =	vst v0  }
0x32: {  	[tilespmem:s0+$0x4980] =	vst v0  }
0x33: {  	[tilespmem:s0+$0x4990] =	vst v0  }
0x34: {  	[tilespmem:s0+$0x49A0] =	vst v0;
	s0 =	sshra.s32 s4, $0x2;
	s4 =	sadd.s32 $0x240, s4  }
0x35: {  	[tilespmem:s0+$0x49B0] =	vst v0  }
0x36: {  	[tilespmem:s0+$0x32B0] =	vst v0  }
0x37: {  	[tilespmem:s0+$0x32C0] =	vst v0  }
0x38: {  	[tilespmem:s0+$0x32D0] =	vst v0  }
0x39: {  	[tilespmem:s0+$0x32E0] =	vst v0  }
0x3a: {  	[tilespmem:s0+$0x32F0] =	vst v0  }
0x3b: {  	[tilespmem:s0+$0x3300] =	vst v0  }
0x3c: {  	[tilespmem:s0+$0x3310] =	vst v0  }
0x3d: {  	[tilespmem:s0+$0x3320] =	vst v0  }
0x3e: {  	[tilespmem:s0+$0x3330] =	vst v0  }
0x3f: {  	[tilespmem:s0+$0x4930] =	vst v0  }
0x40: {  	[tilespmem:s0+$0x4940] =	vst v0  }
0x41: {  	[tilespmem:s0+$0x4950] =	vst v0  }
0x42: {  	[tilespmem:s0+$0x4960] =	vst v0  }
0x43: {  	[tilespmem:s0+$0x4970] =	vst v0  }
0x44: {  	[tilespmem:s0+$0x4980] =	vst v0  }
0x45: {  	[tilespmem:s0+$0x4990] =	vst v0  }
0x46: {  	[tilespmem:s0+$0x49A0] =	vst v0;
	s23 =	rddreg [dreg:$0xa];
	s14 =	simm.s32 $0x32F0  }
0x47: {  	[spmem:s23] =	stream.linear.scatter [tilespmem:s14], [sflag:$0x9], $0x1680, $0x38;
	[tilespmem:$0x1C800] =	vst v63  }
0x48: {  	_ =	swait.ge [sflag:s17], $0x1680  }
0x49: {  	[sflag:s17] =	ssyncset.done $0x0  }
0x4a: {  	s30 =	rddreg [dreg:$0xc];
	[sflag:s17] =	ssyncadd.s32 $0xFFFFE980  }
0x4b: {  	[spmem:s30] =	stream.linear.scatter [tilespmem:s14], [sflag:$0x9], $0x1680, $0x38;
	[tilespmem:$0x1C800] =	vst v63  }
0x4c: {  	_ =	swait.ge [sflag:s17], $0x1680  }
0x4d: {  	[sflag:s17] =	ssyncset.done $0x0  }
0x4e: {  	s4 =	rddreg [dreg:$0xd];
	[sflag:s17] =	ssyncadd.s32 $0xFFFFE980  }
0x4f: {  	[spmem:s4] =	stream.linear.scatter [tilespmem:s14], [sflag:$0x9], $0x1680, $0x38;
	[tilespmem:$0x1C800] =	vst v63  }
0x50: {  	_ =	swait.ge [sflag:s17], $0x1680  }
0x51: {  	[sflag:s17] =	ssyncset.done $0x0  }
0x52: {  	s12 =	rddreg [dreg:$0xe];
	[sflag:s17] =	ssyncadd.s32 $0xFFFFE980  }
0x53: {  	[spmem:s12] =	stream.linear.scatter [tilespmem:s14], [sflag:$0x9], $0x1680, $0x38;
	[tilespmem:$0x1C800] =	vst v63  }
0x54: {  	_ =	swait.ge [sflag:s17], $0x1680  }
0x55: {  	[sflag:s17] =	ssyncset.done $0x0  }
0x56: {  	s22 =	rddreg [dreg:$0xf];
	[sflag:s17] =	ssyncadd.s32 $0xFFFFE980  }
0x57: {  	[spmem:s22] =	stream.linear.scatter [tilespmem:s14], [sflag:$0x9], $0x1680, $0x38;
	[tilespmem:$0x1C800] =	vst v63  }
0x58: {  	_ =	swait.ge [sflag:s17], $0x1680  }
0x59: {  	[sflag:s17] =	ssyncset.done $0x0  }
0x5a: {  	s23 =	rddreg [dreg:$0x10];
	[sflag:s17] =	ssyncadd.s32 $0xFFFFE980  }
0x5b: {  	[spmem:s23] =	stream.linear.scatter [tilespmem:s14], [sflag:$0x9], $0x1680, $0x38;
	[tilespmem:$0x1C800] =	vst v63  }
0x5c: {  	_ =	swait.ge [sflag:s17], $0x1680  }
0x5d: {  	[sflag:s17] =	ssyncset.done $0x0  }
0x5e: {  	s30 =	rddreg [dreg:$0x12];
	[sflag:s17] =	ssyncadd.s32 $0xFFFFE980  }
0x5f: {  	[spmem:s30] =	stream.linear.scatter [tilespmem:s14], [sflag:$0x9], $0x1680, $0x38;
	[tilespmem:$0x1C800] =	vst v63  }
0x60: {  	_ =	swait.ge [sflag:s17], $0x1680  }
0x61: {  	[sflag:s17] =	ssyncset.done $0x0  }
0x62: {  	s4 =	rddreg [dreg:$0x13];
	[sflag:s17] =	ssyncadd.s32 $0xFFFFE980  }
0x63: {  	[spmem:s4] =	stream.linear.scatter [tilespmem:s14], [sflag:$0x9], $0x1680, $0x38;
	[tilespmem:$0x1C800] =	vst v63  }
0x64: {  	_ =	swait.ge [sflag:s17], $0x1680  }
0x65: {  	[sflag:s17] =	ssyncset.done $0x0  }
0x66: {  	s12 =	rddreg [dreg:$0x14];
	[sflag:s17] =	ssyncadd.s32 $0xFFFFE980  }
0x67: {  	[spmem:s12] =	stream.linear.scatter [tilespmem:s14], [sflag:$0x9], $0x1680, $0x38;
	[tilespmem:$0x1C800] =	vst v63  }
0x68: {  	_ =	swait.ge [sflag:s17], $0x1680  }
0x69: {  	[sflag:s17] =	ssyncset.done $0x0  }
0x6a: {  	s22 =	rddreg [dreg:$0x15];
	[sflag:s17] =	ssyncadd.s32 $0xFFFFE980  }
0x6b: {  	[spmem:s22] =	stream.linear.scatter [tilespmem:s14], [sflag:$0x9], $0x1680, $0x38;
	[tilespmem:$0x1C800] =	vst v63  }
0x6c: {  	_ =	swait.ge [sflag:s17], $0x1680  }
0x6d: {  	[sflag:s17] =	ssyncset.done $0x0  }
0x6e: {  	s23 =	rddreg [dreg:$0x16];
	[sflag:s17] =	ssyncadd.s32 $0xFFFFE980  }
0x6f: {  	[spmem:s23] =	stream.linear.scatter [tilespmem:s14], [sflag:$0x9], $0x1680, $0x38;
	[tilespmem:$0x1C800] =	vst v63  }
0x70: {  	_ =	swait.ge [sflag:s17], $0x1680  }
0x71: {  	[sflag:s17] =	ssyncset.done $0x0  }
0x72: {  	s30 =	rddreg [dreg:$0x17];
	[sflag:s17] =	ssyncadd.s32 $0xFFFFE980  }
0x73: {  	[spmem:s30] =	stream.linear.scatter [tilespmem:s14], [sflag:$0x9], $0x1680, $0x38;
	[tilespmem:$0x1C800] =	vst v63  }
0x74: {  	_ =	swait.ge [sflag:s17], $0x1680  }
0x75: {  	[sflag:s17] =	ssyncset.done $0x0  }
0x76: {  	s4 =	rddreg [dreg:$0x18];
	[sflag:s17] =	ssyncadd.s32 $0xFFFFE980  }
0x77: {  	[spmem:s4] =	stream.linear.scatter [tilespmem:s14], [sflag:$0x9], $0x1680, $0x38;
	[tilespmem:$0x1C800] =	vst v63  }
0x78: {  	_ =	swait.ge [sflag:s17], $0x1680  }
0x79: {  	[sflag:s17] =	ssyncset.done $0x0  }
0x7a: {  	s12 =	rddreg [dreg:$0x19];
	[sflag:s17] =	ssyncadd.s32 $0xFFFFE980  }
0x7b: {  	[spmem:s12] =	stream.linear.scatter [tilespmem:s14], [sflag:$0x9], $0x1680, $0x38;
	[tilespmem:$0x1C800] =	vst v63  }
0x7c: {  	_ =	swait.ge [sflag:s17], $0x1680  }
0x7d: {  	[sflag:s17] =	ssyncset.done $0x0  }
0x7e: {  	s22 =	rddreg [dreg:$0x1a];
	[sflag:s17] =	ssyncadd.s32 $0xFFFFE980  }
0x7f: {  	[spmem:s22] =	stream.linear.scatter [tilespmem:s14], [sflag:$0x9], $0x1680, $0x38;
	[tilespmem:$0x1C800] =	vst v63  }
0x80: {  	_ =	swait.ge [sflag:s17], $0x1680  }
0x81: {  	[sflag:s17] =	ssyncset.done $0x0  }
0x82: {  	s23 =	rddreg [dreg:$0x1b];
	[sflag:s17] =	ssyncadd.s32 $0xFFFFE980  }
0x83: {  	[spmem:s23] =	stream.linear.scatter [tilespmem:s14], [sflag:$0x9], $0x1680, $0x38;
	[tilespmem:$0x1C800] =	vst v63  }
0x84: {  	_ =	swait.ge [sflag:s17], $0x1680  }
0x85: {  	[sflag:s17] =	ssyncset.done $0x0  }
0x86: {  	[sflag:s17] =	ssyncadd.s32 $0xFFFFE980  }
0x87: {  	[bflag:$0x0] =	sbarrier.arrive $0xFFFF  }
0x88: {  	s4 =	simm.s32 $0x5FF0;
	s12 =	simm.s32 $0x0;
	s30 =	rddreg [dreg:$0x4]  }
0x89: {  	[tilespmem:s4], [sflag:$0x9] =	stream.linear.gather [hbm4b:s30+s12], $0x10, $0x38;
	[tilespmem:$0x1C800] =	vst v63  }
0x8a: {  	_ =	swait.ge [sflag:s17], $0x10  }
0x8b: {  	[sflag:s17] =	ssyncset.done $0x0  }
0x8c: {  	s22 =	rddreg [dreg:$0x5];
	[sflag:s17] =	ssyncadd.s32 $0xFFFFFFF0  }
0x8d: {  	v9 =	vld [tilespmem:$0x5FF0];
	[tilespmem:s12], [sflag:$0x1] =	stream.linear.gather [hbm4b:s22+s12], $0x28, $0x38  }
0x8e: {  	s0 =	rddreg [dreg:$0x6]  }
0x8f: {  	[tilespmem:s19], [sflag:$0x1] =	stream.linear.gather [hbm4b:s0+s12], $0x28, $0x38;
	[tilespmem:$0x1C800] =	vst v63  }
0x90: {  	_ =	swait.ge [sflag:s20], $0x28  }
0x91: {  	[sflag:s20] =	ssyncset.done $0x0  }
0x92: {  	[sflag:s20] =	ssyncadd.s32 $0xFFFFFFD8  }
0x93: {  	_ =	swait.ge [sflag:s20], $0x28  }
0x94: {  	[sflag:s20] =	ssyncset.done $0x0  }
0x95: {  	s23 =	simm.s32 $0xF0;
	[sflag:s20] =	ssyncadd.s32 $0xFFFFFFD8  }
0x96: {  	[tilespmem:s23], [sflag:$0x3] =	stream.indirect.gather [hbm4b:s1+s21], $0x90, s12, s21, $0xb8;
	[tilespmem:$0x1C800] =	vst v63  }
0x97: {  	s30 =	simm.s32 $0x2DF0  }
0x98: {  	[tilespmem:s30], [sflag:$0x3] =	stream.indirect.gather [hbm4b:s6+s21], $0x10, s19, s21, $0xb8;
	[tilespmem:$0x1C800] =	vst v63  }
0x99: {  	s22 =	rddreg [dreg:$0x7]  }
0x9a: {  	[tilespmem:s21], [sflag:$0x2] =	stream.linear.gather [hbm4b:s22+s12], $0x28, $0x38;
	[tilespmem:$0x1C800] =	vst v63  }
0x9b: {  	s23 =	rddreg [dreg:$0x8]  }
0x9c: {  	[tilespmem:s24], [sflag:$0x2] =	stream.linear.gather [hbm4b:s23+s12], $0x28, $0x38;
	[tilespmem:$0x1C800] =	vst v63  }
0x9d: {  	_ = 	snop  }
0x9e: {  	[tilespmem:s25], [sflag:$0x7] =	stream.linear.gather [hbm4b:s0+s12], $0x28, $0x38;
	[tilespmem:$0x1C800] =	vst v63  }
0x9f: {  	_ = 	snop  }
0xa0: {  	[tilespmem:s26], [sflag:$0x8] =	stream.linear.gather [hbm4b:s0+s12], $0x28, $0x38;
	[tilespmem:$0x1C800] =	vst v63  }
0xa1: {  	_ =	swait.ge [sflag:s28], $0x28  }
0xa2: {  	[sflag:s28] =	ssyncset.done $0x0  }
0xa3: {  	[sflag:s28] =	ssyncadd.s32 $0xFFFFFFD8  }
0xa4: {  	_ =	swait.ge [sflag:s29], $0x28  }
0xa5: {  	[sflag:s29] =	ssyncset.done $0x0  }
0xa6: {  	[sflag:s29] =	ssyncadd.s32 $0xFFFFFFD8  }
0xa7: {  	[spmem:s3] =	stream.indirect.scatter.add.f32 [tilespmem:s14], [sflag:$0x5], $0x90, s25, s21, $0xb8;
	[tilespmem:$0x1C800] =	vst v63  }
0xa8: {  	s30 =	simm.s32 $0x4970;
	s0 =	simm.s32 $0x0  }
0xa9: {  	[spmem:s3] =	stream.indirect.scatter.add.f32 [tilespmem:s30], [sflag:$0x6], $0x90, s26, s21, $0xb8;
	[tilespmem:$0x1C800] =	vst v63  }
.LBB2_4:
0xaa: {  	_ =	swait.ge [sflag:s31], $0x28  }
0xab: {  	[sflag:s31] =	ssyncset.done $0x0  }
0xac: {  	[sflag:s31] =	ssyncadd.s32 $0xFFFFFFD8  }
0xad: {  	_ =	swait.ge [sflag:s31], $0x28  }
0xae: {  	[sflag:s31] =	ssyncset.done $0x0  }
0xaf: {  	s4 =	simm.s32 $0x1770;
	[sflag:s31] =	ssyncadd.s32 $0xFFFFFFD8  }
0xb0: {  	[tilespmem:s4], [sflag:$0x4] =	stream.indirect.gather [hbm4b:s1+s21], $0x90, s21, s21, $0xb8;
	[tilespmem:$0x1C800] =	vst v63  }
0xb1: {  	s23 =	simm.s32 $0x3070  }
0xb2: {  	[tilespmem:s23], [sflag:$0x4] =	stream.indirect.gather [hbm4b:s6+s21], $0x10, s24, s21, $0xb8;
	[tilespmem:$0x1C800] =	vst v63  }
0xb3: {  	_ =	swait.ge [sflag:s9], $0x1680  }
0xb4: {  	[sflag:s9] =	ssyncset.done $0x0  }
0xb5: {  	[sflag:s9] =	ssyncadd.s32 $0xFFFFE980  }
0xb6: {  	_ =	swait.ge [sflag:s9], $0x280  }
0xb7: {  	s22 =	smul.u32 $0x50, s0;
	[sflag:s9] =	ssyncset.done $0x0  }
0xb8: {  	[sflag:s9] =	ssyncadd.s32 $0xFFFFFD80  }
0xb9: {  	s30 =	sadd.s32 s8, s22;
	_ =	swait.ge [sflag:s11], $0x1680  }
0xba: {  	s4 =	sshrl.u32 s30, $0x3;
	[sflag:s11] =	ssyncset.done $0x0  }
0xbb: {  	s4 =	sadd.s32 s2, s4;
	[sflag:s11] =	ssyncadd.s32 $0xFFFFE980  }
0xbc: {  	[tilespmem:s25], [sflag:$0x7] =	stream.linear.gather [hbm4b:s4+s12], $0x28, $0x38;
	[tilespmem:$0x1C800] =	vst v63  }
0xbd: {  	s23 =	simm.s32 $0x0;
	s4 =	simm.s32 $0x2E00  }
.LBB2_5:
0xbe: {  	s30 =	sshra.s32 s23, $0x2;
	v11 =	vld [tilespmem:s4+$0xFFFFFFF0]  }
0xbf: {  	v10 =	vld [tilespmem:s30+$0x170];
	_ =	sdelay $0x4  }
0xc0: {  	v10 =	vadd.f32 v11, v10;
	_ =	sdelay $0x1  }
0xc1: {  	v11 =	vmul.f32 $2.000000030e-01, v10;
	_ =	sdelay $0x1  }
0xc2: {  	v12 =	vld [tilespmem:s4+$0x0];
	v10 =	vmax.f32 v10, v11  }
0xc3: {  	v11 =	vld [tilespmem:s30+$0x200];
	v10 =	vsub.f32 v10, v9;
	_ =	sdelay $0x1  }
0xc4: {  	v10 =	vmul.f32 $1.442695020e+00, v10;
	_ =	sdelay $0x1  }
0xc5: {  	(erf) = vpow2.f32 v10  }
0xc6: {  	v10 =	vadd.f32 v12, v11;
	_ =	sdelay $0x1  }
0xc7: {  	v11 =	vmul.f32 $2.000000030e-01, v10;
	_ =	sdelay $0x1  }
0xc8: {  	v10 =	vmax.f32 v10, v11  }
0xc9: {  	v10 =	vsub.f32 v10, v9;
	_ =	sdelay $0x1  }
0xca: {  	v10 =	vmul.f32 $1.442695020e+00, v10  }
0xcb: {  	v11 =	vpop (erf)  }
0xcc: {  	(erf) = vpow2.f32 v10;
	v20 =	vmul.f32 v1, v11  }
0xcd: {  	v10 =	vmul.f32 v2, v11  }
0xce: {  	(xrf2) =	vadd.scan.msk.f32 $0xffff, v20  }
0xcf: {  	(xrf2) =	vadd.scan.msk.f32 $0xffff, v10;
	v10 =	vmul.f32 v3, v11  }
0xd0: {  	v21 =	vmul.f32 v4, v11  }
0xd1: {  	(xrf2) =	vadd.scan.msk.f32 $0xffff, v10;
	v10 =	vmul.f32 v5, v11  }
0xd2: {  	v22 =	vmul.f32 v6, v11;
	(xrf2) =	vadd.scan.msk.f32 $0xffff, v21  }
0xd3: {  	(xrf2) =	vadd.scan.msk.f32 $0xffff, v10;
	v10 =	vmul.f32 v7, v11  }
0xd4: {  	v23 =	vmul.f32 v8, v11;
	(xrf2) =	vadd.scan.msk.f32 $0xffff, v22  }
0xd5: {  	v13 =	vpop (erf);
	(xrf2) =	vadd.scan.msk.f32 $0xffff, v10  }
0xd6: {  	v24 =	vmul.f32 v1, v13;
	(xrf2) =	vadd.scan.msk.f32 $0xffff, v23  }
0xd7: {  	v16 =	vmul.f32 v2, v13  }
0xd8: {  	v10 =	vld [tilespmem:s30+$0x100];
	v25 =	vmul.f32 v3, v13;
	v15, _, _ =	vpop (xrf2);
	(xrf2) =	vadd.scan.msk.f32 $0xffff, v24  }
0xd9: {  	v14 =	vld [tilespmem:s30+$0xF0];
	v26 =	vmul.f32 v4, v13;
	v17, _, _ =	vpop (xrf2);
	(xrf2) =	vadd.scan.msk.f32 $0xffff, v16  }
0xda: {  	v27 =	vld [tilespmem:s30+$0x120];
	v28 =	vmul.f32 v5, v13;
	v30 =	vmul.f32 v6, v13;
	(xrf2) =	vadd.scan.msk.f32 $0xffff, v25  }
0xdb: {  	v18 =	vld [tilespmem:s30+$0x110];
	v31 =	vmul.f32 v7, v13;
	v17 =	vbroadcast v17, $0xF;
	v29, _, _ =	vpop (xrf2);
	(xrf2) =	vadd.scan.msk.f32 $0xffff, v26  }
0xdc: {  	v21 =	vld [tilespmem:s30+$0x140];
	v33 =	vmul.f32 v8, v13;
	v15 =	vbroadcast v15, $0xF;
	v20, _, _ =	vpop (xrf2);
	(xrf2) =	vadd.scan.msk.f32 $0xffff, v28  }
0xdd: {  	v19 =	vld [tilespmem:s30+$0x130];
	[tilespmem:s30+$0x3370] =	vst v11;
	v10 =	vmul.f32 v17, v10;
	v11 =	vbroadcast v20, $0xF;
	v32, _, _ =	vpop (xrf2);
	(xrf2) =	vadd.scan.msk.f32 $0xffff, v30  }
0xde: {  	v37 =	vld [tilespmem:s30+$0x160];
	[tilespmem:s30+$0x3400] =	vst v13;
	v14 =	vmul.f32 v15, v14;
	v17 =	vbroadcast v29, $0xF;
	v36, _, _ =	vpop (xrf2);
	(xrf2) =	vadd.scan.msk.f32 $0xffff, v31  }
0xdf: {  	v22 =	vld [tilespmem:s30+$0x150];
	[tilespmem:s30+$0x3300] =	vst v10;
	v10 =	vmul.f32 v11, v27;
	v11 =	vbroadcast v36, $0xF;
	v38, _, _ =	vpop (xrf2);
	(xrf2) =	vadd.scan.msk.f32 $0xffff, v33  }
0xe0: {  	v41 =	vld [tilespmem:s30+$0x180];
	[tilespmem:s30+$0x32F0] =	vst v14;
	v34 =	vmul.f32 v17, v18;
	v35 =	vbroadcast v32, $0xF;
	v39, _, _ =	vpop (xrf2)  }
0xe1: {  	v42 =	vld [tilespmem:s30+$0x190];
	[tilespmem:s30+$0x3320] =	vst v10;
	v10 =	vmul.f32 v21, v11;
	v11 =	vbroadcast v39, $0xF  }
0xe2: {  	v45 =	vld [tilespmem:s30+$0x1A0];
	[tilespmem:s30+$0x3310] =	vst v34;
	v40 =	vmul.f32 v19, v35;
	v15 =	vbroadcast v38, $0xF;
	v43, _, _ =	vpop (xrf2)  }
0xe3: {  	v47 =	vld [tilespmem:s30+$0x1B0];
	v46, _, _ =	vpop (xrf2);
	[tilespmem:s30+$0x3340] =	vst v10;
	v10 =	vmul.f32 v37, v11;
	v11 =	vbroadcast v43, $0xF  }
0xe4: {  	v50 =	vld [tilespmem:s30+$0x1C0];
	[tilespmem:s30+$0x3330] =	vst v40;
	v44 =	vmul.f32 v22, v15;
	v48, _, _ =	vpop (xrf2);
	v49 =	vbroadcast v46, $0xF  }
0xe5: {  	v52 =	vld [tilespmem:s30+$0x1D0];
	v51, _, _ =	vpop (xrf2);
	[tilespmem:s30+$0x3360] =	vst v10;
	v10 =	vmul.f32 v41, v11;
	v11 =	vbroadcast v48, $0xF  }
0xe6: {  	v56 =	vld [tilespmem:s30+$0x1E0];
	[tilespmem:s30+$0x3350] =	vst v44;
	v53, _, _ =	vpop (xrf2);
	v54 =	vmul.f32 v42, v49;
	v55 =	vbroadcast v51, $0xF  }
0xe7: {  	v58 =	vld [tilespmem:s30+$0x1F0];
	v57, _, _ =	vpop (xrf2);
	[tilespmem:s30+$0x3380] =	vst v10;
	v10 =	vmul.f32 v45, v11;
	v11 =	vbroadcast v53, $0xF  }
0xe8: {  	v59, _, _ =	vpop (xrf2);
	[tilespmem:s30+$0x3390] =	vst v54;
	v12 =	vmul.f32 v47, v55;
	v60 =	vbroadcast v57, $0xF  }
0xe9: {  	p0 =	sne.s32 s23, $0x5580;
	[tilespmem:s30+$0x33A0] =	vst v10;
	v10 =	vmul.f32 v50, v11;
	v11 =	vbroadcast v59, $0xF;
	v61, _, _ =	vpop (xrf2)  }
.Ltmp1:
0xea: {  	[tilespmem:s30+$0x33B0] =	vst v12;
	v62 =	vmul.f32 v52, v60;
	v63 =	vbroadcast v61, $0xF;
	(pc) =	sbr.rel @p0 .LBB2_5-.Ltmp1, $4  }
0xeb: {  	[tilespmem:s30+$0x33C0] =	vst v10;
	v10 =	vmul.f32 v56, v11  }
0xec: {  	[tilespmem:s30+$0x33D0] =	vst v62;
	v11 =	vmul.f32 v58, v63  }
0xed: {  	[tilespmem:s30+$0x33E0] =	vst v10  }
0xee: {  	s4 =	sadd.s32 $0x20, s4;
	s23 =	sadd.s32 $0x480, s23;
	[tilespmem:s30+$0x33F0] =	vst v11  }
0xef: {  	s4 =	sshll.u32 s0, $0x1;
	_ =	swait.ge [sflag:s28], $0x28  }
0xf0: {  	[sflag:s28] =	ssyncset.done $0x0;
	s23 =	smin.u32 s4, $0xF7  }
0xf1: {  	s14 =	simm.s32 $0x32F0;
	[sflag:s28] =	ssyncadd.s32 $0xFFFFFFD8;
	s23 =	smul.u32 $0x28, s23  }
0xf2: {  	[spmem:s3] =	stream.indirect.scatter.add.f32 [tilespmem:s14], [sflag:$0x5], $0x90, s25, s21, $0xb8;
	[tilespmem:$0x1C800] =	vst v63  }
0xf3: {  	s23 =	sadd.s32 s23, s15  }
0xf4: {  	s30 =	sshrl.u32 s23, $0x3  }
0xf5: {  	s23 =	simm.s32 $0x0;
	s14 =	sadd.s32 s7, s30  }
0xf6: {  	[tilespmem:s23], [sflag:$0x1] =	stream.linear.gather [hbm4b:s14+s23], $0x28, $0x38;
	[tilespmem:$0x1C800] =	vst v63  }
0xf7: {  	s30 =	sadd.s32 s2, s30  }
0xf8: {  	[tilespmem:s19], [sflag:$0x1] =	stream.linear.gather [hbm4b:s30+s23], $0x28, $0x38;
	[tilespmem:$0x1C800] =	vst v63  }
0xf9: {  	_ =	swait.ge [sflag:s20], $0x28  }
0xfa: {  	[sflag:s20] =	ssyncset.done $0x0  }
0xfb: {  	[sflag:s20] =	ssyncadd.s32 $0xFFFFFFD8  }
0xfc: {  	_ =	swait.ge [sflag:s20], $0x28  }
0xfd: {  	[sflag:s20] =	ssyncset.done $0x0  }
0xfe: {  	s30 =	simm.s32 $0xF0;
	[sflag:s20] =	ssyncadd.s32 $0xFFFFFFD8  }
0xff: {  	[tilespmem:s30], [sflag:$0x3] =	stream.indirect.gather [hbm4b:s1+s21], $0x90, s23, s21, $0xb8;
	[tilespmem:$0x1C800] =	vst v63  }
0x100: {  	s30 =	simm.s32 $0x2DF0  }
0x101: {  	[tilespmem:s30], [sflag:$0x3] =	stream.indirect.gather [hbm4b:s6+s21], $0x10, s19, s21, $0xb8;
	[tilespmem:$0x1C800] =	vst v63  }
0x102: {  	_ =	swait.ge [sflag:s13], $0x1680  }
0x103: {  	[sflag:s13] =	ssyncset.done $0x0  }
0x104: {  	[sflag:s13] =	ssyncadd.s32 $0xFFFFE980  }
0x105: {  	_ =	swait.ge [sflag:s13], $0x280  }
0x106: {  	[sflag:s13] =	ssyncset.done $0x0  }
0x107: {  	[sflag:s13] =	ssyncadd.s32 $0xFFFFFD80  }
0x108: {  	s30 =	sadd.s32 s22, s10;
	_ =	swait.ge [sflag:s18], $0x1680  }
0x109: {  	s14 =	sshrl.u32 s30, $0x3;
	[sflag:s18] =	ssyncset.done $0x0  }
0x10a: {  	s22 =	simm.s32 $0x3080;
	s14 =	sadd.s32 s2, s14;
	[sflag:s18] =	ssyncadd.s32 $0xFFFFE980  }
0x10b: {  	[tilespmem:s26], [sflag:$0x8] =	stream.linear.gather [hbm4b:s14+s23], $0x28, $0x38;
	[tilespmem:$0x1C800] =	vst v63  }
.LBB2_7:
0x10c: {  	s30 =	sshra.s32 s23, $0x2;
	v11 =	vld [tilespmem:s22+$0xFFFFFFF0]  }
0x10d: {  	v10 =	vld [tilespmem:s30+$0x17F0];
	_ =	sdelay $0x4  }
0x10e: {  	v10 =	vadd.f32 v11, v10;
	_ =	sdelay $0x1  }
0x10f: {  	v11 =	vmul.f32 $2.000000030e-01, v10;
	_ =	sdelay $0x1  }
0x110: {  	v12 =	vld [tilespmem:s22+$0x0];
	v10 =	vmax.f32 v10, v11  }
0x111: {  	v11 =	vld [tilespmem:s30+$0x1880];
	v10 =	vsub.f32 v10, v9;
	_ =	sdelay $0x1  }
0x112: {  	v10 =	vmul.f32 $1.442695020e+00, v10;
	_ =	sdelay $0x1  }
0x113: {  	(erf) = vpow2.f32 v10  }
0x114: {  	v10 =	vadd.f32 v12, v11;
	_ =	sdelay $0x1  }
0x115: {  	v11 =	vmul.f32 $2.000000030e-01, v10;
	_ =	sdelay $0x1  }
0x116: {  	v10 =	vmax.f32 v10, v11  }
0x117: {  	v10 =	vsub.f32 v10, v9;
	_ =	sdelay $0x1  }
0x118: {  	v10 =	vmul.f32 $1.442695020e+00, v10  }
0x119: {  	v11 =	vpop (erf)  }
0x11a: {  	(erf) = vpow2.f32 v10;
	v20 =	vmul.f32 v1, v11  }
0x11b: {  	v10 =	vmul.f32 v2, v11  }
0x11c: {  	(xrf2) =	vadd.scan.msk.f32 $0xffff, v20  }
0x11d: {  	(xrf2) =	vadd.scan.msk.f32 $0xffff, v10;
	v10 =	vmul.f32 v3, v11  }
0x11e: {  	v21 =	vmul.f32 v4, v11  }
0x11f: {  	(xrf2) =	vadd.scan.msk.f32 $0xffff, v10;
	v10 =	vmul.f32 v5, v11  }
0x120: {  	v22 =	vmul.f32 v6, v11;
	(xrf2) =	vadd.scan.msk.f32 $0xffff, v21  }
0x121: {  	(xrf2) =	vadd.scan.msk.f32 $0xffff, v10;
	v10 =	vmul.f32 v7, v11  }
0x122: {  	v23 =	vmul.f32 v8, v11;
	(xrf2) =	vadd.scan.msk.f32 $0xffff, v22  }
0x123: {  	v13 =	vpop (erf);
	(xrf2) =	vadd.scan.msk.f32 $0xffff, v10  }
0x124: {  	v24 =	vmul.f32 v1, v13;
	(xrf2) =	vadd.scan.msk.f32 $0xffff, v23  }
0x125: {  	v16 =	vmul.f32 v2, v13  }
0x126: {  	v10 =	vld [tilespmem:s30+$0x1780];
	v25 =	vmul.f32 v3, v13;
	v15, _, _ =	vpop (xrf2);
	(xrf2) =	vadd.scan.msk.f32 $0xffff, v24  }
0x127: {  	v14 =	vld [tilespmem:s30+$0x1770];
	v26 =	vmul.f32 v4, v13;
	v17, _, _ =	vpop (xrf2);
	(xrf2) =	vadd.scan.msk.f32 $0xffff, v16  }
0x128: {  	v27 =	vld [tilespmem:s30+$0x17A0];
	v28 =	vmul.f32 v5, v13;
	v30 =	vmul.f32 v6, v13;
	(xrf2) =	vadd.scan.msk.f32 $0xffff, v25  }
0x129: {  	v18 =	vld [tilespmem:s30+$0x1790];
	v31 =	vmul.f32 v7, v13;
	v17 =	vbroadcast v17, $0xF;
	v29, _, _ =	vpop (xrf2);
	(xrf2) =	vadd.scan.msk.f32 $0xffff, v26  }
0x12a: {  	v21 =	vld [tilespmem:s30+$0x17C0];
	v33 =	vmul.f32 v8, v13;
	v15 =	vbroadcast v15, $0xF;
	v20, _, _ =	vpop (xrf2);
	(xrf2) =	vadd.scan.msk.f32 $0xffff, v28  }
0x12b: {  	v19 =	vld [tilespmem:s30+$0x17B0];
	[tilespmem:s30+$0x49F0] =	vst v11;
	v10 =	vmul.f32 v17, v10;
	v11 =	vbroadcast v20, $0xF;
	v32, _, _ =	vpop (xrf2);
	(xrf2) =	vadd.scan.msk.f32 $0xffff, v30  }
0x12c: {  	v37 =	vld [tilespmem:s30+$0x17E0];
	[tilespmem:s30+$0x4A80] =	vst v13;
	v14 =	vmul.f32 v15, v14;
	v17 =	vbroadcast v29, $0xF;
	v36, _, _ =	vpop (xrf2);
	(xrf2) =	vadd.scan.msk.f32 $0xffff, v31  }
0x12d: {  	v22 =	vld [tilespmem:s30+$0x17D0];
	[tilespmem:s30+$0x4980] =	vst v10;
	v10 =	vmul.f32 v11, v27;
	v11 =	vbroadcast v36, $0xF;
	v38, _, _ =	vpop (xrf2);
	(xrf2) =	vadd.scan.msk.f32 $0xffff, v33  }
0x12e: {  	v41 =	vld [tilespmem:s30+$0x1800];
	[tilespmem:s30+$0x4970] =	vst v14;
	v34 =	vmul.f32 v17, v18;
	v35 =	vbroadcast v32, $0xF;
	v39, _, _ =	vpop (xrf2)  }
0x12f: {  	v42 =	vld [tilespmem:s30+$0x1810];
	[tilespmem:s30+$0x49A0] =	vst v10;
	v10 =	vmul.f32 v21, v11;
	v11 =	vbroadcast v39, $0xF  }
0x130: {  	v45 =	vld [tilespmem:s30+$0x1820];
	[tilespmem:s30+$0x4990] =	vst v34;
	v40 =	vmul.f32 v19, v35;
	v15 =	vbroadcast v38, $0xF;
	v43, _, _ =	vpop (xrf2)  }
0x131: {  	v47 =	vld [tilespmem:s30+$0x1830];
	v46, _, _ =	vpop (xrf2);
	[tilespmem:s30+$0x49C0] =	vst v10;
	v10 =	vmul.f32 v37, v11;
	v11 =	vbroadcast v43, $0xF  }
0x132: {  	v50 =	vld [tilespmem:s30+$0x1840];
	[tilespmem:s30+$0x49B0] =	vst v40;
	v44 =	vmul.f32 v22, v15;
	v48, _, _ =	vpop (xrf2);
	v49 =	vbroadcast v46, $0xF  }
0x133: {  	v52 =	vld [tilespmem:s30+$0x1850];
	v51, _, _ =	vpop (xrf2);
	[tilespmem:s30+$0x49E0] =	vst v10;
	v10 =	vmul.f32 v41, v11;
	v11 =	vbroadcast v48, $0xF  }
0x134: {  	v56 =	vld [tilespmem:s30+$0x1860];
	[tilespmem:s30+$0x49D0] =	vst v44;
	v53, _, _ =	vpop (xrf2);
	v54 =	vmul.f32 v42, v49;
	v55 =	vbroadcast v51, $0xF  }
0x135: {  	v58 =	vld [tilespmem:s30+$0x1870];
	v57, _, _ =	vpop (xrf2);
	[tilespmem:s30+$0x4A00] =	vst v10;
	v10 =	vmul.f32 v45, v11;
	v11 =	vbroadcast v53, $0xF  }
0x136: {  	v59, _, _ =	vpop (xrf2);
	[tilespmem:s30+$0x4A10] =	vst v54;
	v12 =	vmul.f32 v47, v55;
	v60 =	vbroadcast v57, $0xF  }
0x137: {  	p0 =	sne.s32 s23, $0x5580;
	[tilespmem:s30+$0x4A20] =	vst v10;
	v10 =	vmul.f32 v50, v11;
	v11 =	vbroadcast v59, $0xF;
	v61, _, _ =	vpop (xrf2)  }
.Ltmp2:
0x138: {  	[tilespmem:s30+$0x4A30] =	vst v12;
	v62 =	vmul.f32 v52, v60;
	v63 =	vbroadcast v61, $0xF;
	(pc) =	sbr.rel @p0 .LBB2_7-.Ltmp2, $4  }
0x139: {  	[tilespmem:s30+$0x4A40] =	vst v10;
	v10 =	vmul.f32 v56, v11  }
0x13a: {  	[tilespmem:s30+$0x4A50] =	vst v62;
	v11 =	vmul.f32 v58, v63  }
0x13b: {  	[tilespmem:s30+$0x4A60] =	vst v10  }
0x13c: {  	s22 =	sadd.s32 $0x20, s22;
	s23 =	sadd.s32 $0x480, s23;
	[tilespmem:s30+$0x4A70] =	vst v11  }
0x13d: {  	_ =	swait.ge [sflag:s29], $0x28  }
0x13e: {  	s4 =	smin.u32 s4, $0xF6;
	s14 =	simm.s32 $0x4970;
	[sflag:s29] =	ssyncset.done $0x0  }
0x13f: {  	s0 =	sadd.s32 $0x1, s0;
	s4 =	smul.u32 $0x28, s4;
	[sflag:s29] =	ssyncadd.s32 $0xFFFFFFD8  }
0x140: {  	[spmem:s3] =	stream.indirect.scatter.add.f32 [tilespmem:s14], [sflag:$0x6], $0x90, s26, s21, $0xb8;
	[tilespmem:$0x1C800] =	vst v63  }
0x141: {  	p0 =	sne.s32 s0, $0x7D;
	s4 =	sadd.s32 s4, s16  }
.Ltmp3:
0x142: {  	s4 =	sshrl.u32 s4, $0x3;
	(pc) =	sbr.rel @p0 .LBB2_4-.Ltmp3, $4  }
0x143: {  	s30 =	sadd.s32 s7, s4  }
0x144: {  	[tilespmem:s21], [sflag:$0x2] =	stream.linear.gather [hbm4b:s30+s5], $0x28, $0x38;
	[tilespmem:$0x1C800] =	vst v63  }
0x145: {  	s4 =	sadd.s32 s2, s4  }
0x146: {  	[tilespmem:s24], [sflag:$0x2] =	stream.linear.gather [hbm4b:s4+s5], $0x28, $0x38;
	[tilespmem:$0x1C800] =	vst v63  }
0x147: {  	_ =	swait.ge [sflag:s31], $0x28  }
0x148: {  	[sflag:s31] =	ssyncset.done $0x0  }
0x149: {  	[sflag:s31] =	ssyncadd.s32 $0xFFFFFFD8  }
0x14a: {  	_ =	swait.ge [sflag:s31], $0x28  }
0x14b: {  	[sflag:s31] =	ssyncset.done $0x0  }
0x14c: {  	[sflag:s31] =	ssyncadd.s32 $0xFFFFFFD8  }
0x14d: {  	_ =	swait.ge [sflag:s9], $0x1680  }
0x14e: {  	[sflag:s9] =	ssyncset.done $0x0  }
0x14f: {  	[sflag:s9] =	ssyncadd.s32 $0xFFFFE980  }
0x150: {  	_ =	swait.ge [sflag:s9], $0x280  }
0x151: {  	[sflag:s9] =	ssyncset.done $0x0  }
0x152: {  	[sflag:s9] =	ssyncadd.s32 $0xFFFFFD80  }
0x153: {  	_ =	swait.ge [sflag:s11], $0x1680  }
0x154: {  	[sflag:s11] =	ssyncset.done $0x0  }
0x155: {  	[sflag:s11] =	ssyncadd.s32 $0xFFFFE980  }
0x156: {  	_ =	swait.ge [sflag:s18], $0x1680  }
0x157: {  	[sflag:s18] =	ssyncset.done $0x0  }
0x158: {  	[sflag:s18] =	ssyncadd.s32 $0xFFFFE980  }
0x159: {  	s0 =	stileid.u32;
	[bflag:$0x0] =	sbarrier.arrive $0xFFFF  }
0x15a: {  	s0 =	sshll.u32 s0, $0x6;
	s4 =	rddreg [dreg:$0x9]  }
0x15b: {  	s0 =	sor.u32 $0x1C09, s0;
	s12 =	rddreg [dreg:$0x11]  }
0x15c: {  	[hbm:s4], [sflag:s0] =	dma.local [spmem:s12], $0x2D00  }
0x15d: {  	_ =	swait.ge [sflag:s17], $0x2D00  }
0x15e: {  	s23 =	rddreg [dreg:$0x1c]  }
0x15f: {  	s30 =	rddreg [dreg:$0xb];
	s4 =	sadd.s32 $0x1, s23  }
0x160: {  	p0 =	sne.s32 s4, s30  }
.Ltmp4:
0x161: {  	_ = 	snop;
	(pc) =	sbr.rel @p0 .LBB2_1-.Ltmp4, $3  }
0x162: {  	_ =	sdelay $0x1  }
0x163: {  	[sflag:s17] =	ssyncset.done $0x0  }
0x164: {  	[sflag:s17] =	ssyncadd.s32 $0xFFFFD300  }
0x165: {  	_ =	sfence.sel $0x180000  }
0x166: {  	[bflag:$0x0] =	sbarrier.arrive $0xFFFF  }
0x167: {  	_ =	strace $0x90000047  }
0x168: {  	s0 =	stileid.u32;
	[bflag:$0x2] =	sbarrier.arrive $0xFFFF  }
0x169: {  	p0 =	sne.s32 s0, $0x0;
	s0 =	rddreg [dreg:$0x3]  }
0x16a: {  	s0 =	sadd.s32 @!p0 $0x100000, s0  }
0x16b: {  	[sflag:s0] =	ssyncadd.tile.s32 @!p0 $0x1;
	_ =	shalt  }
.Lfunc_end2:
_tile_overlayer_lowered:
.L_overlay_start_2:
0x16c: {  	(tag) =	ssettag $0x2  }
0x16d: {  	s0 =	rddreg [dreg:$0x0];
	s2 =	stileid.u32  }
0x16e: {  	s1 =	rddreg [dreg:$0x1];
	p0 =	sne.s32 s2, $0x0  }
0x16f: {  	s3 =	rddreg [dreg:$0x2];
	[bflag:$0x3] =	sbarrier.arrive $0xFFFF;
	s2 =	simm.s32 @!p0 $0x1C09  }
0x170: {  	[timem:s3], [sflag:s2] =	dma.local @!p0 [hbm:s0], s1  }
0x171: {  	s0 =	simm.s32 @!p0 $0x9  }
0x172: {  	_ =	swait.ge @!p0 [sflag:s0], s1  }
0x173: {  	s1 =	ssub.s32 @!p0 $0x0, s1;
	[sflag:s0] =	ssyncset.done @!p0 $0x0  }
0x174: {  	[sflag:s0] =	ssyncadd.s32 @!p0 s1  }
0x175: {  	[bflag:$0x3] =	sbarrier.arrive $0xFFFF  }
0x176: {  	_ =	shalt  }

</sc_bundles>
